<compile_context>
chip_gen: v7x
topology: tpu7x:2x2x1
jax: 0.10.2.dev20260603
libtpu: 0.0.44.dev20260713+nightly
codegen_flags: <defaults>
</compile_context>

<pallas_src>
import functools

import jax
import jax.numpy as jnp
from jax import lax
from jax.experimental import pallas as pl
from jax.experimental.pallas import tpu as pltpu
from jax.experimental.pallas import tpu_sc as plsc

_B, _C, _N, _K = 1, 128, 10000, 32
_OUT = 128
_NTILES = 32
_CPT = _C // _NTILES
_CHUNK = 400
_NGROUPS = _CHUNK // 16
_NCHUNKS = _N // _CHUNK
_NEG = -1e30


_POS_PAIR = 0x7F7F7F7F
_NEG_PAIR = 0xFF7FFF7F - 0x100000000
_CPP = _CPT // 2


_SEG = 2000


def _sc_max_relative(xt, et):
    mesh = plsc.VectorSubcoreMesh(core_axis_name="c", subcore_axis_name="s")

    @functools.partial(
        pl.kernel,
        out_type=jax.ShapeDtypeStruct((_C // 2, _N), jnp.int32),
        mesh=mesh,
        scratch_types=[
            pltpu.VMEM((_CPP, _N), jnp.int32),
            pltpu.VMEM((2, 2, _K, _CHUNK), jnp.int32),
            pltpu.VMEM((2, _CPP, _CHUNK), jnp.int32),
            pltpu.VMEM((2 * _CPP, _SEG), jnp.float32),
            pltpu.SemaphoreType.DMA((2,)),
            pltpu.SemaphoreType.DMA((2,)),
        ],
        compiler_params=pltpu.CompilerParams(
            use_tc_tiling_on_sc=False, needs_layout_passes=False),
    )
    def sc_kernel(xt_hbm, et_hbm, out_hbm, xt_v, idx_v, out_v, row_v, sems,
                  osems):
        wid = lax.axis_index("s") * 2 + lax.axis_index("c")
        r0 = wid * _CPP

        def start_fetch(ci, buf):
            col = ci * _CHUNK
            pltpu.async_copy(
                et_hbm.at[0, :, pl.ds(col, _CHUNK)], idx_v.at[buf, 0],
                sems.at[buf])
            pltpu.async_copy(
                et_hbm.at[1, :, pl.ds(col, _CHUNK)], idx_v.at[buf, 1],
                sems.at[buf])

        def wait_fetch(buf):
            for h in range(2):
                pltpu.make_async_copy(
                    et_hbm.at[h, :, pl.ds(0, _CHUNK)], idx_v.at[buf, h],
                    sems.at[buf],
                ).wait()

        start_fetch(0, 0)

        for seg in range(_N // _SEG):
            s0 = seg * _SEG
            pltpu.sync_copy(
                xt_hbm.at[pl.ds(r0, _CPP), pl.ds(s0, _SEG)],
                row_v.at[pl.ds(0, _CPP)])
            pltpu.sync_copy(
                xt_hbm.at[pl.ds(_C // 2 + r0, _CPP), pl.ds(s0, _SEG)],
                row_v.at[pl.ds(_CPP, _CPP)])

            @plsc.parallel_loop(0, _SEG // 16)
            def pack_body(v):
                off = v * 16
                for cp in range(_CPP):
                    packed = plsc.pack(
                        row_v[cp, pl.ds(off, 16)],
                        row_v[_CPP + cp, pl.ds(off, 16)],
                        format=plsc.PackFormat.INTERLEAVED)
                    xt_v[cp, pl.ds(s0 + off, 16)] = plsc.bitcast(
                        packed, jnp.int32)

        def wait_out(buf):
            pltpu.make_async_copy(
                out_v.at[buf],
                out_hbm.at[pl.ds(0, _CPP), pl.ds(0, _CHUNK)],
                osems.at[buf],
            ).wait()

        def chunk_compute(ci, buf):
            col = ci * _CHUNK

            @pl.when(ci >= 2)
            def _():
                wait_out(buf)

            @plsc.parallel_loop(0, _NGROUPS)
            def group_body(g):
                base = g * 16
                neg = plsc.bitcast(
                    jnp.full((16,), _NEG_PAIR, jnp.int32), jnp.bfloat16)

                def k_body(k8, accs):
                    acc0, acc1 = accs
                    for kk8 in range(8):
                        kk = k8 * 8 + kk8
                        i0 = idx_v[buf, 0, kk, pl.ds(base, 16)]
                        i1 = idx_v[buf, 1, kk, pl.ds(base, 16)]
                        valid = i0 != i1
                        cap = plsc.bitcast(
                            jnp.where(valid, jnp.int32(_POS_PAIR),
                                      jnp.int32(_NEG_PAIR)),
                            jnp.bfloat16)
                        for cp in range(_CPP):
                            xj = plsc.bitcast(
                                plsc.load_gather(xt_v.at[cp], [i0]),
                                jnp.bfloat16)
                            xi = plsc.bitcast(
                                plsc.load_gather(xt_v.at[cp], [i1]),
                                jnp.bfloat16)
                            d = jnp.minimum(xj - xi, cap)
                            if cp == 0:
                                acc0 = jnp.maximum(acc0, d)
                            else:
                                acc1 = jnp.maximum(acc1, d)
                    return acc0, acc1

                accs = lax.fori_loop(0, _K // 8, k_body, (neg, neg))
                for cp in range(_CPP):
                    out_v[buf, cp, pl.ds(base, 16)] = plsc.bitcast(
                        accs[cp], jnp.int32)

            pltpu.async_copy(
                out_v.at[buf],
                out_hbm.at[pl.ds(r0, _CPP), pl.ds(col, _CHUNK)],
                osems.at[buf])

        def pair_body(p, carry):
            for b in range(2):
                ci = 2 * p + b

                @pl.when(ci < _NCHUNKS)
                def _():
                    @pl.when(ci + 1 < _NCHUNKS)
                    def _():
                        start_fetch(ci + 1, 1 - b)

                    wait_fetch(b)
                    chunk_compute(ci, b)

            return carry

        lax.fori_loop(0, (_NCHUNKS + 1) // 2, pair_body, 0)
        wait_out(0)
        wait_out(1)

    return sc_kernel(xt, et)


_BN = 2048


def _tc_xconv(xt, W1, b2):

    def body(w_ref, b_ref, x_ref, o_ref):
        o_ref[...] = jnp.dot(w_ref[...], x_ref[...],
                             preferred_element_type=jnp.float32) + b_ref[...]

    return pl.pallas_call(
        body,
        grid=(pl.cdiv(_N, _BN),),
        in_specs=[
            pl.BlockSpec((_OUT, _C), lambda i: (0, 0)),
            pl.BlockSpec((_OUT, 1), lambda i: (0, 0)),
            pl.BlockSpec((_C, _BN), lambda i: (0, i)),
        ],
        out_specs=pl.BlockSpec((_OUT, _BN), lambda i: (0, i)),
        out_shape=jax.ShapeDtypeStruct((_OUT, _N), jnp.float32),
    )(W1, b2, xt)


def _tc_mconv(p1, mp, W2):

    def body(w_ref, p_ref, m_ref, o_ref):
        words = m_ref[...]
        lo = lax.bitcast_convert_type(words << 16, jnp.float32)
        hi = lax.bitcast_convert_type(
            words & jnp.int32(-65536), jnp.float32)
        m_full = jnp.maximum(jnp.concatenate([lo, hi], axis=0), _NEG)
        acc = jnp.dot(w_ref[...], m_full,
                      preferred_element_type=jnp.float32)
        o_ref[...] = jnp.maximum(acc + p_ref[...], 0.0)

    return pl.pallas_call(
        body,
        grid=(pl.cdiv(_N, _BN),),
        in_specs=[
            pl.BlockSpec((_OUT, _C), lambda i: (0, 0)),
            pl.BlockSpec((_OUT, _BN), lambda i: (0, i)),
            pl.BlockSpec((_C // 2, _BN), lambda i: (0, i)),
        ],
        out_specs=pl.BlockSpec((_OUT, _BN), lambda i: (0, i)),
        out_shape=jax.ShapeDtypeStruct((_OUT, _N), jnp.float32),
    )(W2, p1, mp)


def kernel(x, x_0, W, b, edge_index):
    xt = x[0, :, :, 0]
    e2 = edge_index.astype(jnp.int32).reshape(2, _N, _K)
    et = jnp.transpose(e2, (0, 2, 1))
    m = _sc_max_relative(xt, et)
    p1 = _tc_xconv(xt, W[:, :_C], b.reshape(_OUT, 1))
    out = _tc_mconv(p1, m, W[:, _C:])
    return out[None, :, :, None]

# --- scband reference (transcript-rebuilt; emitter-appended) ---
"""Pipeline reference for scband-mrconv2d-6150393168687 (READ-ONLY COPY).

The authoritative reference and input builder live on the scoring server;
editing this copy changes nothing except your own understanding.
"""

import jax, jax.numpy as jnp
import numpy as np

B, C, N, K = 1, 128, 10000, 32
OUT = 128

def setup_inputs(seed: int = 0):
    key = jax.random.key(seed)
    k1, k2, k3, k4, k5 = jax.random.split(key, 5)
    x = jax.random.normal(k1, (B, C, N, 1), dtype=jnp.float32)
    x_0 = jax.random.normal(k2, (B, C, N, 1), dtype=jnp.float32)
    edge_index = jax.random.randint(k3, (2, B, N, K), 0, N)
    W = jax.random.normal(k4, (OUT, 2 * C), dtype=jnp.float32) * 0.05
    b = jax.random.normal(k5, (OUT,), dtype=jnp.float32) * 0.05
    return {"x": x, "x_0": x_0, "W": W, "b": b, "edge_index": edge_index}

def _batched_index_select(xt, idx):
    # xt: [B, C, N], idx: [B, N, K] -> [B, C, N, K]
    return jax.vmap(lambda xb, ib: jnp.take(xb, ib, axis=1))(xt, idx)

def reference(x, x_0, W, b, edge_index):
    # x: [B, C, N, 1]; x_0 unused by this module's forward (kept for signature parity)
    xt = x[..., 0]  # [B, C, N]
    e0 = edge_index[0]  # neighbor (src) idx [B, N, K]
    e1 = edge_index[1]  # center (dst) idx [B, N, K]
    x_i = _batched_index_select(xt, e1)  # [B, C, N, K]
    x_j = _batched_index_select(xt, e0)  # [B, C, N, K]
    diff = x_j - x_i
    # remove_self_loops: mask out edges where src == dst before max-relative reduce
    self_mask = (e0 == e1)[:, None, :, :]
    diff = jnp.where(self_mask, -1e30, diff)
    x_j_max = jnp.max(diff, axis=-1, keepdims=True)  # [B, C, N, 1]
    cat = jnp.concatenate([x, x_j_max], axis=1)  # [B, 2C, N, 1]
    # BasicConv2: 1x1 Conv2d(2C -> OUT) + bias + relu (norm=None)
    out = jnp.einsum('oc,bcnk->bonk', W, cat) + b[None, :, None, None]
    return jax.nn.relu(out)

if __name__ == "__main__":
    import jax
    _d = setup_inputs()
    print(jax.jit(kernel)(*tuple(_d.values())))

</pallas_src>

<mosaic_0001>
#map = affine_map<(d0, d1) -> (0, 0)>
#map1 = affine_map<(d0, d1) -> (0, 0, 0)>
module attributes {stable_mosaic.version = 14 : i64} {
  func.func @sc_kernel(%arg0: i32, %arg1: i32, %arg2: memref<128x10000xf32, #tpu.memory_space<hbm>>, %arg3: memref<2x32x10000xi32, #tpu.memory_space<hbm>>, %arg4: memref<64x10000xi32, #tpu.memory_space<hbm>>, %arg5: memref<2x10000xi32, #tpu.memory_space<vmem>>, %arg6: memref<2x2x32x400xi32, #tpu.memory_space<vmem>>, %arg7: memref<2x2x400xi32, #tpu.memory_space<vmem>>, %arg8: memref<4x2000xf32, #tpu.memory_space<vmem>>, %arg9: memref<2x!tpu.dma_semaphore, #tpu.memory_space<semaphore_mem>>, %arg10: memref<2x!tpu.dma_semaphore, #tpu.memory_space<semaphore_mem>>) attributes {dimension_semantics = [#tpu.dimension_semantics<core_parallel>, #tpu.dimension_semantics<subcore_parallel>], iteration_bounds = array<i64: 2, 16>, scalar_prefetch = 0 : i64, scratch_operands = 6 : i64, tpu.core_type = #tpu.core_type<sc_vector_subcore>, window_params = [{transform_indices = #map}, {transform_indices = #map1}, {transform_indices = #map}]} {
    %mul3A = arith.constant 2 : i32
    %mul3A_0 = arith.muli %arg1, %mul3A : i32
    %add3A = arith.addi %mul3A_0, %arg0 : i32
    %mul3A_1 = arith.constant 2 : i32
    %mul3A_2 = arith.muli %add3A, %mul3A_1 : i32
    %dma_start3A = arith.constant 0 : i32
    %dma_start3A_3 = arith.constant 0 : i32
    %dma_start3A_4 = arith.constant 0 : i32
    %dma_start3A_5 = arith.constant 0 : i32
    %dma_start3A_6 = arith.constant 0 : i32
    %dma_start3A_7 = arith.constant 0 : i32
    %dma_start3A_8 = tpu.memref_slice %arg6[%dma_start3A_3, %dma_start3A_4, %dma_start3A_6, %dma_start3A_7] : memref<2x2x32x400xi32, #tpu.memory_space<vmem>> -> memref<1x1x32x400xi32, #tpu.memory_space<vmem>>
    %dma_start3A_9 = tpu.memref_squeeze %dma_start3A_8 : memref<1x1x32x400xi32, #tpu.memory_space<vmem>> -> memref<32x400xi32, #tpu.memory_space<vmem>>
    %dma_start3A_10 = arith.constant 0 : i32
    %dma_start3A_11 = arith.constant 0 : i32
    %dma_start3A_12 = tpu.memref_slice %arg3[%dma_start3A, %dma_start3A_10, %dma_start3A_11] : memref<2x32x10000xi32, #tpu.memory_space<hbm>> -> memref<1x32x400xi32, #tpu.memory_space<hbm>>
    %dma_start3A_13 = tpu.memref_squeeze %dma_start3A_12 : memref<1x32x400xi32, #tpu.memory_space<hbm>> -> memref<32x400xi32, #tpu.memory_space<hbm>>
    %dma_start3A_14 = tpu.memref_slice %arg9[%dma_start3A_5] : memref<2x!tpu.dma_semaphore, #tpu.memory_space<semaphore_mem>> -> memref<1x!tpu.dma_semaphore, #tpu.memory_space<semaphore_mem>>
    %dma_start3A_15 = tpu.memref_squeeze %dma_start3A_14 : memref<1x!tpu.dma_semaphore, #tpu.memory_space<semaphore_mem>> -> memref<!tpu.dma_semaphore, #tpu.memory_space<semaphore_mem>>
    %dma_start3A_16 = arith.constant 0 : i32
    %dma_start3A_17 = arith.constant 0 : i32
    %dma_start3A_18 = tpu.memref_slice %arg6[%dma_start3A_3, %dma_start3A_4, %dma_start3A_16, %dma_start3A_17] : memref<2x2x32x400xi32, #tpu.memory_space<vmem>> -> memref<1x1x32x400xi32, #tpu.memory_space<vmem>>
    %dma_start3A_19 = tpu.memref_squeeze %dma_start3A_18 : memref<1x1x32x400xi32, #tpu.memory_space<vmem>> -> memref<32x400xi32, #tpu.memory_space<vmem>>
    %dma_start3A_20 = arith.constant 0 : i32
    %dma_start3A_21 = arith.constant 0 : i32
    %dma_start3A_22 = tpu.memref_slice %arg3[%dma_start3A, %dma_start3A_20, %dma_start3A_21] : memref<2x32x10000xi32, #tpu.memory_space<hbm>> -> memref<1x32x400xi32, #tpu.memory_space<hbm>>
    %dma_start3A_23 = tpu.memref_squeeze %dma_start3A_22 : memref<1x32x400xi32, #tpu.memory_space<hbm>> -> memref<32x400xi32, #tpu.memory_space<hbm>>
    tpu.enqueue_dma source(%dma_start3A_23 : memref<32x400xi32, #tpu.memory_space<hbm>>) target(%dma_start3A_19 : memref<32x400xi32, #tpu.memory_space<vmem>>) target_semaphore(%dma_start3A_15 : memref<!tpu.dma_semaphore, #tpu.memory_space<semaphore_mem>>)
    %dma_start3A_24 = arith.constant 1 : i32
    %dma_start3A_25 = arith.constant 0 : i32
    %dma_start3A_26 = arith.constant 1 : i32
    %dma_start3A_27 = arith.constant 0 : i32
    %dma_start3A_28 = arith.constant 0 : i32
    %dma_start3A_29 = arith.constant 0 : i32
    %dma_start3A_30 = tpu.memref_slice %arg6[%dma_start3A_25, %dma_start3A_26, %dma_start3A_28, %dma_start3A_29] : memref<2x2x32x400xi32, #tpu.memory_space<vmem>> -> memref<1x1x32x400xi32, #tpu.memory_space<vmem>>
    %dma_start3A_31 = tpu.memref_squeeze %dma_start3A_30 : memref<1x1x32x400xi32, #tpu.memory_space<vmem>> -> memref<32x400xi32, #tpu.memory_space<vmem>>
    %dma_start3A_32 = arith.constant 0 : i32
    %dma_start3A_33 = arith.constant 0 : i32
    %dma_start3A_34 = tpu.memref_slice %arg3[%dma_start3A_24, %dma_start3A_32, %dma_start3A_33] : memref<2x32x10000xi32, #tpu.memory_space<hbm>> -> memref<1x32x400xi32, #tpu.memory_space<hbm>>
    %dma_start3A_35 = tpu.memref_squeeze %dma_start3A_34 : memref<1x32x400xi32, #tpu.memory_space<hbm>> -> memref<32x400xi32, #tpu.memory_space<hbm>>
    %dma_start3A_36 = tpu.memref_slice %arg9[%dma_start3A_27] : memref<2x!tpu.dma_semaphore, #tpu.memory_space<semaphore_mem>> -> memref<1x!tpu.dma_semaphore, #tpu.memory_space<semaphore_mem>>
    %dma_start3A_37 = tpu.memref_squeeze %dma_start3A_36 : memref<1x!tpu.dma_semaphore, #tpu.memory_space<semaphore_mem>> -> memref<!tpu.dma_semaphore, #tpu.memory_space<semaphore_mem>>
    %dma_start3A_38 = arith.constant 0 : i32
    %dma_start3A_39 = arith.constant 0 : i32
    %dma_start3A_40 = tpu.memref_slice %arg6[%dma_start3A_25, %dma_start3A_26, %dma_start3A_38, %dma_start3A_39] : memref<2x2x32x400xi32, #tpu.memory_space<vmem>> -> memref<1x1x32x400xi32, #tpu.memory_space<vmem>>
    %dma_start3A_41 = tpu.memref_squeeze %dma_start3A_40 : memref<1x1x32x400xi32, #tpu.memory_space<vmem>> -> memref<32x400xi32, #tpu.memory_space<vmem>>
    %dma_start3A_42 = arith.constant 0 : i32
    %dma_start3A_43 = arith.constant 0 : i32
    %dma_start3A_44 = tpu.memref_slice %arg3[%dma_start3A_24, %dma_start3A_42, %dma_start3A_43] : memref<2x32x10000xi32, #tpu.memory_space<hbm>> -> memref<1x32x400xi32, #tpu.memory_space<hbm>>
    %dma_start3A_45 = tpu.memref_squeeze %dma_start3A_44 : memref<1x32x400xi32, #tpu.memory_space<hbm>> -> memref<32x400xi32, #tpu.memory_space<hbm>>
    tpu.enqueue_dma source(%dma_start3A_45 : memref<32x400xi32, #tpu.memory_space<hbm>>) target(%dma_start3A_41 : memref<32x400xi32, #tpu.memory_space<vmem>>) target_semaphore(%dma_start3A_37 : memref<!tpu.dma_semaphore, #tpu.memory_space<semaphore_mem>>)
    "tpu.region"() ({
      %run_scoped3A = tpu.sem_alloc : memref<!tpu.dma_semaphore, #tpu.memory_space<semaphore_mem>>
      %dma_start3A_110 = arith.constant 0 : i32
      %dma_start3A_111 = arith.constant 0 : i32
      %dma_start3A_112 = tpu.memref_slice %arg8[%dma_start3A_110, %dma_start3A_111] : memref<4x2000xf32, #tpu.memory_space<vmem>> -> memref<2x2000xf32, #tpu.memory_space<vmem>>
      %dma_start3A_113 = arith.constant 0 : i32
      %dma_start3A_114 = tpu.memref_slice %arg2[%mul3A_2, %dma_start3A_113] : memref<128x10000xf32, #tpu.memory_space<hbm>> -> memref<2x2000xf32, #tpu.memory_space<hbm>>
      %dma_start3A_115 = arith.constant 0 : i32
      %dma_start3A_116 = arith.constant 0 : i32
      %dma_start3A_117 = tpu.memref_slice %arg8[%dma_start3A_115, %dma_start3A_116] : memref<4x2000xf32, #tpu.memory_space<vmem>> -> memref<2x2000xf32, #tpu.memory_space<vmem>>
      %dma_start3A_118 = arith.constant 0 : i32
      %dma_start3A_119 = tpu.memref_slice %arg2[%mul3A_2, %dma_start3A_118] : memref<128x10000xf32, #tpu.memory_space<hbm>> -> memref<2x2000xf32, #tpu.memory_space<hbm>>
      tpu.enqueue_dma source(%dma_start3A_119 : memref<2x2000xf32, #tpu.memory_space<hbm>>) target(%dma_start3A_117 : memref<2x2000xf32, #tpu.memory_space<vmem>>) target_semaphore(%run_scoped3A : memref<!tpu.dma_semaphore, #tpu.memory_space<semaphore_mem>>)
      %dma_wait3A_120 = arith.constant 0 : i32
      %dma_wait3A_121 = arith.constant 0 : i32
      %dma_wait3A_122 = tpu.memref_slice %arg8[%dma_wait3A_120, %dma_wait3A_121] : memref<4x2000xf32, #tpu.memory_space<vmem>> -> memref<2x2000xf32, #tpu.memory_space<vmem>>
      %dma_wait3A_123 = arith.constant 0 : i32
      %dma_wait3A_124 = tpu.memref_slice %arg2[%mul3A_2, %dma_wait3A_123] : memref<128x10000xf32, #tpu.memory_space<hbm>> -> memref<2x2000xf32, #tpu.memory_space<hbm>>
      %dma_wait3A_125 = arith.constant 0 : i32
      %dma_wait3A_126 = arith.constant 0 : i32
      %dma_wait3A_127 = tpu.memref_slice %arg8[%dma_wait3A_125, %dma_wait3A_126] : memref<4x2000xf32, #tpu.memory_space<vmem>> -> memref<2x2000xf32, #tpu.memory_space<vmem>>
      %dma_wait3A_128 = arith.constant 0 : i32
      %dma_wait3A_129 = tpu.memref_slice %arg2[%mul3A_2, %dma_wait3A_128] : memref<128x10000xf32, #tpu.memory_space<hbm>> -> memref<2x2000xf32, #tpu.memory_space<hbm>>
      tpu.wait_dma2 semaphore(%run_scoped3A : memref<!tpu.dma_semaphore, #tpu.memory_space<semaphore_mem>>) src(%dma_wait3A_129 : memref<2x2000xf32, #tpu.memory_space<hbm>>) dst(%dma_wait3A_127 : memref<2x2000xf32, #tpu.memory_space<vmem>>)
      tpu.yield
    }) : () -> ()
    %add3A_46 = arith.constant 64 : i32
    %add3A_47 = arith.addi %add3A_46, %mul3A_2 : i32
    "tpu.region"() ({
      %run_scoped3A = tpu.sem_alloc : memref<!tpu.dma_semaphore, #tpu.memory_space<semaphore_mem>>
      %dma_start3A_110 = arith.constant 2 : i32
      %dma_start3A_111 = arith.constant 0 : i32
      %dma_start3A_112 = tpu.memref_slice %arg8[%dma_start3A_110, %dma_start3A_111] : memref<4x2000xf32, #tpu.memory_space<vmem>> -> memref<2x2000xf32, #tpu.memory_space<vmem>>
      %dma_start3A_113 = arith.constant 0 : i32
      %dma_start3A_114 = tpu.memref_slice %arg2[%add3A_47, %dma_start3A_113] : memref<128x10000xf32, #tpu.memory_space<hbm>> -> memref<2x2000xf32, #tpu.memory_space<hbm>>
      %dma_start3A_115 = arith.constant 2 : i32
      %dma_start3A_116 = arith.constant 0 : i32
      %dma_start3A_117 = tpu.memref_slice %arg8[%dma_start3A_115, %dma_start3A_116] : memref<4x2000xf32, #tpu.memory_space<vmem>> -> memref<2x2000xf32, #tpu.memory_space<vmem>>
      %dma_start3A_118 = arith.constant 0 : i32
      %dma_start3A_119 = tpu.memref_slice %arg2[%add3A_47, %dma_start3A_118] : memref<128x10000xf32, #tpu.memory_space<hbm>> -> memref<2x2000xf32, #tpu.memory_space<hbm>>
      tpu.enqueue_dma source(%dma_start3A_119 : memref<2x2000xf32, #tpu.memory_space<hbm>>) target(%dma_start3A_117 : memref<2x2000xf32, #tpu.memory_space<vmem>>) target_semaphore(%run_scoped3A : memref<!tpu.dma_semaphore, #tpu.memory_space<semaphore_mem>>)
      %dma_wait3A_120 = arith.constant 2 : i32
      %dma_wait3A_121 = arith.constant 0 : i32
      %dma_wait3A_122 = tpu.memref_slice %arg8[%dma_wait3A_120, %dma_wait3A_121] : memref<4x2000xf32, #tpu.memory_space<vmem>> -> memref<2x2000xf32, #tpu.memory_space<vmem>>
      %dma_wait3A_123 = arith.constant 0 : i32
      %dma_wait3A_124 = tpu.memref_slice %arg2[%add3A_47, %dma_wait3A_123] : memref<128x10000xf32, #tpu.memory_space<hbm>> -> memref<2x2000xf32, #tpu.memory_space<hbm>>
      %dma_wait3A_125 = arith.constant 2 : i32
      %dma_wait3A_126 = arith.constant 0 : i32
      %dma_wait3A_127 = tpu.memref_slice %arg8[%dma_wait3A_125, %dma_wait3A_126] : memref<4x2000xf32, #tpu.memory_space<vmem>> -> memref<2x2000xf32, #tpu.memory_space<vmem>>
      %dma_wait3A_128 = arith.constant 0 : i32
      %dma_wait3A_129 = tpu.memref_slice %arg2[%add3A_47, %dma_wait3A_128] : memref<128x10000xf32, #tpu.memory_space<hbm>> -> memref<2x2000xf32, #tpu.memory_space<hbm>>
      tpu.wait_dma2 semaphore(%run_scoped3A : memref<!tpu.dma_semaphore, #tpu.memory_space<semaphore_mem>>) src(%dma_wait3A_129 : memref<2x2000xf32, #tpu.memory_space<hbm>>) dst(%dma_wait3A_127 : memref<2x2000xf32, #tpu.memory_space<vmem>>)
      tpu.yield
    }) : () -> ()
    %parallel_loop3A = arith.constant 0 : i32
    %parallel_loop3A_48 = arith.constant 125 : i32
    %parallel_loop3A_49 = arith.constant 1 : i32
    scf.for %parallel_loop3A_110 = %parallel_loop3A to %parallel_loop3A_48 step %parallel_loop3A_49  : i32 {
      %parallel_loop3A_111 = arith.constant 16 : i32
      %parallel_loop3A_112 = arith.muli %parallel_loop3A_110, %parallel_loop3A_111 : i32
      %parallel_loop3A_113 = arith.constant 0 : i32
      %parallel_loop3A_114 = arith.index_cast %parallel_loop3A_113 : i32 to index
      %parallel_loop3A_115 = arith.index_cast %parallel_loop3A_112 : i32 to index
      %parallel_loop3A_116 = tpu.vector_load %arg8[%parallel_loop3A_114, %parallel_loop3A_115] {strides = array<i32>} : memref<4x2000xf32, #tpu.memory_space<vmem>>, vector<16xf32>,
      %parallel_loop3A_117 = arith.constant 2 : i32
      %parallel_loop3A_118 = arith.index_cast %parallel_loop3A_117 : i32 to index
      %parallel_loop3A_119 = arith.index_cast %parallel_loop3A_112 : i32 to index
      %parallel_loop3A_120 = tpu.vector_load %arg8[%parallel_loop3A_118, %parallel_loop3A_119] {strides = array<i32>} : memref<4x2000xf32, #tpu.memory_space<vmem>>, vector<16xf32>,
      %parallel_loop3A_121 = tpu.pack_subelements %parallel_loop3A_116, %parallel_loop3A_120 {pack_format = #tpu.pack_format<interleaved>, positions = array<i32: 0, 1>} : vector<16xf32>, vector<16xf32> -> vector<32xbf16>
      %parallel_loop3A_122 = vector.bitcast %parallel_loop3A_121 : vector<32xbf16> to vector<16xi32>
      %parallel_loop3A_123 = arith.constant 0 : i32
      %parallel_loop3A_124 = arith.addi %parallel_loop3A_123, %parallel_loop3A_112 : i32
      %parallel_loop3A_125 = arith.constant 0 : i32
      %parallel_loop3A_126 = arith.index_cast %parallel_loop3A_125 : i32 to index
      %parallel_loop3A_127 = arith.index_cast %parallel_loop3A_124 : i32 to index
      %parallel_loop3A_128 = tpu.vector_load %arg5[%parallel_loop3A_126, %parallel_loop3A_127] {strides = array<i32>} : memref<2x10000xi32, #tpu.memory_space<vmem>>, vector<16xi32>,
      tpu.vector_store %arg5[%parallel_loop3A_126, %parallel_loop3A_127], %parallel_loop3A_122 {strides = array<i32>} : memref<2x10000xi32, #tpu.memory_space<vmem>>, vector<16xi32>,
      %parallel_loop3A_129 = arith.constant 1 : i32
      %parallel_loop3A_130 = arith.index_cast %parallel_loop3A_129 : i32 to index
      %parallel_loop3A_131 = arith.index_cast %parallel_loop3A_112 : i32 to index
      %parallel_loop3A_132 = tpu.vector_load %arg8[%parallel_loop3A_130, %parallel_loop3A_131] {strides = array<i32>} : memref<4x2000xf32, #tpu.memory_space<vmem>>, vector<16xf32>,
      %parallel_loop3A_133 = arith.constant 3 : i32
      %parallel_loop3A_134 = arith.index_cast %parallel_loop3A_133 : i32 to index
      %parallel_loop3A_135 = arith.index_cast %parallel_loop3A_112 : i32 to index
      %parallel_loop3A_136 = tpu.vector_load %arg8[%parallel_loop3A_134, %parallel_loop3A_135] {strides = array<i32>} : memref<4x2000xf32, #tpu.memory_space<vmem>>, vector<16xf32>,
      %parallel_loop3A_137 = tpu.pack_subelements %parallel_loop3A_132, %parallel_loop3A_136 {pack_format = #tpu.pack_format<interleaved>, positions = array<i32: 0, 1>} : vector<16xf32>, vector<16xf32> -> vector<32xbf16>
      %parallel_loop3A_138 = vector.bitcast %parallel_loop3A_137 : vector<32xbf16> to vector<16xi32>
      %parallel_loop3A_139 = arith.constant 0 : i32
      %parallel_loop3A_140 = arith.addi %parallel_loop3A_139, %parallel_loop3A_112 : i32
      %parallel_loop3A_141 = arith.constant 1 : i32
      %parallel_loop3A_142 = arith.index_cast %parallel_loop3A_141 : i32 to index
      %parallel_loop3A_143 = arith.index_cast %parallel_loop3A_140 : i32 to index
      %parallel_loop3A_144 = tpu.vector_load %arg5[%parallel_loop3A_142, %parallel_loop3A_143] {strides = array<i32>} : memref<2x10000xi32, #tpu.memory_space<vmem>>, vector<16xi32>,
      tpu.vector_store %arg5[%parallel_loop3A_142, %parallel_loop3A_143], %parallel_loop3A_138 {strides = array<i32>} : memref<2x10000xi32, #tpu.memory_space<vmem>>, vector<16xi32>,
    } {sc.loop_unroll_factor = 1 : i64, sc.parallel_access}
    "tpu.region"() ({
      %run_scoped3A = tpu.sem_alloc : memref<!tpu.dma_semaphore, #tpu.memory_space<semaphore_mem>>
      %dma_start3A_110 = arith.constant 0 : i32
      %dma_start3A_111 = arith.constant 0 : i32
      %dma_start3A_112 = tpu.memref_slice %arg8[%dma_start3A_110, %dma_start3A_111] : memref<4x2000xf32, #tpu.memory_space<vmem>> -> memref<2x2000xf32, #tpu.memory_space<vmem>>
      %dma_start3A_113 = arith.constant 2000 : i32
      %dma_start3A_114 = tpu.memref_slice %arg2[%mul3A_2, %dma_start3A_113] : memref<128x10000xf32, #tpu.memory_space<hbm>> -> memref<2x2000xf32, #tpu.memory_space<hbm>>
      %dma_start3A_115 = arith.constant 0 : i32
      %dma_start3A_116 = arith.constant 0 : i32
      %dma_start3A_117 = tpu.memref_slice %arg8[%dma_start3A_115, %dma_start3A_116] : memref<4x2000xf32, #tpu.memory_space<vmem>> -> memref<2x2000xf32, #tpu.memory_space<vmem>>
      %dma_start3A_118 = arith.constant 2000 : i32
      %dma_start3A_119 = tpu.memref_slice %arg2[%mul3A_2, %dma_start3A_118] : memref<128x10000xf32, #tpu.memory_space<hbm>> -> memref<2x2000xf32, #tpu.memory_space<hbm>>
      tpu.enqueue_dma source(%dma_start3A_119 : memref<2x2000xf32, #tpu.memory_space<hbm>>) target(%dma_start3A_117 : memref<2x2000xf32, #tpu.memory_space<vmem>>) target_semaphore(%run_scoped3A : memref<!tpu.dma_semaphore, #tpu.memory_space<semaphore_mem>>)
      %dma_wait3A_120 = arith.constant 0 : i32
      %dma_wait3A_121 = arith.constant 0 : i32
      %dma_wait3A_122 = tpu.memref_slice %arg8[%dma_wait3A_120, %dma_wait3A_121] : memref<4x2000xf32, #tpu.memory_space<vmem>> -> memref<2x2000xf32, #tpu.memory_space<vmem>>
      %dma_wait3A_123 = arith.constant 2000 : i32
      %dma_wait3A_124 = tpu.memref_slice %arg2[%mul3A_2, %dma_wait3A_123] : memref<128x10000xf32, #tpu.memory_space<hbm>> -> memref<2x2000xf32, #tpu.memory_space<hbm>>
      %dma_wait3A_125 = arith.constant 0 : i32
      %dma_wait3A_126 = arith.constant 0 : i32
      %dma_wait3A_127 = tpu.memref_slice %arg8[%dma_wait3A_125, %dma_wait3A_126] : memref<4x2000xf32, #tpu.memory_space<vmem>> -> memref<2x2000xf32, #tpu.memory_space<vmem>>
      %dma_wait3A_128 = arith.constant 2000 : i32
      %dma_wait3A_129 = tpu.memref_slice %arg2[%mul3A_2, %dma_wait3A_128] : memref<128x10000xf32, #tpu.memory_space<hbm>> -> memref<2x2000xf32, #tpu.memory_space<hbm>>
      tpu.wait_dma2 semaphore(%run_scoped3A : memref<!tpu.dma_semaphore, #tpu.memory_space<semaphore_mem>>) src(%dma_wait3A_129 : memref<2x2000xf32, #tpu.memory_space<hbm>>) dst(%dma_wait3A_127 : memref<2x2000xf32, #tpu.memory_space<vmem>>)
      tpu.yield
    }) : () -> ()
    %add3A_50 = arith.constant 64 : i32
    %add3A_51 = arith.addi %add3A_50, %mul3A_2 : i32
    "tpu.region"() ({
      %run_scoped3A = tpu.sem_alloc : memref<!tpu.dma_semaphore, #tpu.memory_space<semaphore_mem>>
      %dma_start3A_110 = arith.constant 2 : i32
      %dma_start3A_111 = arith.constant 0 : i32
      %dma_start3A_112 = tpu.memref_slice %arg8[%dma_start3A_110, %dma_start3A_111] : memref<4x2000xf32, #tpu.memory_space<vmem>> -> memref<2x2000xf32, #tpu.memory_space<vmem>>
      %dma_start3A_113 = arith.constant 2000 : i32
      %dma_start3A_114 = tpu.memref_slice %arg2[%add3A_51, %dma_start3A_113] : memref<128x10000xf32, #tpu.memory_space<hbm>> -> memref<2x2000xf32, #tpu.memory_space<hbm>>
      %dma_start3A_115 = arith.constant 2 : i32
      %dma_start3A_116 = arith.constant 0 : i32
      %dma_start3A_117 = tpu.memref_slice %arg8[%dma_start3A_115, %dma_start3A_116] : memref<4x2000xf32, #tpu.memory_space<vmem>> -> memref<2x2000xf32, #tpu.memory_space<vmem>>
      %dma_start3A_118 = arith.constant 2000 : i32
      %dma_start3A_119 = tpu.memref_slice %arg2[%add3A_51, %dma_start3A_118] : memref<128x10000xf32, #tpu.memory_space<hbm>> -> memref<2x2000xf32, #tpu.memory_space<hbm>>
      tpu.enqueue_dma source(%dma_start3A_119 : memref<2x2000xf32, #tpu.memory_space<hbm>>) target(%dma_start3A_117 : memref<2x2000xf32, #tpu.memory_space<vmem>>) target_semaphore(%run_scoped3A : memref<!tpu.dma_semaphore, #tpu.memory_space<semaphore_mem>>)
      %dma_wait3A_120 = arith.constant 2 : i32
      %dma_wait3A_121 = arith.constant 0 : i32
      %dma_wait3A_122 = tpu.memref_slice %arg8[%dma_wait3A_120, %dma_wait3A_121] : memref<4x2000xf32, #tpu.memory_space<vmem>> -> memref<2x2000xf32, #tpu.memory_space<vmem>>
      %dma_wait3A_123 = arith.constant 2000 : i32
      %dma_wait3A_124 = tpu.memref_slice %arg2[%add3A_51, %dma_wait3A_123] : memref<128x10000xf32, #tpu.memory_space<hbm>> -> memref<2x2000xf32, #tpu.memory_space<hbm>>
      %dma_wait3A_125 = arith.constant 2 : i32
      %dma_wait3A_126 = arith.constant 0 : i32
      %dma_wait3A_127 = tpu.memref_slice %arg8[%dma_wait3A_125, %dma_wait3A_126] : memref<4x2000xf32, #tpu.memory_space<vmem>> -> memref<2x2000xf32, #tpu.memory_space<vmem>>
      %dma_wait3A_128 = arith.constant 2000 : i32
      %dma_wait3A_129 = tpu.memref_slice %arg2[%add3A_51, %dma_wait3A_128] : memref<128x10000xf32, #tpu.memory_space<hbm>> -> memref<2x2000xf32, #tpu.memory_space<hbm>>
      tpu.wait_dma2 semaphore(%run_scoped3A : memref<!tpu.dma_semaphore, #tpu.memory_space<semaphore_mem>>) src(%dma_wait3A_129 : memref<2x2000xf32, #tpu.memory_space<hbm>>) dst(%dma_wait3A_127 : memref<2x2000xf32, #tpu.memory_space<vmem>>)
      tpu.yield
    }) : () -> ()
    %parallel_loop3A_52 = arith.constant 0 : i32
    %parallel_loop3A_53 = arith.constant 125 : i32
    %parallel_loop3A_54 = arith.constant 1 : i32
    scf.for %parallel_loop3A_110 = %parallel_loop3A_52 to %parallel_loop3A_53 step %parallel_loop3A_54  : i32 {
      %parallel_loop3A_111 = arith.constant 16 : i32
      %parallel_loop3A_112 = arith.muli %parallel_loop3A_110, %parallel_loop3A_111 : i32
      %parallel_loop3A_113 = arith.constant 0 : i32
      %parallel_loop3A_114 = arith.index_cast %parallel_loop3A_113 : i32 to index
      %parallel_loop3A_115 = arith.index_cast %parallel_loop3A_112 : i32 to index
      %parallel_loop3A_116 = tpu.vector_load %arg8[%parallel_loop3A_114, %parallel_loop3A_115] {strides = array<i32>} : memref<4x2000xf32, #tpu.memory_space<vmem>>, vector<16xf32>,
      %parallel_loop3A_117 = arith.constant 2 : i32
      %parallel_loop3A_118 = arith.index_cast %parallel_loop3A_117 : i32 to index
      %parallel_loop3A_119 = arith.index_cast %parallel_loop3A_112 : i32 to index
      %parallel_loop3A_120 = tpu.vector_load %arg8[%parallel_loop3A_118, %parallel_loop3A_119] {strides = array<i32>} : memref<4x2000xf32, #tpu.memory_space<vmem>>, vector<16xf32>,
      %parallel_loop3A_121 = tpu.pack_subelements %parallel_loop3A_116, %parallel_loop3A_120 {pack_format = #tpu.pack_format<interleaved>, positions = array<i32: 0, 1>} : vector<16xf32>, vector<16xf32> -> vector<32xbf16>
      %parallel_loop3A_122 = vector.bitcast %parallel_loop3A_121 : vector<32xbf16> to vector<16xi32>
      %parallel_loop3A_123 = arith.constant 2000 : i32
      %parallel_loop3A_124 = arith.addi %parallel_loop3A_123, %parallel_loop3A_112 : i32
      %parallel_loop3A_125 = arith.constant 0 : i32
      %parallel_loop3A_126 = arith.index_cast %parallel_loop3A_125 : i32 to index
      %parallel_loop3A_127 = arith.index_cast %parallel_loop3A_124 : i32 to index
      %parallel_loop3A_128 = tpu.vector_load %arg5[%parallel_loop3A_126, %parallel_loop3A_127] {strides = array<i32>} : memref<2x10000xi32, #tpu.memory_space<vmem>>, vector<16xi32>,
      tpu.vector_store %arg5[%parallel_loop3A_126, %parallel_loop3A_127], %parallel_loop3A_122 {strides = array<i32>} : memref<2x10000xi32, #tpu.memory_space<vmem>>, vector<16xi32>,
      %parallel_loop3A_129 = arith.constant 1 : i32
      %parallel_loop3A_130 = arith.index_cast %parallel_loop3A_129 : i32 to index
      %parallel_loop3A_131 = arith.index_cast %parallel_loop3A_112 : i32 to index
      %parallel_loop3A_132 = tpu.vector_load %arg8[%parallel_loop3A_130, %parallel_loop3A_131] {strides = array<i32>} : memref<4x2000xf32, #tpu.memory_space<vmem>>, vector<16xf32>,
      %parallel_loop3A_133 = arith.constant 3 : i32
      %parallel_loop3A_134 = arith.index_cast %parallel_loop3A_133 : i32 to index
      %parallel_loop3A_135 = arith.index_cast %parallel_loop3A_112 : i32 to index
      %parallel_loop3A_136 = tpu.vector_load %arg8[%parallel_loop3A_134, %parallel_loop3A_135] {strides = array<i32>} : memref<4x2000xf32, #tpu.memory_space<vmem>>, vector<16xf32>,
      %parallel_loop3A_137 = tpu.pack_subelements %parallel_loop3A_132, %parallel_loop3A_136 {pack_format = #tpu.pack_format<interleaved>, positions = array<i32: 0, 1>} : vector<16xf32>, vector<16xf32> -> vector<32xbf16>
      %parallel_loop3A_138 = vector.bitcast %parallel_loop3A_137 : vector<32xbf16> to vector<16xi32>
      %parallel_loop3A_139 = arith.constant 2000 : i32
      %parallel_loop3A_140 = arith.addi %parallel_loop3A_139, %parallel_loop3A_112 : i32
      %parallel_loop3A_141 = arith.constant 1 : i32
      %parallel_loop3A_142 = arith.index_cast %parallel_loop3A_141 : i32 to index
      %parallel_loop3A_143 = arith.index_cast %parallel_loop3A_140 : i32 to index
      %parallel_loop3A_144 = tpu.vector_load %arg5[%parallel_loop3A_142, %parallel_loop3A_143] {strides = array<i32>} : memref<2x10000xi32, #tpu.memory_space<vmem>>, vector<16xi32>,
      tpu.vector_store %arg5[%parallel_loop3A_142, %parallel_loop3A_143], %parallel_loop3A_138 {strides = array<i32>} : memref<2x10000xi32, #tpu.memory_space<vmem>>, vector<16xi32>,
    } {sc.loop_unroll_factor = 1 : i64, sc.parallel_access}
    "tpu.region"() ({
      %run_scoped3A = tpu.sem_alloc : memref<!tpu.dma_semaphore, #tpu.memory_space<semaphore_mem>>
      %dma_start3A_110 = arith.constant 0 : i32
      %dma_start3A_111 = arith.constant 0 : i32
      %dma_start3A_112 = tpu.memref_slice %arg8[%dma_start3A_110, %dma_start3A_111] : memref<4x2000xf32, #tpu.memory_space<vmem>> -> memref<2x2000xf32, #tpu.memory_space<vmem>>
      %dma_start3A_113 = arith.constant 4000 : i32
      %dma_start3A_114 = tpu.memref_slice %arg2[%mul3A_2, %dma_start3A_113] : memref<128x10000xf32, #tpu.memory_space<hbm>> -> memref<2x2000xf32, #tpu.memory_space<hbm>>
      %dma_start3A_115 = arith.constant 0 : i32
      %dma_start3A_116 = arith.constant 0 : i32
      %dma_start3A_117 = tpu.memref_slice %arg8[%dma_start3A_115, %dma_start3A_116] : memref<4x2000xf32, #tpu.memory_space<vmem>> -> memref<2x2000xf32, #tpu.memory_space<vmem>>
      %dma_start3A_118 = arith.constant 4000 : i32
      %dma_start3A_119 = tpu.memref_slice %arg2[%mul3A_2, %dma_start3A_118] : memref<128x10000xf32, #tpu.memory_space<hbm>> -> memref<2x2000xf32, #tpu.memory_space<hbm>>
      tpu.enqueue_dma source(%dma_start3A_119 : memref<2x2000xf32, #tpu.memory_space<hbm>>) target(%dma_start3A_117 : memref<2x2000xf32, #tpu.memory_space<vmem>>) target_semaphore(%run_scoped3A : memref<!tpu.dma_semaphore, #tpu.memory_space<semaphore_mem>>)
      %dma_wait3A_120 = arith.constant 0 : i32
      %dma_wait3A_121 = arith.constant 0 : i32
      %dma_wait3A_122 = tpu.memref_slice %arg8[%dma_wait3A_120, %dma_wait3A_121] : memref<4x2000xf32, #tpu.memory_space<vmem>> -> memref<2x2000xf32, #tpu.memory_space<vmem>>
      %dma_wait3A_123 = arith.constant 4000 : i32
      %dma_wait3A_124 = tpu.memref_slice %arg2[%mul3A_2, %dma_wait3A_123] : memref<128x10000xf32, #tpu.memory_space<hbm>> -> memref<2x2000xf32, #tpu.memory_space<hbm>>
      %dma_wait3A_125 = arith.constant 0 : i32
      %dma_wait3A_126 = arith.constant 0 : i32
      %dma_wait3A_127 = tpu.memref_slice %arg8[%dma_wait3A_125, %dma_wait3A_126] : memref<4x2000xf32, #tpu.memory_space<vmem>> -> memref<2x2000xf32, #tpu.memory_space<vmem>>
      %dma_wait3A_128 = arith.constant 4000 : i32
      %dma_wait3A_129 = tpu.memref_slice %arg2[%mul3A_2, %dma_wait3A_128] : memref<128x10000xf32, #tpu.memory_space<hbm>> -> memref<2x2000xf32, #tpu.memory_space<hbm>>
      tpu.wait_dma2 semaphore(%run_scoped3A : memref<!tpu.dma_semaphore, #tpu.memory_space<semaphore_mem>>) src(%dma_wait3A_129 : memref<2x2000xf32, #tpu.memory_space<hbm>>) dst(%dma_wait3A_127 : memref<2x2000xf32, #tpu.memory_space<vmem>>)
      tpu.yield
    }) : () -> ()
    %add3A_55 = arith.constant 64 : i32
    %add3A_56 = arith.addi %add3A_55, %mul3A_2 : i32
    "tpu.region"() ({
      %run_scoped3A = tpu.sem_alloc : memref<!tpu.dma_semaphore, #tpu.memory_space<semaphore_mem>>
      %dma_start3A_110 = arith.constant 2 : i32
      %dma_start3A_111 = arith.constant 0 : i32
      %dma_start3A_112 = tpu.memref_slice %arg8[%dma_start3A_110, %dma_start3A_111] : memref<4x2000xf32, #tpu.memory_space<vmem>> -> memref<2x2000xf32, #tpu.memory_space<vmem>>
      %dma_start3A_113 = arith.constant 4000 : i32
      %dma_start3A_114 = tpu.memref_slice %arg2[%add3A_56, %dma_start3A_113] : memref<128x10000xf32, #tpu.memory_space<hbm>> -> memref<2x2000xf32, #tpu.memory_space<hbm>>
      %dma_start3A_115 = arith.constant 2 : i32
      %dma_start3A_116 = arith.constant 0 : i32
      %dma_start3A_117 = tpu.memref_slice %arg8[%dma_start3A_115, %dma_start3A_116] : memref<4x2000xf32, #tpu.memory_space<vmem>> -> memref<2x2000xf32, #tpu.memory_space<vmem>>
      %dma_start3A_118 = arith.constant 4000 : i32
      %dma_start3A_119 = tpu.memref_slice %arg2[%add3A_56, %dma_start3A_118] : memref<128x10000xf32, #tpu.memory_space<hbm>> -> memref<2x2000xf32, #tpu.memory_space<hbm>>
      tpu.enqueue_dma source(%dma_start3A_119 : memref<2x2000xf32, #tpu.memory_space<hbm>>) target(%dma_start3A_117 : memref<2x2000xf32, #tpu.memory_space<vmem>>) target_semaphore(%run_scoped3A : memref<!tpu.dma_semaphore, #tpu.memory_space<semaphore_mem>>)
      %dma_wait3A_120 = arith.constant 2 : i32
      %dma_wait3A_121 = arith.constant 0 : i32
      %dma_wait3A_122 = tpu.memref_slice %arg8[%dma_wait3A_120, %dma_wait3A_121] : memref<4x2000xf32, #tpu.memory_space<vmem>> -> memref<2x2000xf32, #tpu.memory_space<vmem>>
      %dma_wait3A_123 = arith.constant 4000 : i32
      %dma_wait3A_124 = tpu.memref_slice %arg2[%add3A_56, %dma_wait3A_123] : memref<128x10000xf32, #tpu.memory_space<hbm>> -> memref<2x2000xf32, #tpu.memory_space<hbm>>
      %dma_wait3A_125 = arith.constant 2 : i32
      %dma_wait3A_126 = arith.constant 0 : i32
      %dma_wait3A_127 = tpu.memref_slice %arg8[%dma_wait3A_125, %dma_wait3A_126] : memref<4x2000xf32, #tpu.memory_space<vmem>> -> memref<2x2000xf32, #tpu.memory_space<vmem>>
      %dma_wait3A_128 = arith.constant 4000 : i32
      %dma_wait3A_129 = tpu.memref_slice %arg2[%add3A_56, %dma_wait3A_128] : memref<128x10000xf32, #tpu.memory_space<hbm>> -> memref<2x2000xf32, #tpu.memory_space<hbm>>
      tpu.wait_dma2 semaphore(%run_scoped3A : memref<!tpu.dma_semaphore, #tpu.memory_space<semaphore_mem>>) src(%dma_wait3A_129 : memref<2x2000xf32, #tpu.memory_space<hbm>>) dst(%dma_wait3A_127 : memref<2x2000xf32, #tpu.memory_space<vmem>>)
      tpu.yield
    }) : () -> ()
    %parallel_loop3A_57 = arith.constant 0 : i32
    %parallel_loop3A_58 = arith.constant 125 : i32
    %parallel_loop3A_59 = arith.constant 1 : i32
    scf.for %parallel_loop3A_110 = %parallel_loop3A_57 to %parallel_loop3A_58 step %parallel_loop3A_59  : i32 {
      %parallel_loop3A_111 = arith.constant 16 : i32
      %parallel_loop3A_112 = arith.muli %parallel_loop3A_110, %parallel_loop3A_111 : i32
      %parallel_loop3A_113 = arith.constant 0 : i32
      %parallel_loop3A_114 = arith.index_cast %parallel_loop3A_113 : i32 to index
      %parallel_loop3A_115 = arith.index_cast %parallel_loop3A_112 : i32 to index
      %parallel_loop3A_116 = tpu.vector_load %arg8[%parallel_loop3A_114, %parallel_loop3A_115] {strides = array<i32>} : memref<4x2000xf32, #tpu.memory_space<vmem>>, vector<16xf32>,
      %parallel_loop3A_117 = arith.constant 2 : i32
      %parallel_loop3A_118 = arith.index_cast %parallel_loop3A_117 : i32 to index
      %parallel_loop3A_119 = arith.index_cast %parallel_loop3A_112 : i32 to index
      %parallel_loop3A_120 = tpu.vector_load %arg8[%parallel_loop3A_118, %parallel_loop3A_119] {strides = array<i32>} : memref<4x2000xf32, #tpu.memory_space<vmem>>, vector<16xf32>,
      %parallel_loop3A_121 = tpu.pack_subelements %parallel_loop3A_116, %parallel_loop3A_120 {pack_format = #tpu.pack_format<interleaved>, positions = array<i32: 0, 1>} : vector<16xf32>, vector<16xf32> -> vector<32xbf16>
      %parallel_loop3A_122 = vector.bitcast %parallel_loop3A_121 : vector<32xbf16> to vector<16xi32>
      %parallel_loop3A_123 = arith.constant 4000 : i32
      %parallel_loop3A_124 = arith.addi %parallel_loop3A_123, %parallel_loop3A_112 : i32
      %parallel_loop3A_125 = arith.constant 0 : i32
      %parallel_loop3A_126 = arith.index_cast %parallel_loop3A_125 : i32 to index
      %parallel_loop3A_127 = arith.index_cast %parallel_loop3A_124 : i32 to index
      %parallel_loop3A_128 = tpu.vector_load %arg5[%parallel_loop3A_126, %parallel_loop3A_127] {strides = array<i32>} : memref<2x10000xi32, #tpu.memory_space<vmem>>, vector<16xi32>,
      tpu.vector_store %arg5[%parallel_loop3A_126, %parallel_loop3A_127], %parallel_loop3A_122 {strides = array<i32>} : memref<2x10000xi32, #tpu.memory_space<vmem>>, vector<16xi32>,
      %parallel_loop3A_129 = arith.constant 1 : i32
      %parallel_loop3A_130 = arith.index_cast %parallel_loop3A_129 : i32 to index
      %parallel_loop3A_131 = arith.index_cast %parallel_loop3A_112 : i32 to index
      %parallel_loop3A_132 = tpu.vector_load %arg8[%parallel_loop3A_130, %parallel_loop3A_131] {strides = array<i32>} : memref<4x2000xf32, #tpu.memory_space<vmem>>, vector<16xf32>,
      %parallel_loop3A_133 = arith.constant 3 : i32
      %parallel_loop3A_134 = arith.index_cast %parallel_loop3A_133 : i32 to index
      %parallel_loop3A_135 = arith.index_cast %parallel_loop3A_112 : i32 to index
      %parallel_loop3A_136 = tpu.vector_load %arg8[%parallel_loop3A_134, %parallel_loop3A_135] {strides = array<i32>} : memref<4x2000xf32, #tpu.memory_space<vmem>>, vector<16xf32>,
      %parallel_loop3A_137 = tpu.pack_subelements %parallel_loop3A_132, %parallel_loop3A_136 {pack_format = #tpu.pack_format<interleaved>, positions = array<i32: 0, 1>} : vector<16xf32>, vector<16xf32> -> vector<32xbf16>
      %parallel_loop3A_138 = vector.bitcast %parallel_loop3A_137 : vector<32xbf16> to vector<16xi32>
      %parallel_loop3A_139 = arith.constant 4000 : i32
      %parallel_loop3A_140 = arith.addi %parallel_loop3A_139, %parallel_loop3A_112 : i32
      %parallel_loop3A_141 = arith.constant 1 : i32
      %parallel_loop3A_142 = arith.index_cast %parallel_loop3A_141 : i32 to index
      %parallel_loop3A_143 = arith.index_cast %parallel_loop3A_140 : i32 to index
      %parallel_loop3A_144 = tpu.vector_load %arg5[%parallel_loop3A_142, %parallel_loop3A_143] {strides = array<i32>} : memref<2x10000xi32, #tpu.memory_space<vmem>>, vector<16xi32>,
      tpu.vector_store %arg5[%parallel_loop3A_142, %parallel_loop3A_143], %parallel_loop3A_138 {strides = array<i32>} : memref<2x10000xi32, #tpu.memory_space<vmem>>, vector<16xi32>,
    } {sc.loop_unroll_factor = 1 : i64, sc.parallel_access}
    "tpu.region"() ({
      %run_scoped3A = tpu.sem_alloc : memref<!tpu.dma_semaphore, #tpu.memory_space<semaphore_mem>>
      %dma_start3A_110 = arith.constant 0 : i32
      %dma_start3A_111 = arith.constant 0 : i32
      %dma_start3A_112 = tpu.memref_slice %arg8[%dma_start3A_110, %dma_start3A_111] : memref<4x2000xf32, #tpu.memory_space<vmem>> -> memref<2x2000xf32, #tpu.memory_space<vmem>>
      %dma_start3A_113 = arith.constant 6000 : i32
      %dma_start3A_114 = tpu.memref_slice %arg2[%mul3A_2, %dma_start3A_113] : memref<128x10000xf32, #tpu.memory_space<hbm>> -> memref<2x2000xf32, #tpu.memory_space<hbm>>
      %dma_start3A_115 = arith.constant 0 : i32
      %dma_start3A_116 = arith.constant 0 : i32
      %dma_start3A_117 = tpu.memref_slice %arg8[%dma_start3A_115, %dma_start3A_116] : memref<4x2000xf32, #tpu.memory_space<vmem>> -> memref<2x2000xf32, #tpu.memory_space<vmem>>
      %dma_start3A_118 = arith.constant 6000 : i32
      %dma_start3A_119 = tpu.memref_slice %arg2[%mul3A_2, %dma_start3A_118] : memref<128x10000xf32, #tpu.memory_space<hbm>> -> memref<2x2000xf32, #tpu.memory_space<hbm>>
      tpu.enqueue_dma source(%dma_start3A_119 : memref<2x2000xf32, #tpu.memory_space<hbm>>) target(%dma_start3A_117 : memref<2x2000xf32, #tpu.memory_space<vmem>>) target_semaphore(%run_scoped3A : memref<!tpu.dma_semaphore, #tpu.memory_space<semaphore_mem>>)
      %dma_wait3A_120 = arith.constant 0 : i32
      %dma_wait3A_121 = arith.constant 0 : i32
      %dma_wait3A_122 = tpu.memref_slice %arg8[%dma_wait3A_120, %dma_wait3A_121] : memref<4x2000xf32, #tpu.memory_space<vmem>> -> memref<2x2000xf32, #tpu.memory_space<vmem>>
      %dma_wait3A_123 = arith.constant 6000 : i32
      %dma_wait3A_124 = tpu.memref_slice %arg2[%mul3A_2, %dma_wait3A_123] : memref<128x10000xf32, #tpu.memory_space<hbm>> -> memref<2x2000xf32, #tpu.memory_space<hbm>>
      %dma_wait3A_125 = arith.constant 0 : i32
      %dma_wait3A_126 = arith.constant 0 : i32
      %dma_wait3A_127 = tpu.memref_slice %arg8[%dma_wait3A_125, %dma_wait3A_126] : memref<4x2000xf32, #tpu.memory_space<vmem>> -> memref<2x2000xf32, #tpu.memory_space<vmem>>
      %dma_wait3A_128 = arith.constant 6000 : i32
      %dma_wait3A_129 = tpu.memref_slice %arg2[%mul3A_2, %dma_wait3A_128] : memref<128x10000xf32, #tpu.memory_space<hbm>> -> memref<2x2000xf32, #tpu.memory_space<hbm>>
      tpu.wait_dma2 semaphore(%run_scoped3A : memref<!tpu.dma_semaphore, #tpu.memory_space<semaphore_mem>>) src(%dma_wait3A_129 : memref<2x2000xf32, #tpu.memory_space<hbm>>) dst(%dma_wait3A_127 : memref<2x2000xf32, #tpu.memory_space<vmem>>)
      tpu.yield
    }) : () -> ()
    %add3A_60 = arith.constant 64 : i32
    %add3A_61 = arith.addi %add3A_60, %mul3A_2 : i32
    "tpu.region"() ({
      %run_scoped3A = tpu.sem_alloc : memref<!tpu.dma_semaphore, #tpu.memory_space<semaphore_mem>>
      %dma_start3A_110 = arith.constant 2 : i32
      %dma_start3A_111 = arith.constant 0 : i32
      %dma_start3A_112 = tpu.memref_slice %arg8[%dma_start3A_110, %dma_start3A_111] : memref<4x2000xf32, #tpu.memory_space<vmem>> -> memref<2x2000xf32, #tpu.memory_space<vmem>>
      %dma_start3A_113 = arith.constant 6000 : i32
      %dma_start3A_114 = tpu.memref_slice %arg2[%add3A_61, %dma_start3A_113] : memref<128x10000xf32, #tpu.memory_space<hbm>> -> memref<2x2000xf32, #tpu.memory_space<hbm>>
      %dma_start3A_115 = arith.constant 2 : i32
      %dma_start3A_116 = arith.constant 0 : i32
      %dma_start3A_117 = tpu.memref_slice %arg8[%dma_start3A_115, %dma_start3A_116] : memref<4x2000xf32, #tpu.memory_space<vmem>> -> memref<2x2000xf32, #tpu.memory_space<vmem>>
      %dma_start3A_118 = arith.constant 6000 : i32
      %dma_start3A_119 = tpu.memref_slice %arg2[%add3A_61, %dma_start3A_118] : memref<128x10000xf32, #tpu.memory_space<hbm>> -> memref<2x2000xf32, #tpu.memory_space<hbm>>
      tpu.enqueue_dma source(%dma_start3A_119 : memref<2x2000xf32, #tpu.memory_space<hbm>>) target(%dma_start3A_117 : memref<2x2000xf32, #tpu.memory_space<vmem>>) target_semaphore(%run_scoped3A : memref<!tpu.dma_semaphore, #tpu.memory_space<semaphore_mem>>)
      %dma_wait3A_120 = arith.constant 2 : i32
      %dma_wait3A_121 = arith.constant 0 : i32
      %dma_wait3A_122 = tpu.memref_slice %arg8[%dma_wait3A_120, %dma_wait3A_121] : memref<4x2000xf32, #tpu.memory_space<vmem>> -> memref<2x2000xf32, #tpu.memory_space<vmem>>
      %dma_wait3A_123 = arith.constant 6000 : i32
      %dma_wait3A_124 = tpu.memref_slice %arg2[%add3A_61, %dma_wait3A_123] : memref<128x10000xf32, #tpu.memory_space<hbm>> -> memref<2x2000xf32, #tpu.memory_space<hbm>>
      %dma_wait3A_125 = arith.constant 2 : i32
      %dma_wait3A_126 = arith.constant 0 : i32
      %dma_wait3A_127 = tpu.memref_slice %arg8[%dma_wait3A_125, %dma_wait3A_126] : memref<4x2000xf32, #tpu.memory_space<vmem>> -> memref<2x2000xf32, #tpu.memory_space<vmem>>
      %dma_wait3A_128 = arith.constant 6000 : i32
      %dma_wait3A_129 = tpu.memref_slice %arg2[%add3A_61, %dma_wait3A_128] : memref<128x10000xf32, #tpu.memory_space<hbm>> -> memref<2x2000xf32, #tpu.memory_space<hbm>>
      tpu.wait_dma2 semaphore(%run_scoped3A : memref<!tpu.dma_semaphore, #tpu.memory_space<semaphore_mem>>) src(%dma_wait3A_129 : memref<2x2000xf32, #tpu.memory_space<hbm>>) dst(%dma_wait3A_127 : memref<2x2000xf32, #tpu.memory_space<vmem>>)
      tpu.yield
    }) : () -> ()
    %parallel_loop3A_62 = arith.constant 0 : i32
    %parallel_loop3A_63 = arith.constant 125 : i32
    %parallel_loop3A_64 = arith.constant 1 : i32
    scf.for %parallel_loop3A_110 = %parallel_loop3A_62 to %parallel_loop3A_63 step %parallel_loop3A_64  : i32 {
      %parallel_loop3A_111 = arith.constant 16 : i32
      %parallel_loop3A_112 = arith.muli %parallel_loop3A_110, %parallel_loop3A_111 : i32
      %parallel_loop3A_113 = arith.constant 0 : i32
      %parallel_loop3A_114 = arith.index_cast %parallel_loop3A_113 : i32 to index
      %parallel_loop3A_115 = arith.index_cast %parallel_loop3A_112 : i32 to index
      %parallel_loop3A_116 = tpu.vector_load %arg8[%parallel_loop3A_114, %parallel_loop3A_115] {strides = array<i32>} : memref<4x2000xf32, #tpu.memory_space<vmem>>, vector<16xf32>,
      %parallel_loop3A_117 = arith.constant 2 : i32
      %parallel_loop3A_118 = arith.index_cast %parallel_loop3A_117 : i32 to index
      %parallel_loop3A_119 = arith.index_cast %parallel_loop3A_112 : i32 to index
      %parallel_loop3A_120 = tpu.vector_load %arg8[%parallel_loop3A_118, %parallel_loop3A_119] {strides = array<i32>} : memref<4x2000xf32, #tpu.memory_space<vmem>>, vector<16xf32>,
      %parallel_loop3A_121 = tpu.pack_subelements %parallel_loop3A_116, %parallel_loop3A_120 {pack_format = #tpu.pack_format<interleaved>, positions = array<i32: 0, 1>} : vector<16xf32>, vector<16xf32> -> vector<32xbf16>
      %parallel_loop3A_122 = vector.bitcast %parallel_loop3A_121 : vector<32xbf16> to vector<16xi32>
      %parallel_loop3A_123 = arith.constant 6000 : i32
      %parallel_loop3A_124 = arith.addi %parallel_loop3A_123, %parallel_loop3A_112 : i32
      %parallel_loop3A_125 = arith.constant 0 : i32
      %parallel_loop3A_126 = arith.index_cast %parallel_loop3A_125 : i32 to index
      %parallel_loop3A_127 = arith.index_cast %parallel_loop3A_124 : i32 to index
      %parallel_loop3A_128 = tpu.vector_load %arg5[%parallel_loop3A_126, %parallel_loop3A_127] {strides = array<i32>} : memref<2x10000xi32, #tpu.memory_space<vmem>>, vector<16xi32>,
      tpu.vector_store %arg5[%parallel_loop3A_126, %parallel_loop3A_127], %parallel_loop3A_122 {strides = array<i32>} : memref<2x10000xi32, #tpu.memory_space<vmem>>, vector<16xi32>,
      %parallel_loop3A_129 = arith.constant 1 : i32
      %parallel_loop3A_130 = arith.index_cast %parallel_loop3A_129 : i32 to index
      %parallel_loop3A_131 = arith.index_cast %parallel_loop3A_112 : i32 to index
      %parallel_loop3A_132 = tpu.vector_load %arg8[%parallel_loop3A_130, %parallel_loop3A_131] {strides = array<i32>} : memref<4x2000xf32, #tpu.memory_space<vmem>>, vector<16xf32>,
      %parallel_loop3A_133 = arith.constant 3 : i32
      %parallel_loop3A_134 = arith.index_cast %parallel_loop3A_133 : i32 to index
      %parallel_loop3A_135 = arith.index_cast %parallel_loop3A_112 : i32 to index
      %parallel_loop3A_136 = tpu.vector_load %arg8[%parallel_loop3A_134, %parallel_loop3A_135] {strides = array<i32>} : memref<4x2000xf32, #tpu.memory_space<vmem>>, vector<16xf32>,
      %parallel_loop3A_137 = tpu.pack_subelements %parallel_loop3A_132, %parallel_loop3A_136 {pack_format = #tpu.pack_format<interleaved>, positions = array<i32: 0, 1>} : vector<16xf32>, vector<16xf32> -> vector<32xbf16>
      %parallel_loop3A_138 = vector.bitcast %parallel_loop3A_137 : vector<32xbf16> to vector<16xi32>
      %parallel_loop3A_139 = arith.constant 6000 : i32
      %parallel_loop3A_140 = arith.addi %parallel_loop3A_139, %parallel_loop3A_112 : i32
      %parallel_loop3A_141 = arith.constant 1 : i32
      %parallel_loop3A_142 = arith.index_cast %parallel_loop3A_141 : i32 to index
      %parallel_loop3A_143 = arith.index_cast %parallel_loop3A_140 : i32 to index
      %parallel_loop3A_144 = tpu.vector_load %arg5[%parallel_loop3A_142, %parallel_loop3A_143] {strides = array<i32>} : memref<2x10000xi32, #tpu.memory_space<vmem>>, vector<16xi32>,
      tpu.vector_store %arg5[%parallel_loop3A_142, %parallel_loop3A_143], %parallel_loop3A_138 {strides = array<i32>} : memref<2x10000xi32, #tpu.memory_space<vmem>>, vector<16xi32>,
    } {sc.loop_unroll_factor = 1 : i64, sc.parallel_access}
    "tpu.region"() ({
      %run_scoped3A = tpu.sem_alloc : memref<!tpu.dma_semaphore, #tpu.memory_space<semaphore_mem>>
      %dma_start3A_110 = arith.constant 0 : i32
      %dma_start3A_111 = arith.constant 0 : i32
      %dma_start3A_112 = tpu.memref_slice %arg8[%dma_start3A_110, %dma_start3A_111] : memref<4x2000xf32, #tpu.memory_space<vmem>> -> memref<2x2000xf32, #tpu.memory_space<vmem>>
      %dma_start3A_113 = arith.constant 8000 : i32
      %dma_start3A_114 = tpu.memref_slice %arg2[%mul3A_2, %dma_start3A_113] : memref<128x10000xf32, #tpu.memory_space<hbm>> -> memref<2x2000xf32, #tpu.memory_space<hbm>>
      %dma_start3A_115 = arith.constant 0 : i32
      %dma_start3A_116 = arith.constant 0 : i32
      %dma_start3A_117 = tpu.memref_slice %arg8[%dma_start3A_115, %dma_start3A_116] : memref<4x2000xf32, #tpu.memory_space<vmem>> -> memref<2x2000xf32, #tpu.memory_space<vmem>>
      %dma_start3A_118 = arith.constant 8000 : i32
      %dma_start3A_119 = tpu.memref_slice %arg2[%mul3A_2, %dma_start3A_118] : memref<128x10000xf32, #tpu.memory_space<hbm>> -> memref<2x2000xf32, #tpu.memory_space<hbm>>
      tpu.enqueue_dma source(%dma_start3A_119 : memref<2x2000xf32, #tpu.memory_space<hbm>>) target(%dma_start3A_117 : memref<2x2000xf32, #tpu.memory_space<vmem>>) target_semaphore(%run_scoped3A : memref<!tpu.dma_semaphore, #tpu.memory_space<semaphore_mem>>)
      %dma_wait3A_120 = arith.constant 0 : i32
      %dma_wait3A_121 = arith.constant 0 : i32
      %dma_wait3A_122 = tpu.memref_slice %arg8[%dma_wait3A_120, %dma_wait3A_121] : memref<4x2000xf32, #tpu.memory_space<vmem>> -> memref<2x2000xf32, #tpu.memory_space<vmem>>
      %dma_wait3A_123 = arith.constant 8000 : i32
      %dma_wait3A_124 = tpu.memref_slice %arg2[%mul3A_2, %dma_wait3A_123] : memref<128x10000xf32, #tpu.memory_space<hbm>> -> memref<2x2000xf32, #tpu.memory_space<hbm>>
      %dma_wait3A_125 = arith.constant 0 : i32
      %dma_wait3A_126 = arith.constant 0 : i32
      %dma_wait3A_127 = tpu.memref_slice %arg8[%dma_wait3A_125, %dma_wait3A_126] : memref<4x2000xf32, #tpu.memory_space<vmem>> -> memref<2x2000xf32, #tpu.memory_space<vmem>>
      %dma_wait3A_128 = arith.constant 8000 : i32
      %dma_wait3A_129 = tpu.memref_slice %arg2[%mul3A_2, %dma_wait3A_128] : memref<128x10000xf32, #tpu.memory_space<hbm>> -> memref<2x2000xf32, #tpu.memory_space<hbm>>
      tpu.wait_dma2 semaphore(%run_scoped3A : memref<!tpu.dma_semaphore, #tpu.memory_space<semaphore_mem>>) src(%dma_wait3A_129 : memref<2x2000xf32, #tpu.memory_space<hbm>>) dst(%dma_wait3A_127 : memref<2x2000xf32, #tpu.memory_space<vmem>>)
      tpu.yield
    }) : () -> ()
    %add3A_65 = arith.constant 64 : i32
    %add3A_66 = arith.addi %add3A_65, %mul3A_2 : i32
    "tpu.region"() ({
      %run_scoped3A = tpu.sem_alloc : memref<!tpu.dma_semaphore, #tpu.memory_space<semaphore_mem>>
      %dma_start3A_110 = arith.constant 2 : i32
      %dma_start3A_111 = arith.constant 0 : i32
      %dma_start3A_112 = tpu.memref_slice %arg8[%dma_start3A_110, %dma_start3A_111] : memref<4x2000xf32, #tpu.memory_space<vmem>> -> memref<2x2000xf32, #tpu.memory_space<vmem>>
      %dma_start3A_113 = arith.constant 8000 : i32
      %dma_start3A_114 = tpu.memref_slice %arg2[%add3A_66, %dma_start3A_113] : memref<128x10000xf32, #tpu.memory_space<hbm>> -> memref<2x2000xf32, #tpu.memory_space<hbm>>
      %dma_start3A_115 = arith.constant 2 : i32
      %dma_start3A_116 = arith.constant 0 : i32
      %dma_start3A_117 = tpu.memref_slice %arg8[%dma_start3A_115, %dma_start3A_116] : memref<4x2000xf32, #tpu.memory_space<vmem>> -> memref<2x2000xf32, #tpu.memory_space<vmem>>
      %dma_start3A_118 = arith.constant 8000 : i32
      %dma_start3A_119 = tpu.memref_slice %arg2[%add3A_66, %dma_start3A_118] : memref<128x10000xf32, #tpu.memory_space<hbm>> -> memref<2x2000xf32, #tpu.memory_space<hbm>>
      tpu.enqueue_dma source(%dma_start3A_119 : memref<2x2000xf32, #tpu.memory_space<hbm>>) target(%dma_start3A_117 : memref<2x2000xf32, #tpu.memory_space<vmem>>) target_semaphore(%run_scoped3A : memref<!tpu.dma_semaphore, #tpu.memory_space<semaphore_mem>>)
      %dma_wait3A_120 = arith.constant 2 : i32
      %dma_wait3A_121 = arith.constant 0 : i32
      %dma_wait3A_122 = tpu.memref_slice %arg8[%dma_wait3A_120, %dma_wait3A_121] : memref<4x2000xf32, #tpu.memory_space<vmem>> -> memref<2x2000xf32, #tpu.memory_space<vmem>>
      %dma_wait3A_123 = arith.constant 8000 : i32
      %dma_wait3A_124 = tpu.memref_slice %arg2[%add3A_66, %dma_wait3A_123] : memref<128x10000xf32, #tpu.memory_space<hbm>> -> memref<2x2000xf32, #tpu.memory_space<hbm>>
      %dma_wait3A_125 = arith.constant 2 : i32
      %dma_wait3A_126 = arith.constant 0 : i32
      %dma_wait3A_127 = tpu.memref_slice %arg8[%dma_wait3A_125, %dma_wait3A_126] : memref<4x2000xf32, #tpu.memory_space<vmem>> -> memref<2x2000xf32, #tpu.memory_space<vmem>>
      %dma_wait3A_128 = arith.constant 8000 : i32
      %dma_wait3A_129 = tpu.memref_slice %arg2[%add3A_66, %dma_wait3A_128] : memref<128x10000xf32, #tpu.memory_space<hbm>> -> memref<2x2000xf32, #tpu.memory_space<hbm>>
      tpu.wait_dma2 semaphore(%run_scoped3A : memref<!tpu.dma_semaphore, #tpu.memory_space<semaphore_mem>>) src(%dma_wait3A_129 : memref<2x2000xf32, #tpu.memory_space<hbm>>) dst(%dma_wait3A_127 : memref<2x2000xf32, #tpu.memory_space<vmem>>)
      tpu.yield
    }) : () -> ()
    %parallel_loop3A_67 = arith.constant 0 : i32
    %parallel_loop3A_68 = arith.constant 125 : i32
    %parallel_loop3A_69 = arith.constant 1 : i32
    scf.for %parallel_loop3A_110 = %parallel_loop3A_67 to %parallel_loop3A_68 step %parallel_loop3A_69  : i32 {
      %parallel_loop3A_111 = arith.constant 16 : i32
      %parallel_loop3A_112 = arith.muli %parallel_loop3A_110, %parallel_loop3A_111 : i32
      %parallel_loop3A_113 = arith.constant 0 : i32
      %parallel_loop3A_114 = arith.index_cast %parallel_loop3A_113 : i32 to index
      %parallel_loop3A_115 = arith.index_cast %parallel_loop3A_112 : i32 to index
      %parallel_loop3A_116 = tpu.vector_load %arg8[%parallel_loop3A_114, %parallel_loop3A_115] {strides = array<i32>} : memref<4x2000xf32, #tpu.memory_space<vmem>>, vector<16xf32>,
      %parallel_loop3A_117 = arith.constant 2 : i32
      %parallel_loop3A_118 = arith.index_cast %parallel_loop3A_117 : i32 to index
      %parallel_loop3A_119 = arith.index_cast %parallel_loop3A_112 : i32 to index
      %parallel_loop3A_120 = tpu.vector_load %arg8[%parallel_loop3A_118, %parallel_loop3A_119] {strides = array<i32>} : memref<4x2000xf32, #tpu.memory_space<vmem>>, vector<16xf32>,
      %parallel_loop3A_121 = tpu.pack_subelements %parallel_loop3A_116, %parallel_loop3A_120 {pack_format = #tpu.pack_format<interleaved>, positions = array<i32: 0, 1>} : vector<16xf32>, vector<16xf32> -> vector<32xbf16>
      %parallel_loop3A_122 = vector.bitcast %parallel_loop3A_121 : vector<32xbf16> to vector<16xi32>
      %parallel_loop3A_123 = arith.constant 8000 : i32
      %parallel_loop3A_124 = arith.addi %parallel_loop3A_123, %parallel_loop3A_112 : i32
      %parallel_loop3A_125 = arith.constant 0 : i32
      %parallel_loop3A_126 = arith.index_cast %parallel_loop3A_125 : i32 to index
      %parallel_loop3A_127 = arith.index_cast %parallel_loop3A_124 : i32 to index
      %parallel_loop3A_128 = tpu.vector_load %arg5[%parallel_loop3A_126, %parallel_loop3A_127] {strides = array<i32>} : memref<2x10000xi32, #tpu.memory_space<vmem>>, vector<16xi32>,
      tpu.vector_store %arg5[%parallel_loop3A_126, %parallel_loop3A_127], %parallel_loop3A_122 {strides = array<i32>} : memref<2x10000xi32, #tpu.memory_space<vmem>>, vector<16xi32>,
      %parallel_loop3A_129 = arith.constant 1 : i32
      %parallel_loop3A_130 = arith.index_cast %parallel_loop3A_129 : i32 to index
      %parallel_loop3A_131 = arith.index_cast %parallel_loop3A_112 : i32 to index
      %parallel_loop3A_132 = tpu.vector_load %arg8[%parallel_loop3A_130, %parallel_loop3A_131] {strides = array<i32>} : memref<4x2000xf32, #tpu.memory_space<vmem>>, vector<16xf32>,
      %parallel_loop3A_133 = arith.constant 3 : i32
      %parallel_loop3A_134 = arith.index_cast %parallel_loop3A_133 : i32 to index
      %parallel_loop3A_135 = arith.index_cast %parallel_loop3A_112 : i32 to index
      %parallel_loop3A_136 = tpu.vector_load %arg8[%parallel_loop3A_134, %parallel_loop3A_135] {strides = array<i32>} : memref<4x2000xf32, #tpu.memory_space<vmem>>, vector<16xf32>,
      %parallel_loop3A_137 = tpu.pack_subelements %parallel_loop3A_132, %parallel_loop3A_136 {pack_format = #tpu.pack_format<interleaved>, positions = array<i32: 0, 1>} : vector<16xf32>, vector<16xf32> -> vector<32xbf16>
      %parallel_loop3A_138 = vector.bitcast %parallel_loop3A_137 : vector<32xbf16> to vector<16xi32>
      %parallel_loop3A_139 = arith.constant 8000 : i32
      %parallel_loop3A_140 = arith.addi %parallel_loop3A_139, %parallel_loop3A_112 : i32
      %parallel_loop3A_141 = arith.constant 1 : i32
      %parallel_loop3A_142 = arith.index_cast %parallel_loop3A_141 : i32 to index
      %parallel_loop3A_143 = arith.index_cast %parallel_loop3A_140 : i32 to index
      %parallel_loop3A_144 = tpu.vector_load %arg5[%parallel_loop3A_142, %parallel_loop3A_143] {strides = array<i32>} : memref<2x10000xi32, #tpu.memory_space<vmem>>, vector<16xi32>,
      tpu.vector_store %arg5[%parallel_loop3A_142, %parallel_loop3A_143], %parallel_loop3A_138 {strides = array<i32>} : memref<2x10000xi32, #tpu.memory_space<vmem>>, vector<16xi32>,
    } {sc.loop_unroll_factor = 1 : i64, sc.parallel_access}
    %scan3A = arith.constant 0 : i32
    %scan3A_70 = arith.constant 0 : i32
    %scan3A_71 = arith.constant 13 : i32
    %scan3A_72 = arith.addi %scan3A_70, %scan3A_71 : i32
    %scan3A_73 = arith.constant 1 : i32
    scf.for %scan3A_110 = %scan3A_70 to %scan3A_72 step %scan3A_73  : i32 {
      %mul3A_111 = arith.constant 2 : i32
      %mul3A_112 = arith.muli %mul3A_111, %scan3A_110 : i32
      %add3A_113 = arith.constant 0 : i32
      %add3A_114 = arith.addi %mul3A_112, %add3A_113 : i32
      %lt3A = arith.constant 25 : i32
      %lt3A_115 = arith.cmpi slt, %add3A_114, %lt3A : i32
      %convert_element_type3A = arith.extui %lt3A_115 : i1 to i32
      %cond3A = arith.constant 0 : i32
      %cond3A_116 = arith.cmpi ne, %convert_element_type3A, %cond3A : i32
      scf.if %cond3A_116 {
        %add3A_126 = arith.constant 1 : i32
        %add3A_127 = arith.addi %add3A_114, %add3A_126 : i32
        %lt3A_128 = arith.constant 25 : i32
        %lt3A_129 = arith.cmpi slt, %add3A_127, %lt3A_128 : i32
        %convert_element_type3A_130 = arith.extui %lt3A_129 : i1 to i32
        %cond3A_131 = arith.constant 0 : i32
        %cond3A_132 = arith.cmpi ne, %convert_element_type3A_130, %cond3A_131 : i32
        scf.if %cond3A_132 {
          %add3A_200 = arith.constant 1 : i32
          %add3A_201 = arith.addi %add3A_114, %add3A_200 : i32
          %mul3A_202 = arith.constant 400 : i32
          %mul3A_203 = arith.muli %add3A_201, %mul3A_202 : i32
          %dma_start3A_204 = arith.constant 0 : i32
          %dma_start3A_205 = arith.constant 1 : i32
          %dma_start3A_206 = arith.constant 0 : i32
          %dma_start3A_207 = arith.constant 1 : i32
          %dma_start3A_208 = arith.constant 0 : i32
          %dma_start3A_209 = arith.constant 0 : i32
          %dma_start3A_210 = tpu.memref_slice %arg6[%dma_start3A_205, %dma_start3A_206, %dma_start3A_208, %dma_start3A_209] : memref<2x2x32x400xi32, #tpu.memory_space<vmem>> -> memref<1x1x32x400xi32, #tpu.memory_space<vmem>>
          %dma_start3A_211 = tpu.memref_squeeze %dma_start3A_210 : memref<1x1x32x400xi32, #tpu.memory_space<vmem>> -> memref<32x400xi32, #tpu.memory_space<vmem>>
          %dma_start3A_212 = arith.constant 0 : i32
          %dma_start3A_213 = tpu.memref_slice %arg3[%dma_start3A_204, %dma_start3A_212, %mul3A_203] : memref<2x32x10000xi32, #tpu.memory_space<hbm>> -> memref<1x32x400xi32, #tpu.memory_space<hbm>>
          %dma_start3A_214 = tpu.memref_squeeze %dma_start3A_213 : memref<1x32x400xi32, #tpu.memory_space<hbm>> -> memref<32x400xi32, #tpu.memory_space<hbm>>
          %dma_start3A_215 = tpu.memref_slice %arg9[%dma_start3A_207] : memref<2x!tpu.dma_semaphore, #tpu.memory_space<semaphore_mem>> -> memref<1x!tpu.dma_semaphore, #tpu.memory_space<semaphore_mem>>
          %dma_start3A_216 = tpu.memref_squeeze %dma_start3A_215 : memref<1x!tpu.dma_semaphore, #tpu.memory_space<semaphore_mem>> -> memref<!tpu.dma_semaphore, #tpu.memory_space<semaphore_mem>>
          %dma_start3A_217 = arith.constant 0 : i32
          %dma_start3A_218 = arith.constant 0 : i32
          %dma_start3A_219 = tpu.memref_slice %arg6[%dma_start3A_205, %dma_start3A_206, %dma_start3A_217, %dma_start3A_218] : memref<2x2x32x400xi32, #tpu.memory_space<vmem>> -> memref<1x1x32x400xi32, #tpu.memory_space<vmem>>
          %dma_start3A_220 = tpu.memref_squeeze %dma_start3A_219 : memref<1x1x32x400xi32, #tpu.memory_space<vmem>> -> memref<32x400xi32, #tpu.memory_space<vmem>>
          %dma_start3A_221 = arith.constant 0 : i32
          %dma_start3A_222 = tpu.memref_slice %arg3[%dma_start3A_204, %dma_start3A_221, %mul3A_203] : memref<2x32x10000xi32, #tpu.memory_space<hbm>> -> memref<1x32x400xi32, #tpu.memory_space<hbm>>
          %dma_start3A_223 = tpu.memref_squeeze %dma_start3A_222 : memref<1x32x400xi32, #tpu.memory_space<hbm>> -> memref<32x400xi32, #tpu.memory_space<hbm>>
          tpu.enqueue_dma source(%dma_start3A_223 : memref<32x400xi32, #tpu.memory_space<hbm>>) target(%dma_start3A_220 : memref<32x400xi32, #tpu.memory_space<vmem>>) target_semaphore(%dma_start3A_216 : memref<!tpu.dma_semaphore, #tpu.memory_space<semaphore_mem>>)
          %dma_start3A_224 = arith.constant 1 : i32
          %dma_start3A_225 = arith.constant 1 : i32
          %dma_start3A_226 = arith.constant 1 : i32
          %dma_start3A_227 = arith.constant 1 : i32
          %dma_start3A_228 = arith.constant 0 : i32
          %dma_start3A_229 = arith.constant 0 : i32
          %dma_start3A_230 = tpu.memref_slice %arg6[%dma_start3A_225, %dma_start3A_226, %dma_start3A_228, %dma_start3A_229] : memref<2x2x32x400xi32, #tpu.memory_space<vmem>> -> memref<1x1x32x400xi32, #tpu.memory_space<vmem>>
          %dma_start3A_231 = tpu.memref_squeeze %dma_start3A_230 : memref<1x1x32x400xi32, #tpu.memory_space<vmem>> -> memref<32x400xi32, #tpu.memory_space<vmem>>
          %dma_start3A_232 = arith.constant 0 : i32
          %dma_start3A_233 = tpu.memref_slice %arg3[%dma_start3A_224, %dma_start3A_232, %mul3A_203] : memref<2x32x10000xi32, #tpu.memory_space<hbm>> -> memref<1x32x400xi32, #tpu.memory_space<hbm>>
          %dma_start3A_234 = tpu.memref_squeeze %dma_start3A_233 : memref<1x32x400xi32, #tpu.memory_space<hbm>> -> memref<32x400xi32, #tpu.memory_space<hbm>>
          %dma_start3A_235 = tpu.memref_slice %arg9[%dma_start3A_227] : memref<2x!tpu.dma_semaphore, #tpu.memory_space<semaphore_mem>> -> memref<1x!tpu.dma_semaphore, #tpu.memory_space<semaphore_mem>>
          %dma_start3A_236 = tpu.memref_squeeze %dma_start3A_235 : memref<1x!tpu.dma_semaphore, #tpu.memory_space<semaphore_mem>> -> memref<!tpu.dma_semaphore, #tpu.memory_space<semaphore_mem>>
          %dma_start3A_237 = arith.constant 0 : i32
          %dma_start3A_238 = arith.constant 0 : i32
          %dma_start3A_239 = tpu.memref_slice %arg6[%dma_start3A_225, %dma_start3A_226, %dma_start3A_237, %dma_start3A_238] : memref<2x2x32x400xi32, #tpu.memory_space<vmem>> -> memref<1x1x32x400xi32, #tpu.memory_space<vmem>>
          %dma_start3A_240 = tpu.memref_squeeze %dma_start3A_239 : memref<1x1x32x400xi32, #tpu.memory_space<vmem>> -> memref<32x400xi32, #tpu.memory_space<vmem>>
          %dma_start3A_241 = arith.constant 0 : i32
          %dma_start3A_242 = tpu.memref_slice %arg3[%dma_start3A_224, %dma_start3A_241, %mul3A_203] : memref<2x32x10000xi32, #tpu.memory_space<hbm>> -> memref<1x32x400xi32, #tpu.memory_space<hbm>>
          %dma_start3A_243 = tpu.memref_squeeze %dma_start3A_242 : memref<1x32x400xi32, #tpu.memory_space<hbm>> -> memref<32x400xi32, #tpu.memory_space<hbm>>
          tpu.enqueue_dma source(%dma_start3A_243 : memref<32x400xi32, #tpu.memory_space<hbm>>) target(%dma_start3A_240 : memref<32x400xi32, #tpu.memory_space<vmem>>) target_semaphore(%dma_start3A_236 : memref<!tpu.dma_semaphore, #tpu.memory_space<semaphore_mem>>)
        } else {
        }
        %dma_wait3A_133 = arith.constant 0 : i32
        %dma_wait3A_134 = arith.constant 0 : i32
        %dma_wait3A_135 = arith.constant 0 : i32
        %dma_wait3A_136 = arith.constant 0 : i32
        %dma_wait3A_137 = arith.constant 0 : i32
        %dma_wait3A_138 = arith.constant 0 : i32
        %dma_wait3A_139 = tpu.memref_slice %arg6[%dma_wait3A_134, %dma_wait3A_135, %dma_wait3A_137, %dma_wait3A_138] : memref<2x2x32x400xi32, #tpu.memory_space<vmem>> -> memref<1x1x32x400xi32, #tpu.memory_space<vmem>>
        %dma_wait3A_140 = tpu.memref_squeeze %dma_wait3A_139 : memref<1x1x32x400xi32, #tpu.memory_space<vmem>> -> memref<32x400xi32, #tpu.memory_space<vmem>>
        %dma_wait3A_141 = arith.constant 0 : i32
        %dma_wait3A_142 = arith.constant 0 : i32
        %dma_wait3A_143 = tpu.memref_slice %arg3[%dma_wait3A_133, %dma_wait3A_141, %dma_wait3A_142] : memref<2x32x10000xi32, #tpu.memory_space<hbm>> -> memref<1x32x400xi32, #tpu.memory_space<hbm>>
        %dma_wait3A_144 = tpu.memref_squeeze %dma_wait3A_143 : memref<1x32x400xi32, #tpu.memory_space<hbm>> -> memref<32x400xi32, #tpu.memory_space<hbm>>
        %dma_wait3A_145 = tpu.memref_slice %arg9[%dma_wait3A_136] : memref<2x!tpu.dma_semaphore, #tpu.memory_space<semaphore_mem>> -> memref<1x!tpu.dma_semaphore, #tpu.memory_space<semaphore_mem>>
        %dma_wait3A_146 = tpu.memref_squeeze %dma_wait3A_145 : memref<1x!tpu.dma_semaphore, #tpu.memory_space<semaphore_mem>> -> memref<!tpu.dma_semaphore, #tpu.memory_space<semaphore_mem>>
        %dma_wait3A_147 = arith.constant 0 : i32
        %dma_wait3A_148 = arith.constant 0 : i32
        %dma_wait3A_149 = tpu.memref_slice %arg6[%dma_wait3A_134, %dma_wait3A_135, %dma_wait3A_147, %dma_wait3A_148] : memref<2x2x32x400xi32, #tpu.memory_space<vmem>> -> memref<1x1x32x400xi32, #tpu.memory_space<vmem>>
        %dma_wait3A_150 = tpu.memref_squeeze %dma_wait3A_149 : memref<1x1x32x400xi32, #tpu.memory_space<vmem>> -> memref<32x400xi32, #tpu.memory_space<vmem>>
        %dma_wait3A_151 = arith.constant 0 : i32
        %dma_wait3A_152 = arith.constant 0 : i32
        %dma_wait3A_153 = tpu.memref_slice %arg3[%dma_wait3A_133, %dma_wait3A_151, %dma_wait3A_152] : memref<2x32x10000xi32, #tpu.memory_space<hbm>> -> memref<1x32x400xi32, #tpu.memory_space<hbm>>
        %dma_wait3A_154 = tpu.memref_squeeze %dma_wait3A_153 : memref<1x32x400xi32, #tpu.memory_space<hbm>> -> memref<32x400xi32, #tpu.memory_space<hbm>>
        tpu.wait_dma2 semaphore(%dma_wait3A_146 : memref<!tpu.dma_semaphore, #tpu.memory_space<semaphore_mem>>) src(%dma_wait3A_154 : memref<32x400xi32, #tpu.memory_space<hbm>>) dst(%dma_wait3A_150 : memref<32x400xi32, #tpu.memory_space<vmem>>)
        %dma_wait3A_155 = arith.constant 1 : i32
        %dma_wait3A_156 = arith.constant 0 : i32
        %dma_wait3A_157 = arith.constant 1 : i32
        %dma_wait3A_158 = arith.constant 0 : i32
        %dma_wait3A_159 = arith.constant 0 : i32
        %dma_wait3A_160 = arith.constant 0 : i32
        %dma_wait3A_161 = tpu.memref_slice %arg6[%dma_wait3A_156, %dma_wait3A_157, %dma_wait3A_159, %dma_wait3A_160] : memref<2x2x32x400xi32, #tpu.memory_space<vmem>> -> memref<1x1x32x400xi32, #tpu.memory_space<vmem>>
        %dma_wait3A_162 = tpu.memref_squeeze %dma_wait3A_161 : memref<1x1x32x400xi32, #tpu.memory_space<vmem>> -> memref<32x400xi32, #tpu.memory_space<vmem>>
        %dma_wait3A_163 = arith.constant 0 : i32
        %dma_wait3A_164 = arith.constant 0 : i32
        %dma_wait3A_165 = tpu.memref_slice %arg3[%dma_wait3A_155, %dma_wait3A_163, %dma_wait3A_164] : memref<2x32x10000xi32, #tpu.memory_space<hbm>> -> memref<1x32x400xi32, #tpu.memory_space<hbm>>
        %dma_wait3A_166 = tpu.memref_squeeze %dma_wait3A_165 : memref<1x32x400xi32, #tpu.memory_space<hbm>> -> memref<32x400xi32, #tpu.memory_space<hbm>>
        %dma_wait3A_167 = tpu.memref_slice %arg9[%dma_wait3A_158] : memref<2x!tpu.dma_semaphore, #tpu.memory_space<semaphore_mem>> -> memref<1x!tpu.dma_semaphore, #tpu.memory_space<semaphore_mem>>
        %dma_wait3A_168 = tpu.memref_squeeze %dma_wait3A_167 : memref<1x!tpu.dma_semaphore, #tpu.memory_space<semaphore_mem>> -> memref<!tpu.dma_semaphore, #tpu.memory_space<semaphore_mem>>
        %dma_wait3A_169 = arith.constant 0 : i32
        %dma_wait3A_170 = arith.constant 0 : i32
        %dma_wait3A_171 = tpu.memref_slice %arg6[%dma_wait3A_156, %dma_wait3A_157, %dma_wait3A_169, %dma_wait3A_170] : memref<2x2x32x400xi32, #tpu.memory_space<vmem>> -> memref<1x1x32x400xi32, #tpu.memory_space<vmem>>
        %dma_wait3A_172 = tpu.memref_squeeze %dma_wait3A_171 : memref<1x1x32x400xi32, #tpu.memory_space<vmem>> -> memref<32x400xi32, #tpu.memory_space<vmem>>
        %dma_wait3A_173 = arith.constant 0 : i32
        %dma_wait3A_174 = arith.constant 0 : i32
        %dma_wait3A_175 = tpu.memref_slice %arg3[%dma_wait3A_155, %dma_wait3A_173, %dma_wait3A_174] : memref<2x32x10000xi32, #tpu.memory_space<hbm>> -> memref<1x32x400xi32, #tpu.memory_space<hbm>>
        %dma_wait3A_176 = tpu.memref_squeeze %dma_wait3A_175 : memref<1x32x400xi32, #tpu.memory_space<hbm>> -> memref<32x400xi32, #tpu.memory_space<hbm>>
        tpu.wait_dma2 semaphore(%dma_wait3A_168 : memref<!tpu.dma_semaphore, #tpu.memory_space<semaphore_mem>>) src(%dma_wait3A_176 : memref<32x400xi32, #tpu.memory_space<hbm>>) dst(%dma_wait3A_172 : memref<32x400xi32, #tpu.memory_space<vmem>>)
        %mul3A_177 = arith.constant 400 : i32
        %mul3A_178 = arith.muli %add3A_114, %mul3A_177 : i32
        %ge3A = arith.constant 2 : i32
        %ge3A_179 = arith.cmpi sge, %add3A_114, %ge3A : i32
        %convert_element_type3A_180 = arith.extui %ge3A_179 : i1 to i32
        %cond3A_181 = arith.constant 0 : i32
        %cond3A_182 = arith.cmpi ne, %convert_element_type3A_180, %cond3A_181 : i32
        scf.if %cond3A_182 {
          %dma_wait3A_200 = arith.constant 0 : i32
          %dma_wait3A_201 = arith.constant 0 : i32
          %dma_wait3A_202 = arith.constant 0 : i32
          %dma_wait3A_203 = arith.constant 0 : i32
          %dma_wait3A_204 = tpu.memref_slice %arg7[%dma_wait3A_200, %dma_wait3A_202, %dma_wait3A_203] : memref<2x2x400xi32, #tpu.memory_space<vmem>> -> memref<1x2x400xi32, #tpu.memory_space<vmem>>
          %dma_wait3A_205 = tpu.memref_squeeze %dma_wait3A_204 : memref<1x2x400xi32, #tpu.memory_space<vmem>> -> memref<2x400xi32, #tpu.memory_space<vmem>>
          %dma_wait3A_206 = arith.constant 0 : i32
          %dma_wait3A_207 = arith.constant 0 : i32
          %dma_wait3A_208 = tpu.memref_slice %arg4[%dma_wait3A_206, %dma_wait3A_207] : memref<64x10000xi32, #tpu.memory_space<hbm>> -> memref<2x400xi32, #tpu.memory_space<hbm>>
          %dma_wait3A_209 = tpu.memref_slice %arg10[%dma_wait3A_201] : memref<2x!tpu.dma_semaphore, #tpu.memory_space<semaphore_mem>> -> memref<1x!tpu.dma_semaphore, #tpu.memory_space<semaphore_mem>>
          %dma_wait3A_210 = tpu.memref_squeeze %dma_wait3A_209 : memref<1x!tpu.dma_semaphore, #tpu.memory_space<semaphore_mem>> -> memref<!tpu.dma_semaphore, #tpu.memory_space<semaphore_mem>>
          %dma_wait3A_211 = arith.constant 0 : i32
          %dma_wait3A_212 = arith.constant 0 : i32
          %dma_wait3A_213 = tpu.memref_slice %arg4[%dma_wait3A_211, %dma_wait3A_212] : memref<64x10000xi32, #tpu.memory_space<hbm>> -> memref<2x400xi32, #tpu.memory_space<hbm>>
          %dma_wait3A_214 = arith.constant 0 : i32
          %dma_wait3A_215 = arith.constant 0 : i32
          %dma_wait3A_216 = tpu.memref_slice %arg7[%dma_wait3A_200, %dma_wait3A_214, %dma_wait3A_215] : memref<2x2x400xi32, #tpu.memory_space<vmem>> -> memref<1x2x400xi32, #tpu.memory_space<vmem>>
          %dma_wait3A_217 = tpu.memref_squeeze %dma_wait3A_216 : memref<1x2x400xi32, #tpu.memory_space<vmem>> -> memref<2x400xi32, #tpu.memory_space<vmem>>
          tpu.wait_dma2 semaphore(%dma_wait3A_210 : memref<!tpu.dma_semaphore, #tpu.memory_space<semaphore_mem>>) src(%dma_wait3A_217 : memref<2x400xi32, #tpu.memory_space<vmem>>) dst(%dma_wait3A_213 : memref<2x400xi32, #tpu.memory_space<hbm>>)
        } else {
        }
        %parallel_loop3A_183 = arith.constant 0 : i32
        %parallel_loop3A_184 = arith.constant 25 : i32
        %parallel_loop3A_185 = arith.constant 1 : i32
        scf.for %parallel_loop3A_200 = %parallel_loop3A_183 to %parallel_loop3A_184 step %parallel_loop3A_185  : i32 {
          %parallel_loop3A_201 = arith.constant 16 : i32
          %parallel_loop3A_202 = arith.muli %parallel_loop3A_200, %parallel_loop3A_201 : i32
          %parallel_loop3A_203 = arith.constant -8388737 : i32
          %parallel_loop3A_204 = vector.broadcast %parallel_loop3A_203 : i32 to vector<16xi32>
          %parallel_loop3A_205 = vector.bitcast %parallel_loop3A_204 : vector<16xi32> to vector<32xbf16>
          %parallel_loop3A_206 = arith.constant 0 : i32
          %parallel_loop3A_207 = arith.constant 4 : i32
          %parallel_loop3A_208 = arith.addi %parallel_loop3A_206, %parallel_loop3A_207 : i32
          %parallel_loop3A_209 = arith.constant 1 : i32
          %parallel_loop3A_210:2 = scf.for %scan3A_226 = %parallel_loop3A_206 to %parallel_loop3A_208 step %parallel_loop3A_209 iter_args(%scan3A_227 = %parallel_loop3A_205, %scan3A_228 = %parallel_loop3A_205) -> (vector<32xbf16>, vector<32xbf16>)  : i32 {
            %parallel_loop3A_229 = arith.constant 8 : i32
            %parallel_loop3A_230 = arith.muli %scan3A_226, %parallel_loop3A_229 : i32
            %parallel_loop3A_231 = arith.constant 0 : i32
            %parallel_loop3A_232 = arith.addi %parallel_loop3A_230, %parallel_loop3A_231 : i32
            %parallel_loop3A_233 = arith.constant 0 : i32
            %parallel_loop3A_234 = arith.constant 0 : i32
            %parallel_loop3A_235 = arith.index_cast %parallel_loop3A_233 : i32 to index
            %parallel_loop3A_236 = arith.index_cast %parallel_loop3A_234 : i32 to index
            %parallel_loop3A_237 = arith.index_cast %parallel_loop3A_232 : i32 to index
            %parallel_loop3A_238 = arith.index_cast %parallel_loop3A_202 : i32 to index
            %parallel_loop3A_239 = tpu.vector_load %arg6[%parallel_loop3A_235, %parallel_loop3A_236, %parallel_loop3A_237, %parallel_loop3A_238] {strides = array<i32>} : memref<2x2x32x400xi32, #tpu.memory_space<vmem>>, vector<16xi32>,
            %parallel_loop3A_240 = arith.constant 0 : i32
            %parallel_loop3A_241 = arith.constant 1 : i32
            %parallel_loop3A_242 = arith.index_cast %parallel_loop3A_240 : i32 to index
            %parallel_loop3A_243 = arith.index_cast %parallel_loop3A_241 : i32 to index
            %parallel_loop3A_244 = arith.index_cast %parallel_loop3A_232 : i32 to index
            %parallel_loop3A_245 = arith.index_cast %parallel_loop3A_202 : i32 to index
            %parallel_loop3A_246 = tpu.vector_load %arg6[%parallel_loop3A_242, %parallel_loop3A_243, %parallel_loop3A_244, %parallel_loop3A_245] {strides = array<i32>} : memref<2x2x32x400xi32, #tpu.memory_space<vmem>>, vector<16xi32>,
            %parallel_loop3A_247 = arith.cmpi ne, %parallel_loop3A_239, %parallel_loop3A_246 : vector<16xi32>
            %parallel_loop3A_248 = arith.constant 2139062143 : i32
            %parallel_loop3A_249 = arith.constant -8388737 : i32
            %parallel_loop3A_250 = vector.broadcast %parallel_loop3A_248 : i32 to vector<16xi32>
            %parallel_loop3A_251 = vector.broadcast %parallel_loop3A_249 : i32 to vector<16xi32>
            %parallel_loop3A_252 = arith.select %parallel_loop3A_247, %parallel_loop3A_250, %parallel_loop3A_251 : vector<16xi1>, vector<16xi32>
            %parallel_loop3A_253 = vector.bitcast %parallel_loop3A_252 : vector<16xi32> to vector<32xbf16>
            %parallel_loop3A_254 = arith.constant 0 : i32
            %parallel_loop3A_255 = arith.constant 0 : i32
            %parallel_loop3A_256 = tpu.memref_slice %arg5[%parallel_loop3A_254, %parallel_loop3A_255] : memref<2x10000xi32, #tpu.memory_space<vmem>> -> memref<1x10000xi32, #tpu.memory_space<vmem>>
            %parallel_loop3A_257 = tpu.memref_squeeze %parallel_loop3A_256 : memref<1x10000xi32, #tpu.memory_space<vmem>> -> memref<10000xi32, #tpu.memory_space<vmem>>
            %parallel_loop3A_258 = tpu.vector_load_idx %parallel_loop3A_257[%parallel_loop3A_239] : memref<10000xi32, #tpu.memory_space<vmem>>[vector<16xi32>], vector<16xi32>,
            %parallel_loop3A_259 = vector.bitcast %parallel_loop3A_258 : vector<16xi32> to vector<32xbf16>
            %parallel_loop3A_260 = arith.constant 0 : i32
            %parallel_loop3A_261 = arith.constant 0 : i32
            %parallel_loop3A_262 = tpu.memref_slice %arg5[%parallel_loop3A_260, %parallel_loop3A_261] : memref<2x10000xi32, #tpu.memory_space<vmem>> -> memref<1x10000xi32, #tpu.memory_space<vmem>>
            %parallel_loop3A_263 = tpu.memref_squeeze %parallel_loop3A_262 : memref<1x10000xi32, #tpu.memory_space<vmem>> -> memref<10000xi32, #tpu.memory_space<vmem>>
            %parallel_loop3A_264 = tpu.vector_load_idx %parallel_loop3A_263[%parallel_loop3A_246] : memref<10000xi32, #tpu.memory_space<vmem>>[vector<16xi32>], vector<16xi32>,
            %parallel_loop3A_265 = vector.bitcast %parallel_loop3A_264 : vector<16xi32> to vector<32xbf16>
            %parallel_loop3A_266 = arith.subf %parallel_loop3A_259, %parallel_loop3A_265 : vector<32xbf16>
            %parallel_loop3A_267 = arith.minimumf %parallel_loop3A_266, %parallel_loop3A_253 : vector<32xbf16>
            %parallel_loop3A_268 = arith.maximumf %scan3A_227, %parallel_loop3A_267 : vector<32xbf16>
            %parallel_loop3A_269 = arith.constant 1 : i32
            %parallel_loop3A_270 = arith.constant 0 : i32
            %parallel_loop3A_271 = tpu.memref_slice %arg5[%parallel_loop3A_269, %parallel_loop3A_270] : memref<2x10000xi32, #tpu.memory_space<vmem>> -> memref<1x10000xi32, #tpu.memory_space<vmem>>
            %parallel_loop3A_272 = tpu.memref_squeeze %parallel_loop3A_271 : memref<1x10000xi32, #tpu.memory_space<vmem>> -> memref<10000xi32, #tpu.memory_space<vmem>>
            %parallel_loop3A_273 = tpu.vector_load_idx %parallel_loop3A_272[%parallel_loop3A_239] : memref<10000xi32, #tpu.memory_space<vmem>>[vector<16xi32>], vector<16xi32>,
            %parallel_loop3A_274 = vector.bitcast %parallel_loop3A_273 : vector<16xi32> to vector<32xbf16>
            %parallel_loop3A_275 = arith.constant 1 : i32
            %parallel_loop3A_276 = arith.constant 0 : i32
            %parallel_loop3A_277 = tpu.memref_slice %arg5[%parallel_loop3A_275, %parallel_loop3A_276] : memref<2x10000xi32, #tpu.memory_space<vmem>> -> memref<1x10000xi32, #tpu.memory_space<vmem>>
            %parallel_loop3A_278 = tpu.memref_squeeze %parallel_loop3A_277 : memref<1x10000xi32, #tpu.memory_space<vmem>> -> memref<10000xi32, #tpu.memory_space<vmem>>
            %parallel_loop3A_279 = tpu.vector_load_idx %parallel_loop3A_278[%parallel_loop3A_246] : memref<10000xi32, #tpu.memory_space<vmem>>[vector<16xi32>], vector<16xi32>,
            %parallel_loop3A_280 = vector.bitcast %parallel_loop3A_279 : vector<16xi32> to vector<32xbf16>
            %parallel_loop3A_281 = arith.subf %parallel_loop3A_274, %parallel_loop3A_280 : vector<32xbf16>
            %parallel_loop3A_282 = arith.minimumf %parallel_loop3A_281, %parallel_loop3A_253 : vector<32xbf16>
            %parallel_loop3A_283 = arith.maximumf %scan3A_228, %parallel_loop3A_282 : vector<32xbf16>
            %parallel_loop3A_284 = arith.constant 8 : i32
            %parallel_loop3A_285 = arith.muli %scan3A_226, %parallel_loop3A_284 : i32
            %parallel_loop3A_286 = arith.constant 1 : i32
            %parallel_loop3A_287 = arith.addi %parallel_loop3A_285, %parallel_loop3A_286 : i32
            %parallel_loop3A_288 = arith.constant 0 : i32
            %parallel_loop3A_289 = arith.constant 0 : i32
            %parallel_loop3A_290 = arith.index_cast %parallel_loop3A_288 : i32 to index
            %parallel_loop3A_291 = arith.index_cast %parallel_loop3A_289 : i32 to index
            %parallel_loop3A_292 = arith.index_cast %parallel_loop3A_287 : i32 to index
            %parallel_loop3A_293 = arith.index_cast %parallel_loop3A_202 : i32 to index
            %parallel_loop3A_294 = tpu.vector_load %arg6[%parallel_loop3A_290, %parallel_loop3A_291, %parallel_loop3A_292, %parallel_loop3A_293] {strides = array<i32>} : memref<2x2x32x400xi32, #tpu.memory_space<vmem>>, vector<16xi32>,
            %parallel_loop3A_295 = arith.constant 0 : i32
            %parallel_loop3A_296 = arith.constant 1 : i32
            %parallel_loop3A_297 = arith.index_cast %parallel_loop3A_295 : i32 to index
            %parallel_loop3A_298 = arith.index_cast %parallel_loop3A_296 : i32 to index
            %parallel_loop3A_299 = arith.index_cast %parallel_loop3A_287 : i32 to index
            %parallel_loop3A_300 = arith.index_cast %parallel_loop3A_202 : i32 to index
            %parallel_loop3A_301 = tpu.vector_load %arg6[%parallel_loop3A_297, %parallel_loop3A_298, %parallel_loop3A_299, %parallel_loop3A_300] {strides = array<i32>} : memref<2x2x32x400xi32, #tpu.memory_space<vmem>>, vector<16xi32>,
            %parallel_loop3A_302 = arith.cmpi ne, %parallel_loop3A_294, %parallel_loop3A_301 : vector<16xi32>
            %parallel_loop3A_303 = arith.constant 2139062143 : i32
            %parallel_loop3A_304 = arith.constant -8388737 : i32
            %parallel_loop3A_305 = vector.broadcast %parallel_loop3A_303 : i32 to vector<16xi32>
            %parallel_loop3A_306 = vector.broadcast %parallel_loop3A_304 : i32 to vector<16xi32>
            %parallel_loop3A_307 = arith.select %parallel_loop3A_302, %parallel_loop3A_305, %parallel_loop3A_306 : vector<16xi1>, vector<16xi32>
            %parallel_loop3A_308 = vector.bitcast %parallel_loop3A_307 : vector<16xi32> to vector<32xbf16>
            %parallel_loop3A_309 = arith.constant 0 : i32
            %parallel_loop3A_310 = arith.constant 0 : i32
            %parallel_loop3A_311 = tpu.memref_slice %arg5[%parallel_loop3A_309, %parallel_loop3A_310] : memref<2x10000xi32, #tpu.memory_space<vmem>> -> memref<1x10000xi32, #tpu.memory_space<vmem>>
            %parallel_loop3A_312 = tpu.memref_squeeze %parallel_loop3A_311 : memref<1x10000xi32, #tpu.memory_space<vmem>> -> memref<10000xi32, #tpu.memory_space<vmem>>
            %parallel_loop3A_313 = tpu.vector_load_idx %parallel_loop3A_312[%parallel_loop3A_294] : memref<10000xi32, #tpu.memory_space<vmem>>[vector<16xi32>], vector<16xi32>,
            %parallel_loop3A_314 = vector.bitcast %parallel_loop3A_313 : vector<16xi32> to vector<32xbf16>
            %parallel_loop3A_315 = arith.constant 0 : i32
            %parallel_loop3A_316 = arith.constant 0 : i32
            %parallel_loop3A_317 = tpu.memref_slice %arg5[%parallel_loop3A_315, %parallel_loop3A_316] : memref<2x10000xi32, #tpu.memory_space<vmem>> -> memref<1x10000xi32, #tpu.memory_space<vmem>>
            %parallel_loop3A_318 = tpu.memref_squeeze %parallel_loop3A_317 : memref<1x10000xi32, #tpu.memory_space<vmem>> -> memref<10000xi32, #tpu.memory_space<vmem>>
            %parallel_loop3A_319 = tpu.vector_load_idx %parallel_loop3A_318[%parallel_loop3A_301] : memref<10000xi32, #tpu.memory_space<vmem>>[vector<16xi32>], vector<16xi32>,
            %parallel_loop3A_320 = vector.bitcast %parallel_loop3A_319 : vector<16xi32> to vector<32xbf16>
            %parallel_loop3A_321 = arith.subf %parallel_loop3A_314, %parallel_loop3A_320 : vector<32xbf16>
            %parallel_loop3A_322 = arith.minimumf %parallel_loop3A_321, %parallel_loop3A_308 : vector<32xbf16>
            %parallel_loop3A_323 = arith.maximumf %parallel_loop3A_268, %parallel_loop3A_322 : vector<32xbf16>
            %parallel_loop3A_324 = arith.constant 1 : i32
            %parallel_loop3A_325 = arith.constant 0 : i32
            %parallel_loop3A_326 = tpu.memref_slice %arg5[%parallel_loop3A_324, %parallel_loop3A_325] : memref<2x10000xi32, #tpu.memory_space<vmem>> -> memref<1x10000xi32, #tpu.memory_space<vmem>>
            %parallel_loop3A_327 = tpu.memref_squeeze %parallel_loop3A_326 : memref<1x10000xi32, #tpu.memory_space<vmem>> -> memref<10000xi32, #tpu.memory_space<vmem>>
            %parallel_loop3A_328 = tpu.vector_load_idx %parallel_loop3A_327[%parallel_loop3A_294] : memref<10000xi32, #tpu.memory_space<vmem>>[vector<16xi32>], vector<16xi32>,
            %parallel_loop3A_329 = vector.bitcast %parallel_loop3A_328 : vector<16xi32> to vector<32xbf16>
            %parallel_loop3A_330 = arith.constant 1 : i32
            %parallel_loop3A_331 = arith.constant 0 : i32
            %parallel_loop3A_332 = tpu.memref_slice %arg5[%parallel_loop3A_330, %parallel_loop3A_331] : memref<2x10000xi32, #tpu.memory_space<vmem>> -> memref<1x10000xi32, #tpu.memory_space<vmem>>
            %parallel_loop3A_333 = tpu.memref_squeeze %parallel_loop3A_332 : memref<1x10000xi32, #tpu.memory_space<vmem>> -> memref<10000xi32, #tpu.memory_space<vmem>>
            %parallel_loop3A_334 = tpu.vector_load_idx %parallel_loop3A_333[%parallel_loop3A_301] : memref<10000xi32, #tpu.memory_space<vmem>>[vector<16xi32>], vector<16xi32>,
            %parallel_loop3A_335 = vector.bitcast %parallel_loop3A_334 : vector<16xi32> to vector<32xbf16>
            %parallel_loop3A_336 = arith.subf %parallel_loop3A_329, %parallel_loop3A_335 : vector<32xbf16>
            %parallel_loop3A_337 = arith.minimumf %parallel_loop3A_336, %parallel_loop3A_308 : vector<32xbf16>
            %parallel_loop3A_338 = arith.maximumf %parallel_loop3A_283, %parallel_loop3A_337 : vector<32xbf16>
            %parallel_loop3A_339 = arith.constant 8 : i32
            %parallel_loop3A_340 = arith.muli %scan3A_226, %parallel_loop3A_339 : i32
            %parallel_loop3A_341 = arith.constant 2 : i32
            %parallel_loop3A_342 = arith.addi %parallel_loop3A_340, %parallel_loop3A_341 : i32
            %parallel_loop3A_343 = arith.constant 0 : i32
            %parallel_loop3A_344 = arith.constant 0 : i32
            %parallel_loop3A_345 = arith.index_cast %parallel_loop3A_343 : i32 to index
            %parallel_loop3A_346 = arith.index_cast %parallel_loop3A_344 : i32 to index
            %parallel_loop3A_347 = arith.index_cast %parallel_loop3A_342 : i32 to index
            %parallel_loop3A_348 = arith.index_cast %parallel_loop3A_202 : i32 to index
            %parallel_loop3A_349 = tpu.vector_load %arg6[%parallel_loop3A_345, %parallel_loop3A_346, %parallel_loop3A_347, %parallel_loop3A_348] {strides = array<i32>} : memref<2x2x32x400xi32, #tpu.memory_space<vmem>>, vector<16xi32>,
            %parallel_loop3A_350 = arith.constant 0 : i32
            %parallel_loop3A_351 = arith.constant 1 : i32
            %parallel_loop3A_352 = arith.index_cast %parallel_loop3A_350 : i32 to index
            %parallel_loop3A_353 = arith.index_cast %parallel_loop3A_351 : i32 to index
            %parallel_loop3A_354 = arith.index_cast %parallel_loop3A_342 : i32 to index
            %parallel_loop3A_355 = arith.index_cast %parallel_loop3A_202 : i32 to index
            %parallel_loop3A_356 = tpu.vector_load %arg6[%parallel_loop3A_352, %parallel_loop3A_353, %parallel_loop3A_354, %parallel_loop3A_355] {strides = array<i32>} : memref<2x2x32x400xi32, #tpu.memory_space<vmem>>, vector<16xi32>,
            %parallel_loop3A_357 = arith.cmpi ne, %parallel_loop3A_349, %parallel_loop3A_356 : vector<16xi32>
            %parallel_loop3A_358 = arith.constant 2139062143 : i32
            %parallel_loop3A_359 = arith.constant -8388737 : i32
            %parallel_loop3A_360 = vector.broadcast %parallel_loop3A_358 : i32 to vector<16xi32>
            %parallel_loop3A_361 = vector.broadcast %parallel_loop3A_359 : i32 to vector<16xi32>
            %parallel_loop3A_362 = arith.select %parallel_loop3A_357, %parallel_loop3A_360, %parallel_loop3A_361 : vector<16xi1>, vector<16xi32>
            %parallel_loop3A_363 = vector.bitcast %parallel_loop3A_362 : vector<16xi32> to vector<32xbf16>
            %parallel_loop3A_364 = arith.constant 0 : i32
            %parallel_loop3A_365 = arith.constant 0 : i32
            %parallel_loop3A_366 = tpu.memref_slice %arg5[%parallel_loop3A_364, %parallel_loop3A_365] : memref<2x10000xi32, #tpu.memory_space<vmem>> -> memref<1x10000xi32, #tpu.memory_space<vmem>>
            %parallel_loop3A_367 = tpu.memref_squeeze %parallel_loop3A_366 : memref<1x10000xi32, #tpu.memory_space<vmem>> -> memref<10000xi32, #tpu.memory_space<vmem>>
            %parallel_loop3A_368 = tpu.vector_load_idx %parallel_loop3A_367[%parallel_loop3A_349] : memref<10000xi32, #tpu.memory_space<vmem>>[vector<16xi32>], vector<16xi32>,
            %parallel_loop3A_369 = vector.bitcast %parallel_loop3A_368 : vector<16xi32> to vector<32xbf16>
            %parallel_loop3A_370 = arith.constant 0 : i32
            %parallel_loop3A_371 = arith.constant 0 : i32
            %parallel_loop3A_372 = tpu.memref_slice %arg5[%parallel_loop3A_370, %parallel_loop3A_371] : memref<2x10000xi32, #tpu.memory_space<vmem>> -> memref<1x10000xi32, #tpu.memory_space<vmem>>
            %parallel_loop3A_373 = tpu.memref_squeeze %parallel_loop3A_372 : memref<1x10000xi32, #tpu.memory_space<vmem>> -> memref<10000xi32, #tpu.memory_space<vmem>>
            %parallel_loop3A_374 = tpu.vector_load_idx %parallel_loop3A_373[%parallel_loop3A_356] : memref<10000xi32, #tpu.memory_space<vmem>>[vector<16xi32>], vector<16xi32>,
            %parallel_loop3A_375 = vector.bitcast %parallel_loop3A_374 : vector<16xi32> to vector<32xbf16>
            %parallel_loop3A_376 = arith.subf %parallel_loop3A_369, %parallel_loop3A_375 : vector<32xbf16>
            %parallel_loop3A_377 = arith.minimumf %parallel_loop3A_376, %parallel_loop3A_363 : vector<32xbf16>
            %parallel_loop3A_378 = arith.maximumf %parallel_loop3A_323, %parallel_loop3A_377 : vector<32xbf16>
            %parallel_loop3A_379 = arith.constant 1 : i32
            %parallel_loop3A_380 = arith.constant 0 : i32
            %parallel_loop3A_381 = tpu.memref_slice %arg5[%parallel_loop3A_379, %parallel_loop3A_380] : memref<2x10000xi32, #tpu.memory_space<vmem>> -> memref<1x10000xi32, #tpu.memory_space<vmem>>
            %parallel_loop3A_382 = tpu.memref_squeeze %parallel_loop3A_381 : memref<1x10000xi32, #tpu.memory_space<vmem>> -> memref<10000xi32, #tpu.memory_space<vmem>>
            %parallel_loop3A_383 = tpu.vector_load_idx %parallel_loop3A_382[%parallel_loop3A_349] : memref<10000xi32, #tpu.memory_space<vmem>>[vector<16xi32>], vector<16xi32>,
            %parallel_loop3A_384 = vector.bitcast %parallel_loop3A_383 : vector<16xi32> to vector<32xbf16>
            %parallel_loop3A_385 = arith.constant 1 : i32
            %parallel_loop3A_386 = arith.constant 0 : i32
            %parallel_loop3A_387 = tpu.memref_slice %arg5[%parallel_loop3A_385, %parallel_loop3A_386] : memref<2x10000xi32, #tpu.memory_space<vmem>> -> memref<1x10000xi32, #tpu.memory_space<vmem>>
            %parallel_loop3A_388 = tpu.memref_squeeze %parallel_loop3A_387 : memref<1x10000xi32, #tpu.memory_space<vmem>> -> memref<10000xi32, #tpu.memory_space<vmem>>
            %parallel_loop3A_389 = tpu.vector_load_idx %parallel_loop3A_388[%parallel_loop3A_356] : memref<10000xi32, #tpu.memory_space<vmem>>[vector<16xi32>], vector<16xi32>,
            %parallel_loop3A_390 = vector.bitcast %parallel_loop3A_389 : vector<16xi32> to vector<32xbf16>
            %parallel_loop3A_391 = arith.subf %parallel_loop3A_384, %parallel_loop3A_390 : vector<32xbf16>
            %parallel_loop3A_392 = arith.minimumf %parallel_loop3A_391, %parallel_loop3A_363 : vector<32xbf16>
            %parallel_loop3A_393 = arith.maximumf %parallel_loop3A_338, %parallel_loop3A_392 : vector<32xbf16>
            %parallel_loop3A_394 = arith.constant 8 : i32
            %parallel_loop3A_395 = arith.muli %scan3A_226, %parallel_loop3A_394 : i32
            %parallel_loop3A_396 = arith.constant 3 : i32
            %parallel_loop3A_397 = arith.addi %parallel_loop3A_395, %parallel_loop3A_396 : i32
            %parallel_loop3A_398 = arith.constant 0 : i32
            %parallel_loop3A_399 = arith.constant 0 : i32
            %parallel_loop3A_400 = arith.index_cast %parallel_loop3A_398 : i32 to index
            %parallel_loop3A_401 = arith.index_cast %parallel_loop3A_399 : i32 to index
            %parallel_loop3A_402 = arith.index_cast %parallel_loop3A_397 : i32 to index
            %parallel_loop3A_403 = arith.index_cast %parallel_loop3A_202 : i32 to index
            %parallel_loop3A_404 = tpu.vector_load %arg6[%parallel_loop3A_400, %parallel_loop3A_401, %parallel_loop3A_402, %parallel_loop3A_403] {strides = array<i32>} : memref<2x2x32x400xi32, #tpu.memory_space<vmem>>, vector<16xi32>,
            %parallel_loop3A_405 = arith.constant 0 : i32
            %parallel_loop3A_406 = arith.constant 1 : i32
            %parallel_loop3A_407 = arith.index_cast %parallel_loop3A_405 : i32 to index
            %parallel_loop3A_408 = arith.index_cast %parallel_loop3A_406 : i32 to index
            %parallel_loop3A_409 = arith.index_cast %parallel_loop3A_397 : i32 to index
            %parallel_loop3A_410 = arith.index_cast %parallel_loop3A_202 : i32 to index
            %parallel_loop3A_411 = tpu.vector_load %arg6[%parallel_loop3A_407, %parallel_loop3A_408, %parallel_loop3A_409, %parallel_loop3A_410] {strides = array<i32>} : memref<2x2x32x400xi32, #tpu.memory_space<vmem>>, vector<16xi32>,
            %parallel_loop3A_412 = arith.cmpi ne, %parallel_loop3A_404, %parallel_loop3A_411 : vector<16xi32>
            %parallel_loop3A_413 = arith.constant 2139062143 : i32
            %parallel_loop3A_414 = arith.constant -8388737 : i32
            %parallel_loop3A_415 = vector.broadcast %parallel_loop3A_413 : i32 to vector<16xi32>
            %parallel_loop3A_416 = vector.broadcast %parallel_loop3A_414 : i32 to vector<16xi32>
            %parallel_loop3A_417 = arith.select %parallel_loop3A_412, %parallel_loop3A_415, %parallel_loop3A_416 : vector<16xi1>, vector<16xi32>
            %parallel_loop3A_418 = vector.bitcast %parallel_loop3A_417 : vector<16xi32> to vector<32xbf16>
            %parallel_loop3A_419 = arith.constant 0 : i32
            %parallel_loop3A_420 = arith.constant 0 : i32
            %parallel_loop3A_421 = tpu.memref_slice %arg5[%parallel_loop3A_419, %parallel_loop3A_420] : memref<2x10000xi32, #tpu.memory_space<vmem>> -> memref<1x10000xi32, #tpu.memory_space<vmem>>
            %parallel_loop3A_422 = tpu.memref_squeeze %parallel_loop3A_421 : memref<1x10000xi32, #tpu.memory_space<vmem>> -> memref<10000xi32, #tpu.memory_space<vmem>>
            %parallel_loop3A_423 = tpu.vector_load_idx %parallel_loop3A_422[%parallel_loop3A_404] : memref<10000xi32, #tpu.memory_space<vmem>>[vector<16xi32>], vector<16xi32>,
            %parallel_loop3A_424 = vector.bitcast %parallel_loop3A_423 : vector<16xi32> to vector<32xbf16>
            %parallel_loop3A_425 = arith.constant 0 : i32
            %parallel_loop3A_426 = arith.constant 0 : i32
            %parallel_loop3A_427 = tpu.memref_slice %arg5[%parallel_loop3A_425, %parallel_loop3A_426] : memref<2x10000xi32, #tpu.memory_space<vmem>> -> memref<1x10000xi32, #tpu.memory_space<vmem>>
            %parallel_loop3A_428 = tpu.memref_squeeze %parallel_loop3A_427 : memref<1x10000xi32, #tpu.memory_space<vmem>> -> memref<10000xi32, #tpu.memory_space<vmem>>
            %parallel_loop3A_429 = tpu.vector_load_idx %parallel_loop3A_428[%parallel_loop3A_411] : memref<10000xi32, #tpu.memory_space<vmem>>[vector<16xi32>], vector<16xi32>,
            %parallel_loop3A_430 = vector.bitcast %parallel_loop3A_429 : vector<16xi32> to vector<32xbf16>
            %parallel_loop3A_431 = arith.subf %parallel_loop3A_424, %parallel_loop3A_430 : vector<32xbf16>
            %parallel_loop3A_432 = arith.minimumf %parallel_loop3A_431, %parallel_loop3A_418 : vector<32xbf16>
            %parallel_loop3A_433 = arith.maximumf %parallel_loop3A_378, %parallel_loop3A_432 : vector<32xbf16>
            %parallel_loop3A_434 = arith.constant 1 : i32
            %parallel_loop3A_435 = arith.constant 0 : i32
            %parallel_loop3A_436 = tpu.memref_slice %arg5[%parallel_loop3A_434, %parallel_loop3A_435] : memref<2x10000xi32, #tpu.memory_space<vmem>> -> memref<1x10000xi32, #tpu.memory_space<vmem>>
            %parallel_loop3A_437 = tpu.memref_squeeze %parallel_loop3A_436 : memref<1x10000xi32, #tpu.memory_space<vmem>> -> memref<10000xi32, #tpu.memory_space<vmem>>
            %parallel_loop3A_438 = tpu.vector_load_idx %parallel_loop3A_437[%parallel_loop3A_404] : memref<10000xi32, #tpu.memory_space<vmem>>[vector<16xi32>], vector<16xi32>,
            %parallel_loop3A_439 = vector.bitcast %parallel_loop3A_438 : vector<16xi32> to vector<32xbf16>
            %parallel_loop3A_440 = arith.constant 1 : i32
            %parallel_loop3A_441 = arith.constant 0 : i32
            %parallel_loop3A_442 = tpu.memref_slice %arg5[%parallel_loop3A_440, %parallel_loop3A_441] : memref<2x10000xi32, #tpu.memory_space<vmem>> -> memref<1x10000xi32, #tpu.memory_space<vmem>>
            %parallel_loop3A_443 = tpu.memref_squeeze %parallel_loop3A_442 : memref<1x10000xi32, #tpu.memory_space<vmem>> -> memref<10000xi32, #tpu.memory_space<vmem>>
            %parallel_loop3A_444 = tpu.vector_load_idx %parallel_loop3A_443[%parallel_loop3A_411] : memref<10000xi32, #tpu.memory_space<vmem>>[vector<16xi32>], vector<16xi32>,
            %parallel_loop3A_445 = vector.bitcast %parallel_loop3A_444 : vector<16xi32> to vector<32xbf16>
            %parallel_loop3A_446 = arith.subf %parallel_loop3A_439, %parallel_loop3A_445 : vector<32xbf16>
            %parallel_loop3A_447 = arith.minimumf %parallel_loop3A_446, %parallel_loop3A_418 : vector<32xbf16>
            %parallel_loop3A_448 = arith.maximumf %parallel_loop3A_393, %parallel_loop3A_447 : vector<32xbf16>
            %parallel_loop3A_449 = arith.constant 8 : i32
            %parallel_loop3A_450 = arith.muli %scan3A_226, %parallel_loop3A_449 : i32
            %parallel_loop3A_451 = arith.constant 4 : i32
            %parallel_loop3A_452 = arith.addi %parallel_loop3A_450, %parallel_loop3A_451 : i32
            %parallel_loop3A_453 = arith.constant 0 : i32
            %parallel_loop3A_454 = arith.constant 0 : i32
            %parallel_loop3A_455 = arith.index_cast %parallel_loop3A_453 : i32 to index
            %parallel_loop3A_456 = arith.index_cast %parallel_loop3A_454 : i32 to index
            %parallel_loop3A_457 = arith.index_cast %parallel_loop3A_452 : i32 to index
            %parallel_loop3A_458 = arith.index_cast %parallel_loop3A_202 : i32 to index
            %parallel_loop3A_459 = tpu.vector_load %arg6[%parallel_loop3A_455, %parallel_loop3A_456, %parallel_loop3A_457, %parallel_loop3A_458] {strides = array<i32>} : memref<2x2x32x400xi32, #tpu.memory_space<vmem>>, vector<16xi32>,
            %parallel_loop3A_460 = arith.constant 0 : i32
            %parallel_loop3A_461 = arith.constant 1 : i32
            %parallel_loop3A_462 = arith.index_cast %parallel_loop3A_460 : i32 to index
            %parallel_loop3A_463 = arith.index_cast %parallel_loop3A_461 : i32 to index
            %parallel_loop3A_464 = arith.index_cast %parallel_loop3A_452 : i32 to index
            %parallel_loop3A_465 = arith.index_cast %parallel_loop3A_202 : i32 to index
            %parallel_loop3A_466 = tpu.vector_load %arg6[%parallel_loop3A_462, %parallel_loop3A_463, %parallel_loop3A_464, %parallel_loop3A_465] {strides = array<i32>} : memref<2x2x32x400xi32, #tpu.memory_space<vmem>>, vector<16xi32>,
            %parallel_loop3A_467 = arith.cmpi ne, %parallel_loop3A_459, %parallel_loop3A_466 : vector<16xi32>
            %parallel_loop3A_468 = arith.constant 2139062143 : i32
            %parallel_loop3A_469 = arith.constant -8388737 : i32
            %parallel_loop3A_470 = vector.broadcast %parallel_loop3A_468 : i32 to vector<16xi32>
            %parallel_loop3A_471 = vector.broadcast %parallel_loop3A_469 : i32 to vector<16xi32>
            %parallel_loop3A_472 = arith.select %parallel_loop3A_467, %parallel_loop3A_470, %parallel_loop3A_471 : vector<16xi1>, vector<16xi32>
            %parallel_loop3A_473 = vector.bitcast %parallel_loop3A_472 : vector<16xi32> to vector<32xbf16>
            %parallel_loop3A_474 = arith.constant 0 : i32
            %parallel_loop3A_475 = arith.constant 0 : i32
            %parallel_loop3A_476 = tpu.memref_slice %arg5[%parallel_loop3A_474, %parallel_loop3A_475] : memref<2x10000xi32, #tpu.memory_space<vmem>> -> memref<1x10000xi32, #tpu.memory_space<vmem>>
            %parallel_loop3A_477 = tpu.memref_squeeze %parallel_loop3A_476 : memref<1x10000xi32, #tpu.memory_space<vmem>> -> memref<10000xi32, #tpu.memory_space<vmem>>
            %parallel_loop3A_478 = tpu.vector_load_idx %parallel_loop3A_477[%parallel_loop3A_459] : memref<10000xi32, #tpu.memory_space<vmem>>[vector<16xi32>], vector<16xi32>,
            %parallel_loop3A_479 = vector.bitcast %parallel_loop3A_478 : vector<16xi32> to vector<32xbf16>
            %parallel_loop3A_480 = arith.constant 0 : i32
            %parallel_loop3A_481 = arith.constant 0 : i32
            %parallel_loop3A_482 = tpu.memref_slice %arg5[%parallel_loop3A_480, %parallel_loop3A_481] : memref<2x10000xi32, #tpu.memory_space<vmem>> -> memref<1x10000xi32, #tpu.memory_space<vmem>>
            %parallel_loop3A_483 = tpu.memref_squeeze %parallel_loop3A_482 : memref<1x10000xi32, #tpu.memory_space<vmem>> -> memref<10000xi32, #tpu.memory_space<vmem>>
            %parallel_loop3A_484 = tpu.vector_load_idx %parallel_loop3A_483[%parallel_loop3A_466] : memref<10000xi32, #tpu.memory_space<vmem>>[vector<16xi32>], vector<16xi32>,
            %parallel_loop3A_485 = vector.bitcast %parallel_loop3A_484 : vector<16xi32> to vector<32xbf16>
            %parallel_loop3A_486 = arith.subf %parallel_loop3A_479, %parallel_loop3A_485 : vector<32xbf16>
            %parallel_loop3A_487 = arith.minimumf %parallel_loop3A_486, %parallel_loop3A_473 : vector<32xbf16>
            %parallel_loop3A_488 = arith.maximumf %parallel_loop3A_433, %parallel_loop3A_487 : vector<32xbf16>
            %parallel_loop3A_489 = arith.constant 1 : i32
            %parallel_loop3A_490 = arith.constant 0 : i32
            %parallel_loop3A_491 = tpu.memref_slice %arg5[%parallel_loop3A_489, %parallel_loop3A_490] : memref<2x10000xi32, #tpu.memory_space<vmem>> -> memref<1x10000xi32, #tpu.memory_space<vmem>>
            %parallel_loop3A_492 = tpu.memref_squeeze %parallel_loop3A_491 : memref<1x10000xi32, #tpu.memory_space<vmem>> -> memref<10000xi32, #tpu.memory_space<vmem>>
            %parallel_loop3A_493 = tpu.vector_load_idx %parallel_loop3A_492[%parallel_loop3A_459] : memref<10000xi32, #tpu.memory_space<vmem>>[vector<16xi32>], vector<16xi32>,
            %parallel_loop3A_494 = vector.bitcast %parallel_loop3A_493 : vector<16xi32> to vector<32xbf16>
            %parallel_loop3A_495 = arith.constant 1 : i32
            %parallel_loop3A_496 = arith.constant 0 : i32
            %parallel_loop3A_497 = tpu.memref_slice %arg5[%parallel_loop3A_495, %parallel_loop3A_496] : memref<2x10000xi32, #tpu.memory_space<vmem>> -> memref<1x10000xi32, #tpu.memory_space<vmem>>
            %parallel_loop3A_498 = tpu.memref_squeeze %parallel_loop3A_497 : memref<1x10000xi32, #tpu.memory_space<vmem>> -> memref<10000xi32, #tpu.memory_space<vmem>>
            %parallel_loop3A_499 = tpu.vector_load_idx %parallel_loop3A_498[%parallel_loop3A_466] : memref<10000xi32, #tpu.memory_space<vmem>>[vector<16xi32>], vector<16xi32>,
            %parallel_loop3A_500 = vector.bitcast %parallel_loop3A_499 : vector<16xi32> to vector<32xbf16>
            %parallel_loop3A_501 = arith.subf %parallel_loop3A_494, %parallel_loop3A_500 : vector<32xbf16>
            %parallel_loop3A_502 = arith.minimumf %parallel_loop3A_501, %parallel_loop3A_473 : vector<32xbf16>
            %parallel_loop3A_503 = arith.maximumf %parallel_loop3A_448, %parallel_loop3A_502 : vector<32xbf16>
            %parallel_loop3A_504 = arith.constant 8 : i32
            %parallel_loop3A_505 = arith.muli %scan3A_226, %parallel_loop3A_504 : i32
            %parallel_loop3A_506 = arith.constant 5 : i32
            %parallel_loop3A_507 = arith.addi %parallel_loop3A_505, %parallel_loop3A_506 : i32
            %parallel_loop3A_508 = arith.constant 0 : i32
            %parallel_loop3A_509 = arith.constant 0 : i32
            %parallel_loop3A_510 = arith.index_cast %parallel_loop3A_508 : i32 to index
            %parallel_loop3A_511 = arith.index_cast %parallel_loop3A_509 : i32 to index
            %parallel_loop3A_512 = arith.index_cast %parallel_loop3A_507 : i32 to index
            %parallel_loop3A_513 = arith.index_cast %parallel_loop3A_202 : i32 to index
            %parallel_loop3A_514 = tpu.vector_load %arg6[%parallel_loop3A_510, %parallel_loop3A_511, %parallel_loop3A_512, %parallel_loop3A_513] {strides = array<i32>} : memref<2x2x32x400xi32, #tpu.memory_space<vmem>>, vector<16xi32>,
            %parallel_loop3A_515 = arith.constant 0 : i32
            %parallel_loop3A_516 = arith.constant 1 : i32
            %parallel_loop3A_517 = arith.index_cast %parallel_loop3A_515 : i32 to index
            %parallel_loop3A_518 = arith.index_cast %parallel_loop3A_516 : i32 to index
            %parallel_loop3A_519 = arith.index_cast %parallel_loop3A_507 : i32 to index
            %parallel_loop3A_520 = arith.index_cast %parallel_loop3A_202 : i32 to index
            %parallel_loop3A_521 = tpu.vector_load %arg6[%parallel_loop3A_517, %parallel_loop3A_518, %parallel_loop3A_519, %parallel_loop3A_520] {strides = array<i32>} : memref<2x2x32x400xi32, #tpu.memory_space<vmem>>, vector<16xi32>,
            %parallel_loop3A_522 = arith.cmpi ne, %parallel_loop3A_514, %parallel_loop3A_521 : vector<16xi32>
            %parallel_loop3A_523 = arith.constant 2139062143 : i32
            %parallel_loop3A_524 = arith.constant -8388737 : i32
            %parallel_loop3A_525 = vector.broadcast %parallel_loop3A_523 : i32 to vector<16xi32>
            %parallel_loop3A_526 = vector.broadcast %parallel_loop3A_524 : i32 to vector<16xi32>
            %parallel_loop3A_527 = arith.select %parallel_loop3A_522, %parallel_loop3A_525, %parallel_loop3A_526 : vector<16xi1>, vector<16xi32>
            %parallel_loop3A_528 = vector.bitcast %parallel_loop3A_527 : vector<16xi32> to vector<32xbf16>
            %parallel_loop3A_529 = arith.constant 0 : i32
            %parallel_loop3A_530 = arith.constant 0 : i32
            %parallel_loop3A_531 = tpu.memref_slice %arg5[%parallel_loop3A_529, %parallel_loop3A_530] : memref<2x10000xi32, #tpu.memory_space<vmem>> -> memref<1x10000xi32, #tpu.memory_space<vmem>>
            %parallel_loop3A_532 = tpu.memref_squeeze %parallel_loop3A_531 : memref<1x10000xi32, #tpu.memory_space<vmem>> -> memref<10000xi32, #tpu.memory_space<vmem>>
            %parallel_loop3A_533 = tpu.vector_load_idx %parallel_loop3A_532[%parallel_loop3A_514] : memref<10000xi32, #tpu.memory_space<vmem>>[vector<16xi32>], vector<16xi32>,
            %parallel_loop3A_534 = vector.bitcast %parallel_loop3A_533 : vector<16xi32> to vector<32xbf16>
            %parallel_loop3A_535 = arith.constant 0 : i32
            %parallel_loop3A_536 = arith.constant 0 : i32
            %parallel_loop3A_537 = tpu.memref_slice %arg5[%parallel_loop3A_535, %parallel_loop3A_536] : memref<2x10000xi32, #tpu.memory_space<vmem>> -> memref<1x10000xi32, #tpu.memory_space<vmem>>
            %parallel_loop3A_538 = tpu.memref_squeeze %parallel_loop3A_537 : memref<1x10000xi32, #tpu.memory_space<vmem>> -> memref<10000xi32, #tpu.memory_space<vmem>>
            %parallel_loop3A_539 = tpu.vector_load_idx %parallel_loop3A_538[%parallel_loop3A_521] : memref<10000xi32, #tpu.memory_space<vmem>>[vector<16xi32>], vector<16xi32>,
            %parallel_loop3A_540 = vector.bitcast %parallel_loop3A_539 : vector<16xi32> to vector<32xbf16>
            %parallel_loop3A_541 = arith.subf %parallel_loop3A_534, %parallel_loop3A_540 : vector<32xbf16>
            %parallel_loop3A_542 = arith.minimumf %parallel_loop3A_541, %parallel_loop3A_528 : vector<32xbf16>
            %parallel_loop3A_543 = arith.maximumf %parallel_loop3A_488, %parallel_loop3A_542 : vector<32xbf16>
            %parallel_loop3A_544 = arith.constant 1 : i32
            %parallel_loop3A_545 = arith.constant 0 : i32
            %parallel_loop3A_546 = tpu.memref_slice %arg5[%parallel_loop3A_544, %parallel_loop3A_545] : memref<2x10000xi32, #tpu.memory_space<vmem>> -> memref<1x10000xi32, #tpu.memory_space<vmem>>
            %parallel_loop3A_547 = tpu.memref_squeeze %parallel_loop3A_546 : memref<1x10000xi32, #tpu.memory_space<vmem>> -> memref<10000xi32, #tpu.memory_space<vmem>>
            %parallel_loop3A_548 = tpu.vector_load_idx %parallel_loop3A_547[%parallel_loop3A_514] : memref<10000xi32, #tpu.memory_space<vmem>>[vector<16xi32>], vector<16xi32>,
            %parallel_loop3A_549 = vector.bitcast %parallel_loop3A_548 : vector<16xi32> to vector<32xbf16>
            %parallel_loop3A_550 = arith.constant 1 : i32
            %parallel_loop3A_551 = arith.constant 0 : i32
            %parallel_loop3A_552 = tpu.memref_slice %arg5[%parallel_loop3A_550, %parallel_loop3A_551] : memref<2x10000xi32, #tpu.memory_space<vmem>> -> memref<1x10000xi32, #tpu.memory_space<vmem>>
            %parallel_loop3A_553 = tpu.memref_squeeze %parallel_loop3A_552 : memref<1x10000xi32, #tpu.memory_space<vmem>> -> memref<10000xi32, #tpu.memory_space<vmem>>
            %parallel_loop3A_554 = tpu.vector_load_idx %parallel_loop3A_553[%parallel_loop3A_521] : memref<10000xi32, #tpu.memory_space<vmem>>[vector<16xi32>], vector<16xi32>,
            %parallel_loop3A_555 = vector.bitcast %parallel_loop3A_554 : vector<16xi32> to vector<32xbf16>
            %parallel_loop3A_556 = arith.subf %parallel_loop3A_549, %parallel_loop3A_555 : vector<32xbf16>
            %parallel_loop3A_557 = arith.minimumf %parallel_loop3A_556, %parallel_loop3A_528 : vector<32xbf16>
            %parallel_loop3A_558 = arith.maximumf %parallel_loop3A_503, %parallel_loop3A_557 : vector<32xbf16>
            %parallel_loop3A_559 = arith.constant 8 : i32
            %parallel_loop3A_560 = arith.muli %scan3A_226, %parallel_loop3A_559 : i32
            %parallel_loop3A_561 = arith.constant 6 : i32
            %parallel_loop3A_562 = arith.addi %parallel_loop3A_560, %parallel_loop3A_561 : i32
            %parallel_loop3A_563 = arith.constant 0 : i32
            %parallel_loop3A_564 = arith.constant 0 : i32
            %parallel_loop3A_565 = arith.index_cast %parallel_loop3A_563 : i32 to index
            %parallel_loop3A_566 = arith.index_cast %parallel_loop3A_564 : i32 to index
            %parallel_loop3A_567 = arith.index_cast %parallel_loop3A_562 : i32 to index
            %parallel_loop3A_568 = arith.index_cast %parallel_loop3A_202 : i32 to index
            %parallel_loop3A_569 = tpu.vector_load %arg6[%parallel_loop3A_565, %parallel_loop3A_566, %parallel_loop3A_567, %parallel_loop3A_568] {strides = array<i32>} : memref<2x2x32x400xi32, #tpu.memory_space<vmem>>, vector<16xi32>,
            %parallel_loop3A_570 = arith.constant 0 : i32
            %parallel_loop3A_571 = arith.constant 1 : i32
            %parallel_loop3A_572 = arith.index_cast %parallel_loop3A_570 : i32 to index
            %parallel_loop3A_573 = arith.index_cast %parallel_loop3A_571 : i32 to index
            %parallel_loop3A_574 = arith.index_cast %parallel_loop3A_562 : i32 to index
            %parallel_loop3A_575 = arith.index_cast %parallel_loop3A_202 : i32 to index
            %parallel_loop3A_576 = tpu.vector_load %arg6[%parallel_loop3A_572, %parallel_loop3A_573, %parallel_loop3A_574, %parallel_loop3A_575] {strides = array<i32>} : memref<2x2x32x400xi32, #tpu.memory_space<vmem>>, vector<16xi32>,
            %parallel_loop3A_577 = arith.cmpi ne, %parallel_loop3A_569, %parallel_loop3A_576 : vector<16xi32>
            %parallel_loop3A_578 = arith.constant 2139062143 : i32
            %parallel_loop3A_579 = arith.constant -8388737 : i32
            %parallel_loop3A_580 = vector.broadcast %parallel_loop3A_578 : i32 to vector<16xi32>
            %parallel_loop3A_581 = vector.broadcast %parallel_loop3A_579 : i32 to vector<16xi32>
            %parallel_loop3A_582 = arith.select %parallel_loop3A_577, %parallel_loop3A_580, %parallel_loop3A_581 : vector<16xi1>, vector<16xi32>
            %parallel_loop3A_583 = vector.bitcast %parallel_loop3A_582 : vector<16xi32> to vector<32xbf16>
            %parallel_loop3A_584 = arith.constant 0 : i32
            %parallel_loop3A_585 = arith.constant 0 : i32
            %parallel_loop3A_586 = tpu.memref_slice %arg5[%parallel_loop3A_584, %parallel_loop3A_585] : memref<2x10000xi32, #tpu.memory_space<vmem>> -> memref<1x10000xi32, #tpu.memory_space<vmem>>
            %parallel_loop3A_587 = tpu.memref_squeeze %parallel_loop3A_586 : memref<1x10000xi32, #tpu.memory_space<vmem>> -> memref<10000xi32, #tpu.memory_space<vmem>>
            %parallel_loop3A_588 = tpu.vector_load_idx %parallel_loop3A_587[%parallel_loop3A_569] : memref<10000xi32, #tpu.memory_space<vmem>>[vector<16xi32>], vector<16xi32>,
            %parallel_loop3A_589 = vector.bitcast %parallel_loop3A_588 : vector<16xi32> to vector<32xbf16>
            %parallel_loop3A_590 = arith.constant 0 : i32
            %parallel_loop3A_591 = arith.constant 0 : i32
            %parallel_loop3A_592 = tpu.memref_slice %arg5[%parallel_loop3A_590, %parallel_loop3A_591] : memref<2x10000xi32, #tpu.memory_space<vmem>> -> memref<1x10000xi32, #tpu.memory_space<vmem>>
            %parallel_loop3A_593 = tpu.memref_squeeze %parallel_loop3A_592 : memref<1x10000xi32, #tpu.memory_space<vmem>> -> memref<10000xi32, #tpu.memory_space<vmem>>
            %parallel_loop3A_594 = tpu.vector_load_idx %parallel_loop3A_593[%parallel_loop3A_576] : memref<10000xi32, #tpu.memory_space<vmem>>[vector<16xi32>], vector<16xi32>,
            %parallel_loop3A_595 = vector.bitcast %parallel_loop3A_594 : vector<16xi32> to vector<32xbf16>
            %parallel_loop3A_596 = arith.subf %parallel_loop3A_589, %parallel_loop3A_595 : vector<32xbf16>
            %parallel_loop3A_597 = arith.minimumf %parallel_loop3A_596, %parallel_loop3A_583 : vector<32xbf16>
            %parallel_loop3A_598 = arith.maximumf %parallel_loop3A_543, %parallel_loop3A_597 : vector<32xbf16>
            %parallel_loop3A_599 = arith.constant 1 : i32
            %parallel_loop3A_600 = arith.constant 0 : i32
            %parallel_loop3A_601 = tpu.memref_slice %arg5[%parallel_loop3A_599, %parallel_loop3A_600] : memref<2x10000xi32, #tpu.memory_space<vmem>> -> memref<1x10000xi32, #tpu.memory_space<vmem>>
            %parallel_loop3A_602 = tpu.memref_squeeze %parallel_loop3A_601 : memref<1x10000xi32, #tpu.memory_space<vmem>> -> memref<10000xi32, #tpu.memory_space<vmem>>
            %parallel_loop3A_603 = tpu.vector_load_idx %parallel_loop3A_602[%parallel_loop3A_569] : memref<10000xi32, #tpu.memory_space<vmem>>[vector<16xi32>], vector<16xi32>,
            %parallel_loop3A_604 = vector.bitcast %parallel_loop3A_603 : vector<16xi32> to vector<32xbf16>
            %parallel_loop3A_605 = arith.constant 1 : i32
            %parallel_loop3A_606 = arith.constant 0 : i32
            %parallel_loop3A_607 = tpu.memref_slice %arg5[%parallel_loop3A_605, %parallel_loop3A_606] : memref<2x10000xi32, #tpu.memory_space<vmem>> -> memref<1x10000xi32, #tpu.memory_space<vmem>>
            %parallel_loop3A_608 = tpu.memref_squeeze %parallel_loop3A_607 : memref<1x10000xi32, #tpu.memory_space<vmem>> -> memref<10000xi32, #tpu.memory_space<vmem>>
            %parallel_loop3A_609 = tpu.vector_load_idx %parallel_loop3A_608[%parallel_loop3A_576] : memref<10000xi32, #tpu.memory_space<vmem>>[vector<16xi32>], vector<16xi32>,
            %parallel_loop3A_610 = vector.bitcast %parallel_loop3A_609 : vector<16xi32> to vector<32xbf16>
            %parallel_loop3A_611 = arith.subf %parallel_loop3A_604, %parallel_loop3A_610 : vector<32xbf16>
            %parallel_loop3A_612 = arith.minimumf %parallel_loop3A_611, %parallel_loop3A_583 : vector<32xbf16>
            %parallel_loop3A_613 = arith.maximumf %parallel_loop3A_558, %parallel_loop3A_612 : vector<32xbf16>
            %parallel_loop3A_614 = arith.constant 8 : i32
            %parallel_loop3A_615 = arith.muli %scan3A_226, %parallel_loop3A_614 : i32
            %parallel_loop3A_616 = arith.constant 7 : i32
            %parallel_loop3A_617 = arith.addi %parallel_loop3A_615, %parallel_loop3A_616 : i32
            %parallel_loop3A_618 = arith.constant 0 : i32
            %parallel_loop3A_619 = arith.constant 0 : i32
            %parallel_loop3A_620 = arith.index_cast %parallel_loop3A_618 : i32 to index
            %parallel_loop3A_621 = arith.index_cast %parallel_loop3A_619 : i32 to index
            %parallel_loop3A_622 = arith.index_cast %parallel_loop3A_617 : i32 to index
            %parallel_loop3A_623 = arith.index_cast %parallel_loop3A_202 : i32 to index
            %parallel_loop3A_624 = tpu.vector_load %arg6[%parallel_loop3A_620, %parallel_loop3A_621, %parallel_loop3A_622, %parallel_loop3A_623] {strides = array<i32>} : memref<2x2x32x400xi32, #tpu.memory_space<vmem>>, vector<16xi32>,
            %parallel_loop3A_625 = arith.constant 0 : i32
            %parallel_loop3A_626 = arith.constant 1 : i32
            %parallel_loop3A_627 = arith.index_cast %parallel_loop3A_625 : i32 to index
            %parallel_loop3A_628 = arith.index_cast %parallel_loop3A_626 : i32 to index
            %parallel_loop3A_629 = arith.index_cast %parallel_loop3A_617 : i32 to index
            %parallel_loop3A_630 = arith.index_cast %parallel_loop3A_202 : i32 to index
            %parallel_loop3A_631 = tpu.vector_load %arg6[%parallel_loop3A_627, %parallel_loop3A_628, %parallel_loop3A_629, %parallel_loop3A_630] {strides = array<i32>} : memref<2x2x32x400xi32, #tpu.memory_space<vmem>>, vector<16xi32>,
            %parallel_loop3A_632 = arith.cmpi ne, %parallel_loop3A_624, %parallel_loop3A_631 : vector<16xi32>
            %parallel_loop3A_633 = arith.constant 2139062143 : i32
            %parallel_loop3A_634 = arith.constant -8388737 : i32
            %parallel_loop3A_635 = vector.broadcast %parallel_loop3A_633 : i32 to vector<16xi32>
            %parallel_loop3A_636 = vector.broadcast %parallel_loop3A_634 : i32 to vector<16xi32>
            %parallel_loop3A_637 = arith.select %parallel_loop3A_632, %parallel_loop3A_635, %parallel_loop3A_636 : vector<16xi1>, vector<16xi32>
            %parallel_loop3A_638 = vector.bitcast %parallel_loop3A_637 : vector<16xi32> to vector<32xbf16>
            %parallel_loop3A_639 = arith.constant 0 : i32
            %parallel_loop3A_640 = arith.constant 0 : i32
            %parallel_loop3A_641 = tpu.memref_slice %arg5[%parallel_loop3A_639, %parallel_loop3A_640] : memref<2x10000xi32, #tpu.memory_space<vmem>> -> memref<1x10000xi32, #tpu.memory_space<vmem>>
            %parallel_loop3A_642 = tpu.memref_squeeze %parallel_loop3A_641 : memref<1x10000xi32, #tpu.memory_space<vmem>> -> memref<10000xi32, #tpu.memory_space<vmem>>
            %parallel_loop3A_643 = tpu.vector_load_idx %parallel_loop3A_642[%parallel_loop3A_624] : memref<10000xi32, #tpu.memory_space<vmem>>[vector<16xi32>], vector<16xi32>,
            %parallel_loop3A_644 = vector.bitcast %parallel_loop3A_643 : vector<16xi32> to vector<32xbf16>
            %parallel_loop3A_645 = arith.constant 0 : i32
            %parallel_loop3A_646 = arith.constant 0 : i32
            %parallel_loop3A_647 = tpu.memref_slice %arg5[%parallel_loop3A_645, %parallel_loop3A_646] : memref<2x10000xi32, #tpu.memory_space<vmem>> -> memref<1x10000xi32, #tpu.memory_space<vmem>>
            %parallel_loop3A_648 = tpu.memref_squeeze %parallel_loop3A_647 : memref<1x10000xi32, #tpu.memory_space<vmem>> -> memref<10000xi32, #tpu.memory_space<vmem>>
            %parallel_loop3A_649 = tpu.vector_load_idx %parallel_loop3A_648[%parallel_loop3A_631] : memref<10000xi32, #tpu.memory_space<vmem>>[vector<16xi32>], vector<16xi32>,
            %parallel_loop3A_650 = vector.bitcast %parallel_loop3A_649 : vector<16xi32> to vector<32xbf16>
            %parallel_loop3A_651 = arith.subf %parallel_loop3A_644, %parallel_loop3A_650 : vector<32xbf16>
            %parallel_loop3A_652 = arith.minimumf %parallel_loop3A_651, %parallel_loop3A_638 : vector<32xbf16>
            %parallel_loop3A_653 = arith.maximumf %parallel_loop3A_598, %parallel_loop3A_652 : vector<32xbf16>
            %parallel_loop3A_654 = arith.constant 1 : i32
            %parallel_loop3A_655 = arith.constant 0 : i32
            %parallel_loop3A_656 = tpu.memref_slice %arg5[%parallel_loop3A_654, %parallel_loop3A_655] : memref<2x10000xi32, #tpu.memory_space<vmem>> -> memref<1x10000xi32, #tpu.memory_space<vmem>>
            %parallel_loop3A_657 = tpu.memref_squeeze %parallel_loop3A_656 : memref<1x10000xi32, #tpu.memory_space<vmem>> -> memref<10000xi32, #tpu.memory_space<vmem>>
            %parallel_loop3A_658 = tpu.vector_load_idx %parallel_loop3A_657[%parallel_loop3A_624] : memref<10000xi32, #tpu.memory_space<vmem>>[vector<16xi32>], vector<16xi32>,
            %parallel_loop3A_659 = vector.bitcast %parallel_loop3A_658 : vector<16xi32> to vector<32xbf16>
            %parallel_loop3A_660 = arith.constant 1 : i32
            %parallel_loop3A_661 = arith.constant 0 : i32
            %parallel_loop3A_662 = tpu.memref_slice %arg5[%parallel_loop3A_660, %parallel_loop3A_661] : memref<2x10000xi32, #tpu.memory_space<vmem>> -> memref<1x10000xi32, #tpu.memory_space<vmem>>
            %parallel_loop3A_663 = tpu.memref_squeeze %parallel_loop3A_662 : memref<1x10000xi32, #tpu.memory_space<vmem>> -> memref<10000xi32, #tpu.memory_space<vmem>>
            %parallel_loop3A_664 = tpu.vector_load_idx %parallel_loop3A_663[%parallel_loop3A_631] : memref<10000xi32, #tpu.memory_space<vmem>>[vector<16xi32>], vector<16xi32>,
            %parallel_loop3A_665 = vector.bitcast %parallel_loop3A_664 : vector<16xi32> to vector<32xbf16>
            %parallel_loop3A_666 = arith.subf %parallel_loop3A_659, %parallel_loop3A_665 : vector<32xbf16>
            %parallel_loop3A_667 = arith.minimumf %parallel_loop3A_666, %parallel_loop3A_638 : vector<32xbf16>
            %parallel_loop3A_668 = arith.maximumf %parallel_loop3A_613, %parallel_loop3A_667 : vector<32xbf16>
            scf.yield %parallel_loop3A_653, %parallel_loop3A_668 : vector<32xbf16>, vector<32xbf16>
          }
          %parallel_loop3A_211 = arith.constant 4 : i32
          %parallel_loop3A_212 = vector.bitcast %parallel_loop3A_210#0 : vector<32xbf16> to vector<16xi32>
          %parallel_loop3A_213 = arith.constant 0 : i32
          %parallel_loop3A_214 = arith.constant 0 : i32
          %parallel_loop3A_215 = arith.index_cast %parallel_loop3A_213 : i32 to index
          %parallel_loop3A_216 = arith.index_cast %parallel_loop3A_214 : i32 to index
          %parallel_loop3A_217 = arith.index_cast %parallel_loop3A_202 : i32 to index
          %parallel_loop3A_218 = tpu.vector_load %arg7[%parallel_loop3A_215, %parallel_loop3A_216, %parallel_loop3A_217] {strides = array<i32>} : memref<2x2x400xi32, #tpu.memory_space<vmem>>, vector<16xi32>,
          tpu.vector_store %arg7[%parallel_loop3A_215, %parallel_loop3A_216, %parallel_loop3A_217], %parallel_loop3A_212 {strides = array<i32>} : memref<2x2x400xi32, #tpu.memory_space<vmem>>, vector<16xi32>,
          %parallel_loop3A_219 = vector.bitcast %parallel_loop3A_210#1 : vector<32xbf16> to vector<16xi32>
          %parallel_loop3A_220 = arith.constant 0 : i32
          %parallel_loop3A_221 = arith.constant 1 : i32
          %parallel_loop3A_222 = arith.index_cast %parallel_loop3A_220 : i32 to index
          %parallel_loop3A_223 = arith.index_cast %parallel_loop3A_221 : i32 to index
          %parallel_loop3A_224 = arith.index_cast %parallel_loop3A_202 : i32 to index
          %parallel_loop3A_225 = tpu.vector_load %arg7[%parallel_loop3A_222, %parallel_loop3A_223, %parallel_loop3A_224] {strides = array<i32>} : memref<2x2x400xi32, #tpu.memory_space<vmem>>, vector<16xi32>,
          tpu.vector_store %arg7[%parallel_loop3A_222, %parallel_loop3A_223, %parallel_loop3A_224], %parallel_loop3A_219 {strides = array<i32>} : memref<2x2x400xi32, #tpu.memory_space<vmem>>, vector<16xi32>,
        } {sc.loop_unroll_factor = 1 : i64, sc.parallel_access}
        %dma_start3A_186 = arith.constant 0 : i32
        %dma_start3A_187 = arith.constant 0 : i32
        %dma_start3A_188 = arith.constant 0 : i32
        %dma_start3A_189 = arith.constant 0 : i32
        %dma_start3A_190 = tpu.memref_slice %arg7[%dma_start3A_186, %dma_start3A_188, %dma_start3A_189] : memref<2x2x400xi32, #tpu.memory_space<vmem>> -> memref<1x2x400xi32, #tpu.memory_space<vmem>>
        %dma_start3A_191 = tpu.memref_squeeze %dma_start3A_190 : memref<1x2x400xi32, #tpu.memory_space<vmem>> -> memref<2x400xi32, #tpu.memory_space<vmem>>
        %dma_start3A_192 = tpu.memref_slice %arg4[%mul3A_2, %mul3A_178] : memref<64x10000xi32, #tpu.memory_space<hbm>> -> memref<2x400xi32, #tpu.memory_space<hbm>>
        %dma_start3A_193 = tpu.memref_slice %arg10[%dma_start3A_187] : memref<2x!tpu.dma_semaphore, #tpu.memory_space<semaphore_mem>> -> memref<1x!tpu.dma_semaphore, #tpu.memory_space<semaphore_mem>>
        %dma_start3A_194 = tpu.memref_squeeze %dma_start3A_193 : memref<1x!tpu.dma_semaphore, #tpu.memory_space<semaphore_mem>> -> memref<!tpu.dma_semaphore, #tpu.memory_space<semaphore_mem>>
        %dma_start3A_195 = tpu.memref_slice %arg4[%mul3A_2, %mul3A_178] : memref<64x10000xi32, #tpu.memory_space<hbm>> -> memref<2x400xi32, #tpu.memory_space<hbm>>
        %dma_start3A_196 = arith.constant 0 : i32
        %dma_start3A_197 = arith.constant 0 : i32
        %dma_start3A_198 = tpu.memref_slice %arg7[%dma_start3A_186, %dma_start3A_196, %dma_start3A_197] : memref<2x2x400xi32, #tpu.memory_space<vmem>> -> memref<1x2x400xi32, #tpu.memory_space<vmem>>
        %dma_start3A_199 = tpu.memref_squeeze %dma_start3A_198 : memref<1x2x400xi32, #tpu.memory_space<vmem>> -> memref<2x400xi32, #tpu.memory_space<vmem>>
        tpu.enqueue_dma source(%dma_start3A_199 : memref<2x400xi32, #tpu.memory_space<vmem>>) target(%dma_start3A_195 : memref<2x400xi32, #tpu.memory_space<hbm>>) target_semaphore(%dma_start3A_194 : memref<!tpu.dma_semaphore, #tpu.memory_space<semaphore_mem>>)
      } else {
      }
      %mul3A_117 = arith.constant 2 : i32
      %mul3A_118 = arith.muli %mul3A_117, %scan3A_110 : i32
      %add3A_119 = arith.constant 1 : i32
      %add3A_120 = arith.addi %mul3A_118, %add3A_119 : i32
      %lt3A_121 = arith.constant 25 : i32
      %lt3A_122 = arith.cmpi slt, %add3A_120, %lt3A_121 : i32
      %convert_element_type3A_123 = arith.extui %lt3A_122 : i1 to i32
      %cond3A_124 = arith.constant 0 : i32
      %cond3A_125 = arith.cmpi ne, %convert_element_type3A_123, %cond3A_124 : i32
      scf.if %cond3A_125 {
        %add3A_126 = arith.constant 1 : i32
        %add3A_127 = arith.addi %add3A_120, %add3A_126 : i32
        %lt3A_128 = arith.constant 25 : i32
        %lt3A_129 = arith.cmpi slt, %add3A_127, %lt3A_128 : i32
        %convert_element_type3A_130 = arith.extui %lt3A_129 : i1 to i32
        %cond3A_131 = arith.constant 0 : i32
        %cond3A_132 = arith.cmpi ne, %convert_element_type3A_130, %cond3A_131 : i32
        scf.if %cond3A_132 {
          %add3A_200 = arith.constant 1 : i32
          %add3A_201 = arith.addi %add3A_120, %add3A_200 : i32
          %mul3A_202 = arith.constant 400 : i32
          %mul3A_203 = arith.muli %add3A_201, %mul3A_202 : i32
          %dma_start3A_204 = arith.constant 0 : i32
          %dma_start3A_205 = arith.constant 0 : i32
          %dma_start3A_206 = arith.constant 0 : i32
          %dma_start3A_207 = arith.constant 0 : i32
          %dma_start3A_208 = arith.constant 0 : i32
          %dma_start3A_209 = arith.constant 0 : i32
          %dma_start3A_210 = tpu.memref_slice %arg6[%dma_start3A_205, %dma_start3A_206, %dma_start3A_208, %dma_start3A_209] : memref<2x2x32x400xi32, #tpu.memory_space<vmem>> -> memref<1x1x32x400xi32, #tpu.memory_space<vmem>>
          %dma_start3A_211 = tpu.memref_squeeze %dma_start3A_210 : memref<1x1x32x400xi32, #tpu.memory_space<vmem>> -> memref<32x400xi32, #tpu.memory_space<vmem>>
          %dma_start3A_212 = arith.constant 0 : i32
          %dma_start3A_213 = tpu.memref_slice %arg3[%dma_start3A_204, %dma_start3A_212, %mul3A_203] : memref<2x32x10000xi32, #tpu.memory_space<hbm>> -> memref<1x32x400xi32, #tpu.memory_space<hbm>>
          %dma_start3A_214 = tpu.memref_squeeze %dma_start3A_213 : memref<1x32x400xi32, #tpu.memory_space<hbm>> -> memref<32x400xi32, #tpu.memory_space<hbm>>
          %dma_start3A_215 = tpu.memref_slice %arg9[%dma_start3A_207] : memref<2x!tpu.dma_semaphore, #tpu.memory_space<semaphore_mem>> -> memref<1x!tpu.dma_semaphore, #tpu.memory_space<semaphore_mem>>
          %dma_start3A_216 = tpu.memref_squeeze %dma_start3A_215 : memref<1x!tpu.dma_semaphore, #tpu.memory_space<semaphore_mem>> -> memref<!tpu.dma_semaphore, #tpu.memory_space<semaphore_mem>>
          %dma_start3A_217 = arith.constant 0 : i32
          %dma_start3A_218 = arith.constant 0 : i32
          %dma_start3A_219 = tpu.memref_slice %arg6[%dma_start3A_205, %dma_start3A_206, %dma_start3A_217, %dma_start3A_218] : memref<2x2x32x400xi32, #tpu.memory_space<vmem>> -> memref<1x1x32x400xi32, #tpu.memory_space<vmem>>
          %dma_start3A_220 = tpu.memref_squeeze %dma_start3A_219 : memref<1x1x32x400xi32, #tpu.memory_space<vmem>> -> memref<32x400xi32, #tpu.memory_space<vmem>>
          %dma_start3A_221 = arith.constant 0 : i32
          %dma_start3A_222 = tpu.memref_slice %arg3[%dma_start3A_204, %dma_start3A_221, %mul3A_203] : memref<2x32x10000xi32, #tpu.memory_space<hbm>> -> memref<1x32x400xi32, #tpu.memory_space<hbm>>
          %dma_start3A_223 = tpu.memref_squeeze %dma_start3A_222 : memref<1x32x400xi32, #tpu.memory_space<hbm>> -> memref<32x400xi32, #tpu.memory_space<hbm>>
          tpu.enqueue_dma source(%dma_start3A_223 : memref<32x400xi32, #tpu.memory_space<hbm>>) target(%dma_start3A_220 : memref<32x400xi32, #tpu.memory_space<vmem>>) target_semaphore(%dma_start3A_216 : memref<!tpu.dma_semaphore, #tpu.memory_space<semaphore_mem>>)
          %dma_start3A_224 = arith.constant 1 : i32
          %dma_start3A_225 = arith.constant 0 : i32
          %dma_start3A_226 = arith.constant 1 : i32
          %dma_start3A_227 = arith.constant 0 : i32
          %dma_start3A_228 = arith.constant 0 : i32
          %dma_start3A_229 = arith.constant 0 : i32
          %dma_start3A_230 = tpu.memref_slice %arg6[%dma_start3A_225, %dma_start3A_226, %dma_start3A_228, %dma_start3A_229] : memref<2x2x32x400xi32, #tpu.memory_space<vmem>> -> memref<1x1x32x400xi32, #tpu.memory_space<vmem>>
          %dma_start3A_231 = tpu.memref_squeeze %dma_start3A_230 : memref<1x1x32x400xi32, #tpu.memory_space<vmem>> -> memref<32x400xi32, #tpu.memory_space<vmem>>
          %dma_start3A_232 = arith.constant 0 : i32
          %dma_start3A_233 = tpu.memref_slice %arg3[%dma_start3A_224, %dma_start3A_232, %mul3A_203] : memref<2x32x10000xi32, #tpu.memory_space<hbm>> -> memref<1x32x400xi32, #tpu.memory_space<hbm>>
          %dma_start3A_234 = tpu.memref_squeeze %dma_start3A_233 : memref<1x32x400xi32, #tpu.memory_space<hbm>> -> memref<32x400xi32, #tpu.memory_space<hbm>>
          %dma_start3A_235 = tpu.memref_slice %arg9[%dma_start3A_227] : memref<2x!tpu.dma_semaphore, #tpu.memory_space<semaphore_mem>> -> memref<1x!tpu.dma_semaphore, #tpu.memory_space<semaphore_mem>>
          %dma_start3A_236 = tpu.memref_squeeze %dma_start3A_235 : memref<1x!tpu.dma_semaphore, #tpu.memory_space<semaphore_mem>> -> memref<!tpu.dma_semaphore, #tpu.memory_space<semaphore_mem>>
          %dma_start3A_237 = arith.constant 0 : i32
          %dma_start3A_238 = arith.constant 0 : i32
          %dma_start3A_239 = tpu.memref_slice %arg6[%dma_start3A_225, %dma_start3A_226, %dma_start3A_237, %dma_start3A_238] : memref<2x2x32x400xi32, #tpu.memory_space<vmem>> -> memref<1x1x32x400xi32, #tpu.memory_space<vmem>>
          %dma_start3A_240 = tpu.memref_squeeze %dma_start3A_239 : memref<1x1x32x400xi32, #tpu.memory_space<vmem>> -> memref<32x400xi32, #tpu.memory_space<vmem>>
          %dma_start3A_241 = arith.constant 0 : i32
          %dma_start3A_242 = tpu.memref_slice %arg3[%dma_start3A_224, %dma_start3A_241, %mul3A_203] : memref<2x32x10000xi32, #tpu.memory_space<hbm>> -> memref<1x32x400xi32, #tpu.memory_space<hbm>>
          %dma_start3A_243 = tpu.memref_squeeze %dma_start3A_242 : memref<1x32x400xi32, #tpu.memory_space<hbm>> -> memref<32x400xi32, #tpu.memory_space<hbm>>
          tpu.enqueue_dma source(%dma_start3A_243 : memref<32x400xi32, #tpu.memory_space<hbm>>) target(%dma_start3A_240 : memref<32x400xi32, #tpu.memory_space<vmem>>) target_semaphore(%dma_start3A_236 : memref<!tpu.dma_semaphore, #tpu.memory_space<semaphore_mem>>)
        } else {
        }
        %dma_wait3A_133 = arith.constant 0 : i32
        %dma_wait3A_134 = arith.constant 1 : i32
        %dma_wait3A_135 = arith.constant 0 : i32
        %dma_wait3A_136 = arith.constant 1 : i32
        %dma_wait3A_137 = arith.constant 0 : i32
        %dma_wait3A_138 = arith.constant 0 : i32
        %dma_wait3A_139 = tpu.memref_slice %arg6[%dma_wait3A_134, %dma_wait3A_135, %dma_wait3A_137, %dma_wait3A_138] : memref<2x2x32x400xi32, #tpu.memory_space<vmem>> -> memref<1x1x32x400xi32, #tpu.memory_space<vmem>>
        %dma_wait3A_140 = tpu.memref_squeeze %dma_wait3A_139 : memref<1x1x32x400xi32, #tpu.memory_space<vmem>> -> memref<32x400xi32, #tpu.memory_space<vmem>>
        %dma_wait3A_141 = arith.constant 0 : i32
        %dma_wait3A_142 = arith.constant 0 : i32
        %dma_wait3A_143 = tpu.memref_slice %arg3[%dma_wait3A_133, %dma_wait3A_141, %dma_wait3A_142] : memref<2x32x10000xi32, #tpu.memory_space<hbm>> -> memref<1x32x400xi32, #tpu.memory_space<hbm>>
        %dma_wait3A_144 = tpu.memref_squeeze %dma_wait3A_143 : memref<1x32x400xi32, #tpu.memory_space<hbm>> -> memref<32x400xi32, #tpu.memory_space<hbm>>
        %dma_wait3A_145 = tpu.memref_slice %arg9[%dma_wait3A_136] : memref<2x!tpu.dma_semaphore, #tpu.memory_space<semaphore_mem>> -> memref<1x!tpu.dma_semaphore, #tpu.memory_space<semaphore_mem>>
        %dma_wait3A_146 = tpu.memref_squeeze %dma_wait3A_145 : memref<1x!tpu.dma_semaphore, #tpu.memory_space<semaphore_mem>> -> memref<!tpu.dma_semaphore, #tpu.memory_space<semaphore_mem>>
        %dma_wait3A_147 = arith.constant 0 : i32
        %dma_wait3A_148 = arith.constant 0 : i32
        %dma_wait3A_149 = tpu.memref_slice %arg6[%dma_wait3A_134, %dma_wait3A_135, %dma_wait3A_147, %dma_wait3A_148] : memref<2x2x32x400xi32, #tpu.memory_space<vmem>> -> memref<1x1x32x400xi32, #tpu.memory_space<vmem>>
        %dma_wait3A_150 = tpu.memref_squeeze %dma_wait3A_149 : memref<1x1x32x400xi32, #tpu.memory_space<vmem>> -> memref<32x400xi32, #tpu.memory_space<vmem>>
        %dma_wait3A_151 = arith.constant 0 : i32
        %dma_wait3A_152 = arith.constant 0 : i32
        %dma_wait3A_153 = tpu.memref_slice %arg3[%dma_wait3A_133, %dma_wait3A_151, %dma_wait3A_152] : memref<2x32x10000xi32, #tpu.memory_space<hbm>> -> memref<1x32x400xi32, #tpu.memory_space<hbm>>
        %dma_wait3A_154 = tpu.memref_squeeze %dma_wait3A_153 : memref<1x32x400xi32, #tpu.memory_space<hbm>> -> memref<32x400xi32, #tpu.memory_space<hbm>>
        tpu.wait_dma2 semaphore(%dma_wait3A_146 : memref<!tpu.dma_semaphore, #tpu.memory_space<semaphore_mem>>) src(%dma_wait3A_154 : memref<32x400xi32, #tpu.memory_space<hbm>>) dst(%dma_wait3A_150 : memref<32x400xi32, #tpu.memory_space<vmem>>)
        %dma_wait3A_155 = arith.constant 1 : i32
        %dma_wait3A_156 = arith.constant 1 : i32
        %dma_wait3A_157 = arith.constant 1 : i32
        %dma_wait3A_158 = arith.constant 1 : i32
        %dma_wait3A_159 = arith.constant 0 : i32
        %dma_wait3A_160 = arith.constant 0 : i32
        %dma_wait3A_161 = tpu.memref_slice %arg6[%dma_wait3A_156, %dma_wait3A_157, %dma_wait3A_159, %dma_wait3A_160] : memref<2x2x32x400xi32, #tpu.memory_space<vmem>> -> memref<1x1x32x400xi32, #tpu.memory_space<vmem>>
        %dma_wait3A_162 = tpu.memref_squeeze %dma_wait3A_161 : memref<1x1x32x400xi32, #tpu.memory_space<vmem>> -> memref<32x400xi32, #tpu.memory_space<vmem>>
        %dma_wait3A_163 = arith.constant 0 : i32
        %dma_wait3A_164 = arith.constant 0 : i32
        %dma_wait3A_165 = tpu.memref_slice %arg3[%dma_wait3A_155, %dma_wait3A_163, %dma_wait3A_164] : memref<2x32x10000xi32, #tpu.memory_space<hbm>> -> memref<1x32x400xi32, #tpu.memory_space<hbm>>
        %dma_wait3A_166 = tpu.memref_squeeze %dma_wait3A_165 : memref<1x32x400xi32, #tpu.memory_space<hbm>> -> memref<32x400xi32, #tpu.memory_space<hbm>>
        %dma_wait3A_167 = tpu.memref_slice %arg9[%dma_wait3A_158] : memref<2x!tpu.dma_semaphore, #tpu.memory_space<semaphore_mem>> -> memref<1x!tpu.dma_semaphore, #tpu.memory_space<semaphore_mem>>
        %dma_wait3A_168 = tpu.memref_squeeze %dma_wait3A_167 : memref<1x!tpu.dma_semaphore, #tpu.memory_space<semaphore_mem>> -> memref<!tpu.dma_semaphore, #tpu.memory_space<semaphore_mem>>
        %dma_wait3A_169 = arith.constant 0 : i32
        %dma_wait3A_170 = arith.constant 0 : i32
        %dma_wait3A_171 = tpu.memref_slice %arg6[%dma_wait3A_156, %dma_wait3A_157, %dma_wait3A_169, %dma_wait3A_170] : memref<2x2x32x400xi32, #tpu.memory_space<vmem>> -> memref<1x1x32x400xi32, #tpu.memory_space<vmem>>
        %dma_wait3A_172 = tpu.memref_squeeze %dma_wait3A_171 : memref<1x1x32x400xi32, #tpu.memory_space<vmem>> -> memref<32x400xi32, #tpu.memory_space<vmem>>
        %dma_wait3A_173 = arith.constant 0 : i32
        %dma_wait3A_174 = arith.constant 0 : i32
        %dma_wait3A_175 = tpu.memref_slice %arg3[%dma_wait3A_155, %dma_wait3A_173, %dma_wait3A_174] : memref<2x32x10000xi32, #tpu.memory_space<hbm>> -> memref<1x32x400xi32, #tpu.memory_space<hbm>>
        %dma_wait3A_176 = tpu.memref_squeeze %dma_wait3A_175 : memref<1x32x400xi32, #tpu.memory_space<hbm>> -> memref<32x400xi32, #tpu.memory_space<hbm>>
        tpu.wait_dma2 semaphore(%dma_wait3A_168 : memref<!tpu.dma_semaphore, #tpu.memory_space<semaphore_mem>>) src(%dma_wait3A_176 : memref<32x400xi32, #tpu.memory_space<hbm>>) dst(%dma_wait3A_172 : memref<32x400xi32, #tpu.memory_space<vmem>>)
        %mul3A_177 = arith.constant 400 : i32
        %mul3A_178 = arith.muli %add3A_120, %mul3A_177 : i32
        %ge3A = arith.constant 2 : i32
        %ge3A_179 = arith.cmpi sge, %add3A_120, %ge3A : i32
        %convert_element_type3A_180 = arith.extui %ge3A_179 : i1 to i32
        %cond3A_181 = arith.constant 0 : i32
        %cond3A_182 = arith.cmpi ne, %convert_element_type3A_180, %cond3A_181 : i32
        scf.if %cond3A_182 {
          %dma_wait3A_200 = arith.constant 1 : i32
          %dma_wait3A_201 = arith.constant 1 : i32
          %dma_wait3A_202 = arith.constant 0 : i32
          %dma_wait3A_203 = arith.constant 0 : i32
          %dma_wait3A_204 = tpu.memref_slice %arg7[%dma_wait3A_200, %dma_wait3A_202, %dma_wait3A_203] : memref<2x2x400xi32, #tpu.memory_space<vmem>> -> memref<1x2x400xi32, #tpu.memory_space<vmem>>
          %dma_wait3A_205 = tpu.memref_squeeze %dma_wait3A_204 : memref<1x2x400xi32, #tpu.memory_space<vmem>> -> memref<2x400xi32, #tpu.memory_space<vmem>>
          %dma_wait3A_206 = arith.constant 0 : i32
          %dma_wait3A_207 = arith.constant 0 : i32
          %dma_wait3A_208 = tpu.memref_slice %arg4[%dma_wait3A_206, %dma_wait3A_207] : memref<64x10000xi32, #tpu.memory_space<hbm>> -> memref<2x400xi32, #tpu.memory_space<hbm>>
          %dma_wait3A_209 = tpu.memref_slice %arg10[%dma_wait3A_201] : memref<2x!tpu.dma_semaphore, #tpu.memory_space<semaphore_mem>> -> memref<1x!tpu.dma_semaphore, #tpu.memory_space<semaphore_mem>>
          %dma_wait3A_210 = tpu.memref_squeeze %dma_wait3A_209 : memref<1x!tpu.dma_semaphore, #tpu.memory_space<semaphore_mem>> -> memref<!tpu.dma_semaphore, #tpu.memory_space<semaphore_mem>>
          %dma_wait3A_211 = arith.constant 0 : i32
          %dma_wait3A_212 = arith.constant 0 : i32
          %dma_wait3A_213 = tpu.memref_slice %arg4[%dma_wait3A_211, %dma_wait3A_212] : memref<64x10000xi32, #tpu.memory_space<hbm>> -> memref<2x400xi32, #tpu.memory_space<hbm>>
          %dma_wait3A_214 = arith.constant 0 : i32
          %dma_wait3A_215 = arith.constant 0 : i32
          %dma_wait3A_216 = tpu.memref_slice %arg7[%dma_wait3A_200, %dma_wait3A_214, %dma_wait3A_215] : memref<2x2x400xi32, #tpu.memory_space<vmem>> -> memref<1x2x400xi32, #tpu.memory_space<vmem>>
          %dma_wait3A_217 = tpu.memref_squeeze %dma_wait3A_216 : memref<1x2x400xi32, #tpu.memory_space<vmem>> -> memref<2x400xi32, #tpu.memory_space<vmem>>
          tpu.wait_dma2 semaphore(%dma_wait3A_210 : memref<!tpu.dma_semaphore, #tpu.memory_space<semaphore_mem>>) src(%dma_wait3A_217 : memref<2x400xi32, #tpu.memory_space<vmem>>) dst(%dma_wait3A_213 : memref<2x400xi32, #tpu.memory_space<hbm>>)
        } else {
        }
        %parallel_loop3A_183 = arith.constant 0 : i32
        %parallel_loop3A_184 = arith.constant 25 : i32
        %parallel_loop3A_185 = arith.constant 1 : i32
        scf.for %parallel_loop3A_200 = %parallel_loop3A_183 to %parallel_loop3A_184 step %parallel_loop3A_185  : i32 {
          %parallel_loop3A_201 = arith.constant 16 : i32
          %parallel_loop3A_202 = arith.muli %parallel_loop3A_200, %parallel_loop3A_201 : i32
          %parallel_loop3A_203 = arith.constant -8388737 : i32
          %parallel_loop3A_204 = vector.broadcast %parallel_loop3A_203 : i32 to vector<16xi32>
          %parallel_loop3A_205 = vector.bitcast %parallel_loop3A_204 : vector<16xi32> to vector<32xbf16>
          %parallel_loop3A_206 = arith.constant 0 : i32
          %parallel_loop3A_207 = arith.constant 4 : i32
          %parallel_loop3A_208 = arith.addi %parallel_loop3A_206, %parallel_loop3A_207 : i32
          %parallel_loop3A_209 = arith.constant 1 : i32
          %parallel_loop3A_210:2 = scf.for %scan3A_226 = %parallel_loop3A_206 to %parallel_loop3A_208 step %parallel_loop3A_209 iter_args(%scan3A_227 = %parallel_loop3A_205, %scan3A_228 = %parallel_loop3A_205) -> (vector<32xbf16>, vector<32xbf16>)  : i32 {
            %parallel_loop3A_229 = arith.constant 8 : i32
            %parallel_loop3A_230 = arith.muli %scan3A_226, %parallel_loop3A_229 : i32
            %parallel_loop3A_231 = arith.constant 0 : i32
            %parallel_loop3A_232 = arith.addi %parallel_loop3A_230, %parallel_loop3A_231 : i32
            %parallel_loop3A_233 = arith.constant 1 : i32
            %parallel_loop3A_234 = arith.constant 0 : i32
            %parallel_loop3A_235 = arith.index_cast %parallel_loop3A_233 : i32 to index
            %parallel_loop3A_236 = arith.index_cast %parallel_loop3A_234 : i32 to index
            %parallel_loop3A_237 = arith.index_cast %parallel_loop3A_232 : i32 to index
            %parallel_loop3A_238 = arith.index_cast %parallel_loop3A_202 : i32 to index
            %parallel_loop3A_239 = tpu.vector_load %arg6[%parallel_loop3A_235, %parallel_loop3A_236, %parallel_loop3A_237, %parallel_loop3A_238] {strides = array<i32>} : memref<2x2x32x400xi32, #tpu.memory_space<vmem>>, vector<16xi32>,
            %parallel_loop3A_240 = arith.constant 1 : i32
            %parallel_loop3A_241 = arith.constant 1 : i32
            %parallel_loop3A_242 = arith.index_cast %parallel_loop3A_240 : i32 to index
            %parallel_loop3A_243 = arith.index_cast %parallel_loop3A_241 : i32 to index
            %parallel_loop3A_244 = arith.index_cast %parallel_loop3A_232 : i32 to index
            %parallel_loop3A_245 = arith.index_cast %parallel_loop3A_202 : i32 to index
            %parallel_loop3A_246 = tpu.vector_load %arg6[%parallel_loop3A_242, %parallel_loop3A_243, %parallel_loop3A_244, %parallel_loop3A_245] {strides = array<i32>} : memref<2x2x32x400xi32, #tpu.memory_space<vmem>>, vector<16xi32>,
            %parallel_loop3A_247 = arith.cmpi ne, %parallel_loop3A_239, %parallel_loop3A_246 : vector<16xi32>
            %parallel_loop3A_248 = arith.constant 2139062143 : i32
            %parallel_loop3A_249 = arith.constant -8388737 : i32
            %parallel_loop3A_250 = vector.broadcast %parallel_loop3A_248 : i32 to vector<16xi32>
            %parallel_loop3A_251 = vector.broadcast %parallel_loop3A_249 : i32 to vector<16xi32>
            %parallel_loop3A_252 = arith.select %parallel_loop3A_247, %parallel_loop3A_250, %parallel_loop3A_251 : vector<16xi1>, vector<16xi32>
            %parallel_loop3A_253 = vector.bitcast %parallel_loop3A_252 : vector<16xi32> to vector<32xbf16>
            %parallel_loop3A_254 = arith.constant 0 : i32
            %parallel_loop3A_255 = arith.constant 0 : i32
            %parallel_loop3A_256 = tpu.memref_slice %arg5[%parallel_loop3A_254, %parallel_loop3A_255] : memref<2x10000xi32, #tpu.memory_space<vmem>> -> memref<1x10000xi32, #tpu.memory_space<vmem>>
            %parallel_loop3A_257 = tpu.memref_squeeze %parallel_loop3A_256 : memref<1x10000xi32, #tpu.memory_space<vmem>> -> memref<10000xi32, #tpu.memory_space<vmem>>
            %parallel_loop3A_258 = tpu.vector_load_idx %parallel_loop3A_257[%parallel_loop3A_239] : memref<10000xi32, #tpu.memory_space<vmem>>[vector<16xi32>], vector<16xi32>,
            %parallel_loop3A_259 = vector.bitcast %parallel_loop3A_258 : vector<16xi32> to vector<32xbf16>
            %parallel_loop3A_260 = arith.constant 0 : i32
            %parallel_loop3A_261 = arith.constant 0 : i32
            %parallel_loop3A_262 = tpu.memref_slice %arg5[%parallel_loop3A_260, %parallel_loop3A_261] : memref<2x10000xi32, #tpu.memory_space<vmem>> -> memref<1x10000xi32, #tpu.memory_space<vmem>>
            %parallel_loop3A_263 = tpu.memref_squeeze %parallel_loop3A_262 : memref<1x10000xi32, #tpu.memory_space<vmem>> -> memref<10000xi32, #tpu.memory_space<vmem>>
            %parallel_loop3A_264 = tpu.vector_load_idx %parallel_loop3A_263[%parallel_loop3A_246] : memref<10000xi32, #tpu.memory_space<vmem>>[vector<16xi32>], vector<16xi32>,
            %parallel_loop3A_265 = vector.bitcast %parallel_loop3A_264 : vector<16xi32> to vector<32xbf16>
            %parallel_loop3A_266 = arith.subf %parallel_loop3A_259, %parallel_loop3A_265 : vector<32xbf16>
            %parallel_loop3A_267 = arith.minimumf %parallel_loop3A_266, %parallel_loop3A_253 : vector<32xbf16>
            %parallel_loop3A_268 = arith.maximumf %scan3A_227, %parallel_loop3A_267 : vector<32xbf16>
            %parallel_loop3A_269 = arith.constant 1 : i32
            %parallel_loop3A_270 = arith.constant 0 : i32
            %parallel_loop3A_271 = tpu.memref_slice %arg5[%parallel_loop3A_269, %parallel_loop3A_270] : memref<2x10000xi32, #tpu.memory_space<vmem>> -> memref<1x10000xi32, #tpu.memory_space<vmem>>
            %parallel_loop3A_272 = tpu.memref_squeeze %parallel_loop3A_271 : memref<1x10000xi32, #tpu.memory_space<vmem>> -> memref<10000xi32, #tpu.memory_space<vmem>>
            %parallel_loop3A_273 = tpu.vector_load_idx %parallel_loop3A_272[%parallel_loop3A_239] : memref<10000xi32, #tpu.memory_space<vmem>>[vector<16xi32>], vector<16xi32>,
            %parallel_loop3A_274 = vector.bitcast %parallel_loop3A_273 : vector<16xi32> to vector<32xbf16>
            %parallel_loop3A_275 = arith.constant 1 : i32
            %parallel_loop3A_276 = arith.constant 0 : i32
            %parallel_loop3A_277 = tpu.memref_slice %arg5[%parallel_loop3A_275, %parallel_loop3A_276] : memref<2x10000xi32, #tpu.memory_space<vmem>> -> memref<1x10000xi32, #tpu.memory_space<vmem>>
            %parallel_loop3A_278 = tpu.memref_squeeze %parallel_loop3A_277 : memref<1x10000xi32, #tpu.memory_space<vmem>> -> memref<10000xi32, #tpu.memory_space<vmem>>
            %parallel_loop3A_279 = tpu.vector_load_idx %parallel_loop3A_278[%parallel_loop3A_246] : memref<10000xi32, #tpu.memory_space<vmem>>[vector<16xi32>], vector<16xi32>,
            %parallel_loop3A_280 = vector.bitcast %parallel_loop3A_279 : vector<16xi32> to vector<32xbf16>
            %parallel_loop3A_281 = arith.subf %parallel_loop3A_274, %parallel_loop3A_280 : vector<32xbf16>
            %parallel_loop3A_282 = arith.minimumf %parallel_loop3A_281, %parallel_loop3A_253 : vector<32xbf16>
            %parallel_loop3A_283 = arith.maximumf %scan3A_228, %parallel_loop3A_282 : vector<32xbf16>
            %parallel_loop3A_284 = arith.constant 8 : i32
            %parallel_loop3A_285 = arith.muli %scan3A_226, %parallel_loop3A_284 : i32
            %parallel_loop3A_286 = arith.constant 1 : i32
            %parallel_loop3A_287 = arith.addi %parallel_loop3A_285, %parallel_loop3A_286 : i32
            %parallel_loop3A_288 = arith.constant 1 : i32
            %parallel_loop3A_289 = arith.constant 0 : i32
            %parallel_loop3A_290 = arith.index_cast %parallel_loop3A_288 : i32 to index
            %parallel_loop3A_291 = arith.index_cast %parallel_loop3A_289 : i32 to index
            %parallel_loop3A_292 = arith.index_cast %parallel_loop3A_287 : i32 to index
            %parallel_loop3A_293 = arith.index_cast %parallel_loop3A_202 : i32 to index
            %parallel_loop3A_294 = tpu.vector_load %arg6[%parallel_loop3A_290, %parallel_loop3A_291, %parallel_loop3A_292, %parallel_loop3A_293] {strides = array<i32>} : memref<2x2x32x400xi32, #tpu.memory_space<vmem>>, vector<16xi32>,
            %parallel_loop3A_295 = arith.constant 1 : i32
            %parallel_loop3A_296 = arith.constant 1 : i32
            %parallel_loop3A_297 = arith.index_cast %parallel_loop3A_295 : i32 to index
            %parallel_loop3A_298 = arith.index_cast %parallel_loop3A_296 : i32 to index
            %parallel_loop3A_299 = arith.index_cast %parallel_loop3A_287 : i32 to index
            %parallel_loop3A_300 = arith.index_cast %parallel_loop3A_202 : i32 to index
            %parallel_loop3A_301 = tpu.vector_load %arg6[%parallel_loop3A_297, %parallel_loop3A_298, %parallel_loop3A_299, %parallel_loop3A_300] {strides = array<i32>} : memref<2x2x32x400xi32, #tpu.memory_space<vmem>>, vector<16xi32>,
            %parallel_loop3A_302 = arith.cmpi ne, %parallel_loop3A_294, %parallel_loop3A_301 : vector<16xi32>
            %parallel_loop3A_303 = arith.constant 2139062143 : i32
            %parallel_loop3A_304 = arith.constant -8388737 : i32
            %parallel_loop3A_305 = vector.broadcast %parallel_loop3A_303 : i32 to vector<16xi32>
            %parallel_loop3A_306 = vector.broadcast %parallel_loop3A_304 : i32 to vector<16xi32>
            %parallel_loop3A_307 = arith.select %parallel_loop3A_302, %parallel_loop3A_305, %parallel_loop3A_306 : vector<16xi1>, vector<16xi32>
            %parallel_loop3A_308 = vector.bitcast %parallel_loop3A_307 : vector<16xi32> to vector<32xbf16>
            %parallel_loop3A_309 = arith.constant 0 : i32
            %parallel_loop3A_310 = arith.constant 0 : i32
            %parallel_loop3A_311 = tpu.memref_slice %arg5[%parallel_loop3A_309, %parallel_loop3A_310] : memref<2x10000xi32, #tpu.memory_space<vmem>> -> memref<1x10000xi32, #tpu.memory_space<vmem>>
            %parallel_loop3A_312 = tpu.memref_squeeze %parallel_loop3A_311 : memref<1x10000xi32, #tpu.memory_space<vmem>> -> memref<10000xi32, #tpu.memory_space<vmem>>
            %parallel_loop3A_313 = tpu.vector_load_idx %parallel_loop3A_312[%parallel_loop3A_294] : memref<10000xi32, #tpu.memory_space<vmem>>[vector<16xi32>], vector<16xi32>,
            %parallel_loop3A_314 = vector.bitcast %parallel_loop3A_313 : vector<16xi32> to vector<32xbf16>
            %parallel_loop3A_315 = arith.constant 0 : i32
            %parallel_loop3A_316 = arith.constant 0 : i32
            %parallel_loop3A_317 = tpu.memref_slice %arg5[%parallel_loop3A_315, %parallel_loop3A_316] : memref<2x10000xi32, #tpu.memory_space<vmem>> -> memref<1x10000xi32, #tpu.memory_space<vmem>>
            %parallel_loop3A_318 = tpu.memref_squeeze %parallel_loop3A_317 : memref<1x10000xi32, #tpu.memory_space<vmem>> -> memref<10000xi32, #tpu.memory_space<vmem>>
            %parallel_loop3A_319 = tpu.vector_load_idx %parallel_loop3A_318[%parallel_loop3A_301] : memref<10000xi32, #tpu.memory_space<vmem>>[vector<16xi32>], vector<16xi32>,
            %parallel_loop3A_320 = vector.bitcast %parallel_loop3A_319 : vector<16xi32> to vector<32xbf16>
            %parallel_loop3A_321 = arith.subf %parallel_loop3A_314, %parallel_loop3A_320 : vector<32xbf16>
            %parallel_loop3A_322 = arith.minimumf %parallel_loop3A_321, %parallel_loop3A_308 : vector<32xbf16>
            %parallel_loop3A_323 = arith.maximumf %parallel_loop3A_268, %parallel_loop3A_322 : vector<32xbf16>
            %parallel_loop3A_324 = arith.constant 1 : i32
            %parallel_loop3A_325 = arith.constant 0 : i32
            %parallel_loop3A_326 = tpu.memref_slice %arg5[%parallel_loop3A_324, %parallel_loop3A_325] : memref<2x10000xi32, #tpu.memory_space<vmem>> -> memref<1x10000xi32, #tpu.memory_space<vmem>>
            %parallel_loop3A_327 = tpu.memref_squeeze %parallel_loop3A_326 : memref<1x10000xi32, #tpu.memory_space<vmem>> -> memref<10000xi32, #tpu.memory_space<vmem>>
            %parallel_loop3A_328 = tpu.vector_load_idx %parallel_loop3A_327[%parallel_loop3A_294] : memref<10000xi32, #tpu.memory_space<vmem>>[vector<16xi32>], vector<16xi32>,
            %parallel_loop3A_329 = vector.bitcast %parallel_loop3A_328 : vector<16xi32> to vector<32xbf16>
            %parallel_loop3A_330 = arith.constant 1 : i32
            %parallel_loop3A_331 = arith.constant 0 : i32
            %parallel_loop3A_332 = tpu.memref_slice %arg5[%parallel_loop3A_330, %parallel_loop3A_331] : memref<2x10000xi32, #tpu.memory_space<vmem>> -> memref<1x10000xi32, #tpu.memory_space<vmem>>
            %parallel_loop3A_333 = tpu.memref_squeeze %parallel_loop3A_332 : memref<1x10000xi32, #tpu.memory_space<vmem>> -> memref<10000xi32, #tpu.memory_space<vmem>>
            %parallel_loop3A_334 = tpu.vector_load_idx %parallel_loop3A_333[%parallel_loop3A_301] : memref<10000xi32, #tpu.memory_space<vmem>>[vector<16xi32>], vector<16xi32>,
            %parallel_loop3A_335 = vector.bitcast %parallel_loop3A_334 : vector<16xi32> to vector<32xbf16>
            %parallel_loop3A_336 = arith.subf %parallel_loop3A_329, %parallel_loop3A_335 : vector<32xbf16>
            %parallel_loop3A_337 = arith.minimumf %parallel_loop3A_336, %parallel_loop3A_308 : vector<32xbf16>
            %parallel_loop3A_338 = arith.maximumf %parallel_loop3A_283, %parallel_loop3A_337 : vector<32xbf16>
            %parallel_loop3A_339 = arith.constant 8 : i32
            %parallel_loop3A_340 = arith.muli %scan3A_226, %parallel_loop3A_339 : i32
            %parallel_loop3A_341 = arith.constant 2 : i32
            %parallel_loop3A_342 = arith.addi %parallel_loop3A_340, %parallel_loop3A_341 : i32
            %parallel_loop3A_343 = arith.constant 1 : i32
            %parallel_loop3A_344 = arith.constant 0 : i32
            %parallel_loop3A_345 = arith.index_cast %parallel_loop3A_343 : i32 to index
            %parallel_loop3A_346 = arith.index_cast %parallel_loop3A_344 : i32 to index
            %parallel_loop3A_347 = arith.index_cast %parallel_loop3A_342 : i32 to index
            %parallel_loop3A_348 = arith.index_cast %parallel_loop3A_202 : i32 to index
            %parallel_loop3A_349 = tpu.vector_load %arg6[%parallel_loop3A_345, %parallel_loop3A_346, %parallel_loop3A_347, %parallel_loop3A_348] {strides = array<i32>} : memref<2x2x32x400xi32, #tpu.memory_space<vmem>>, vector<16xi32>,
            %parallel_loop3A_350 = arith.constant 1 : i32
            %parallel_loop3A_351 = arith.constant 1 : i32
            %parallel_loop3A_352 = arith.index_cast %parallel_loop3A_350 : i32 to index
            %parallel_loop3A_353 = arith.index_cast %parallel_loop3A_351 : i32 to index
            %parallel_loop3A_354 = arith.index_cast %parallel_loop3A_342 : i32 to index
            %parallel_loop3A_355 = arith.index_cast %parallel_loop3A_202 : i32 to index
            %parallel_loop3A_356 = tpu.vector_load %arg6[%parallel_loop3A_352, %parallel_loop3A_353, %parallel_loop3A_354, %parallel_loop3A_355] {strides = array<i32>} : memref<2x2x32x400xi32, #tpu.memory_space<vmem>>, vector<16xi32>,
            %parallel_loop3A_357 = arith.cmpi ne, %parallel_loop3A_349, %parallel_loop3A_356 : vector<16xi32>
            %parallel_loop3A_358 = arith.constant 2139062143 : i32
            %parallel_loop3A_359 = arith.constant -8388737 : i32
            %parallel_loop3A_360 = vector.broadcast %parallel_loop3A_358 : i32 to vector<16xi32>
            %parallel_loop3A_361 = vector.broadcast %parallel_loop3A_359 : i32 to vector<16xi32>
            %parallel_loop3A_362 = arith.select %parallel_loop3A_357, %parallel_loop3A_360, %parallel_loop3A_361 : vector<16xi1>, vector<16xi32>
            %parallel_loop3A_363 = vector.bitcast %parallel_loop3A_362 : vector<16xi32> to vector<32xbf16>
            %parallel_loop3A_364 = arith.constant 0 : i32
            %parallel_loop3A_365 = arith.constant 0 : i32
            %parallel_loop3A_366 = tpu.memref_slice %arg5[%parallel_loop3A_364, %parallel_loop3A_365] : memref<2x10000xi32, #tpu.memory_space<vmem>> -> memref<1x10000xi32, #tpu.memory_space<vmem>>
            %parallel_loop3A_367 = tpu.memref_squeeze %parallel_loop3A_366 : memref<1x10000xi32, #tpu.memory_space<vmem>> -> memref<10000xi32, #tpu.memory_space<vmem>>
            %parallel_loop3A_368 = tpu.vector_load_idx %parallel_loop3A_367[%parallel_loop3A_349] : memref<10000xi32, #tpu.memory_space<vmem>>[vector<16xi32>], vector<16xi32>,
            %parallel_loop3A_369 = vector.bitcast %parallel_loop3A_368 : vector<16xi32> to vector<32xbf16>
            %parallel_loop3A_370 = arith.constant 0 : i32
            %parallel_loop3A_371 = arith.constant 0 : i32
            %parallel_loop3A_372 = tpu.memref_slice %arg5[%parallel_loop3A_370, %parallel_loop3A_371] : memref<2x10000xi32, #tpu.memory_space<vmem>> -> memref<1x10000xi32, #tpu.memory_space<vmem>>
            %parallel_loop3A_373 = tpu.memref_squeeze %parallel_loop3A_372 : memref<1x10000xi32, #tpu.memory_space<vmem>> -> memref<10000xi32, #tpu.memory_space<vmem>>
            %parallel_loop3A_374 = tpu.vector_load_idx %parallel_loop3A_373[%parallel_loop3A_356] : memref<10000xi32, #tpu.memory_space<vmem>>[vector<16xi32>], vector<16xi32>,
            %parallel_loop3A_375 = vector.bitcast %parallel_loop3A_374 : vector<16xi32> to vector<32xbf16>
            %parallel_loop3A_376 = arith.subf %parallel_loop3A_369, %parallel_loop3A_375 : vector<32xbf16>
            %parallel_loop3A_377 = arith.minimumf %parallel_loop3A_376, %parallel_loop3A_363 : vector<32xbf16>
            %parallel_loop3A_378 = arith.maximumf %parallel_loop3A_323, %parallel_loop3A_377 : vector<32xbf16>
            %parallel_loop3A_379 = arith.constant 1 : i32
            %parallel_loop3A_380 = arith.constant 0 : i32
            %parallel_loop3A_381 = tpu.memref_slice %arg5[%parallel_loop3A_379, %parallel_loop3A_380] : memref<2x10000xi32, #tpu.memory_space<vmem>> -> memref<1x10000xi32, #tpu.memory_space<vmem>>
            %parallel_loop3A_382 = tpu.memref_squeeze %parallel_loop3A_381 : memref<1x10000xi32, #tpu.memory_space<vmem>> -> memref<10000xi32, #tpu.memory_space<vmem>>
            %parallel_loop3A_383 = tpu.vector_load_idx %parallel_loop3A_382[%parallel_loop3A_349] : memref<10000xi32, #tpu.memory_space<vmem>>[vector<16xi32>], vector<16xi32>,
            %parallel_loop3A_384 = vector.bitcast %parallel_loop3A_383 : vector<16xi32> to vector<32xbf16>
            %parallel_loop3A_385 = arith.constant 1 : i32
            %parallel_loop3A_386 = arith.constant 0 : i32
            %parallel_loop3A_387 = tpu.memref_slice %arg5[%parallel_loop3A_385, %parallel_loop3A_386] : memref<2x10000xi32, #tpu.memory_space<vmem>> -> memref<1x10000xi32, #tpu.memory_space<vmem>>
            %parallel_loop3A_388 = tpu.memref_squeeze %parallel_loop3A_387 : memref<1x10000xi32, #tpu.memory_space<vmem>> -> memref<10000xi32, #tpu.memory_space<vmem>>
            %parallel_loop3A_389 = tpu.vector_load_idx %parallel_loop3A_388[%parallel_loop3A_356] : memref<10000xi32, #tpu.memory_space<vmem>>[vector<16xi32>], vector<16xi32>,
            %parallel_loop3A_390 = vector.bitcast %parallel_loop3A_389 : vector<16xi32> to vector<32xbf16>
            %parallel_loop3A_391 = arith.subf %parallel_loop3A_384, %parallel_loop3A_390 : vector<32xbf16>
            %parallel_loop3A_392 = arith.minimumf %parallel_loop3A_391, %parallel_loop3A_363 : vector<32xbf16>
            %parallel_loop3A_393 = arith.maximumf %parallel_loop3A_338, %parallel_loop3A_392 : vector<32xbf16>
            %parallel_loop3A_394 = arith.constant 8 : i32
            %parallel_loop3A_395 = arith.muli %scan3A_226, %parallel_loop3A_394 : i32
            %parallel_loop3A_396 = arith.constant 3 : i32
            %parallel_loop3A_397 = arith.addi %parallel_loop3A_395, %parallel_loop3A_396 : i32
            %parallel_loop3A_398 = arith.constant 1 : i32
            %parallel_loop3A_399 = arith.constant 0 : i32
            %parallel_loop3A_400 = arith.index_cast %parallel_loop3A_398 : i32 to index
            %parallel_loop3A_401 = arith.index_cast %parallel_loop3A_399 : i32 to index
            %parallel_loop3A_402 = arith.index_cast %parallel_loop3A_397 : i32 to index
            %parallel_loop3A_403 = arith.index_cast %parallel_loop3A_202 : i32 to index
            %parallel_loop3A_404 = tpu.vector_load %arg6[%parallel_loop3A_400, %parallel_loop3A_401, %parallel_loop3A_402, %parallel_loop3A_403] {strides = array<i32>} : memref<2x2x32x400xi32, #tpu.memory_space<vmem>>, vector<16xi32>,
            %parallel_loop3A_405 = arith.constant 1 : i32
            %parallel_loop3A_406 = arith.constant 1 : i32
            %parallel_loop3A_407 = arith.index_cast %parallel_loop3A_405 : i32 to index
            %parallel_loop3A_408 = arith.index_cast %parallel_loop3A_406 : i32 to index
            %parallel_loop3A_409 = arith.index_cast %parallel_loop3A_397 : i32 to index
            %parallel_loop3A_410 = arith.index_cast %parallel_loop3A_202 : i32 to index
            %parallel_loop3A_411 = tpu.vector_load %arg6[%parallel_loop3A_407, %parallel_loop3A_408, %parallel_loop3A_409, %parallel_loop3A_410] {strides = array<i32>} : memref<2x2x32x400xi32, #tpu.memory_space<vmem>>, vector<16xi32>,
            %parallel_loop3A_412 = arith.cmpi ne, %parallel_loop3A_404, %parallel_loop3A_411 : vector<16xi32>
            %parallel_loop3A_413 = arith.constant 2139062143 : i32
            %parallel_loop3A_414 = arith.constant -8388737 : i32
            %parallel_loop3A_415 = vector.broadcast %parallel_loop3A_413 : i32 to vector<16xi32>
            %parallel_loop3A_416 = vector.broadcast %parallel_loop3A_414 : i32 to vector<16xi32>
            %parallel_loop3A_417 = arith.select %parallel_loop3A_412, %parallel_loop3A_415, %parallel_loop3A_416 : vector<16xi1>, vector<16xi32>
            %parallel_loop3A_418 = vector.bitcast %parallel_loop3A_417 : vector<16xi32> to vector<32xbf16>
            %parallel_loop3A_419 = arith.constant 0 : i32
            %parallel_loop3A_420 = arith.constant 0 : i32
            %parallel_loop3A_421 = tpu.memref_slice %arg5[%parallel_loop3A_419, %parallel_loop3A_420] : memref<2x10000xi32, #tpu.memory_space<vmem>> -> memref<1x10000xi32, #tpu.memory_space<vmem>>
            %parallel_loop3A_422 = tpu.memref_squeeze %parallel_loop3A_421 : memref<1x10000xi32, #tpu.memory_space<vmem>> -> memref<10000xi32, #tpu.memory_space<vmem>>
            %parallel_loop3A_423 = tpu.vector_load_idx %parallel_loop3A_422[%parallel_loop3A_404] : memref<10000xi32, #tpu.memory_space<vmem>>[vector<16xi32>], vector<16xi32>,
            %parallel_loop3A_424 = vector.bitcast %parallel_loop3A_423 : vector<16xi32> to vector<32xbf16>
            %parallel_loop3A_425 = arith.constant 0 : i32
            %parallel_loop3A_426 = arith.constant 0 : i32
            %parallel_loop3A_427 = tpu.memref_slice %arg5[%parallel_loop3A_425, %parallel_loop3A_426] : memref<2x10000xi32, #tpu.memory_space<vmem>> -> memref<1x10000xi32, #tpu.memory_space<vmem>>
            %parallel_loop3A_428 = tpu.memref_squeeze %parallel_loop3A_427 : memref<1x10000xi32, #tpu.memory_space<vmem>> -> memref<10000xi32, #tpu.memory_space<vmem>>
            %parallel_loop3A_429 = tpu.vector_load_idx %parallel_loop3A_428[%parallel_loop3A_411] : memref<10000xi32, #tpu.memory_space<vmem>>[vector<16xi32>], vector<16xi32>,
            %parallel_loop3A_430 = vector.bitcast %parallel_loop3A_429 : vector<16xi32> to vector<32xbf16>
            %parallel_loop3A_431 = arith.subf %parallel_loop3A_424, %parallel_loop3A_430 : vector<32xbf16>
            %parallel_loop3A_432 = arith.minimumf %parallel_loop3A_431, %parallel_loop3A_418 : vector<32xbf16>
            %parallel_loop3A_433 = arith.maximumf %parallel_loop3A_378, %parallel_loop3A_432 : vector<32xbf16>
            %parallel_loop3A_434 = arith.constant 1 : i32
            %parallel_loop3A_435 = arith.constant 0 : i32
            %parallel_loop3A_436 = tpu.memref_slice %arg5[%parallel_loop3A_434, %parallel_loop3A_435] : memref<2x10000xi32, #tpu.memory_space<vmem>> -> memref<1x10000xi32, #tpu.memory_space<vmem>>
            %parallel_loop3A_437 = tpu.memref_squeeze %parallel_loop3A_436 : memref<1x10000xi32, #tpu.memory_space<vmem>> -> memref<10000xi32, #tpu.memory_space<vmem>>
            %parallel_loop3A_438 = tpu.vector_load_idx %parallel_loop3A_437[%parallel_loop3A_404] : memref<10000xi32, #tpu.memory_space<vmem>>[vector<16xi32>], vector<16xi32>,
            %parallel_loop3A_439 = vector.bitcast %parallel_loop3A_438 : vector<16xi32> to vector<32xbf16>
            %parallel_loop3A_440 = arith.constant 1 : i32
            %parallel_loop3A_441 = arith.constant 0 : i32
            %parallel_loop3A_442 = tpu.memref_slice %arg5[%parallel_loop3A_440, %parallel_loop3A_441] : memref<2x10000xi32, #tpu.memory_space<vmem>> -> memref<1x10000xi32, #tpu.memory_space<vmem>>
            %parallel_loop3A_443 = tpu.memref_squeeze %parallel_loop3A_442 : memref<1x10000xi32, #tpu.memory_space<vmem>> -> memref<10000xi32, #tpu.memory_space<vmem>>
            %parallel_loop3A_444 = tpu.vector_load_idx %parallel_loop3A_443[%parallel_loop3A_411] : memref<10000xi32, #tpu.memory_space<vmem>>[vector<16xi32>], vector<16xi32>,
            %parallel_loop3A_445 = vector.bitcast %parallel_loop3A_444 : vector<16xi32> to vector<32xbf16>
            %parallel_loop3A_446 = arith.subf %parallel_loop3A_439, %parallel_loop3A_445 : vector<32xbf16>
            %parallel_loop3A_447 = arith.minimumf %parallel_loop3A_446, %parallel_loop3A_418 : vector<32xbf16>
            %parallel_loop3A_448 = arith.maximumf %parallel_loop3A_393, %parallel_loop3A_447 : vector<32xbf16>
            %parallel_loop3A_449 = arith.constant 8 : i32
            %parallel_loop3A_450 = arith.muli %scan3A_226, %parallel_loop3A_449 : i32
            %parallel_loop3A_451 = arith.constant 4 : i32
            %parallel_loop3A_452 = arith.addi %parallel_loop3A_450, %parallel_loop3A_451 : i32
            %parallel_loop3A_453 = arith.constant 1 : i32
            %parallel_loop3A_454 = arith.constant 0 : i32
            %parallel_loop3A_455 = arith.index_cast %parallel_loop3A_453 : i32 to index
            %parallel_loop3A_456 = arith.index_cast %parallel_loop3A_454 : i32 to index
            %parallel_loop3A_457 = arith.index_cast %parallel_loop3A_452 : i32 to index
            %parallel_loop3A_458 = arith.index_cast %parallel_loop3A_202 : i32 to index
            %parallel_loop3A_459 = tpu.vector_load %arg6[%parallel_loop3A_455, %parallel_loop3A_456, %parallel_loop3A_457, %parallel_loop3A_458] {strides = array<i32>} : memref<2x2x32x400xi32, #tpu.memory_space<vmem>>, vector<16xi32>,
            %parallel_loop3A_460 = arith.constant 1 : i32
            %parallel_loop3A_461 = arith.constant 1 : i32
            %parallel_loop3A_462 = arith.index_cast %parallel_loop3A_460 : i32 to index
            %parallel_loop3A_463 = arith.index_cast %parallel_loop3A_461 : i32 to index
            %parallel_loop3A_464 = arith.index_cast %parallel_loop3A_452 : i32 to index
            %parallel_loop3A_465 = arith.index_cast %parallel_loop3A_202 : i32 to index
            %parallel_loop3A_466 = tpu.vector_load %arg6[%parallel_loop3A_462, %parallel_loop3A_463, %parallel_loop3A_464, %parallel_loop3A_465] {strides = array<i32>} : memref<2x2x32x400xi32, #tpu.memory_space<vmem>>, vector<16xi32>,
            %parallel_loop3A_467 = arith.cmpi ne, %parallel_loop3A_459, %parallel_loop3A_466 : vector<16xi32>
            %parallel_loop3A_468 = arith.constant 2139062143 : i32
            %parallel_loop3A_469 = arith.constant -8388737 : i32
            %parallel_loop3A_470 = vector.broadcast %parallel_loop3A_468 : i32 to vector<16xi32>
            %parallel_loop3A_471 = vector.broadcast %parallel_loop3A_469 : i32 to vector<16xi32>
            %parallel_loop3A_472 = arith.select %parallel_loop3A_467, %parallel_loop3A_470, %parallel_loop3A_471 : vector<16xi1>, vector<16xi32>
            %parallel_loop3A_473 = vector.bitcast %parallel_loop3A_472 : vector<16xi32> to vector<32xbf16>
            %parallel_loop3A_474 = arith.constant 0 : i32
            %parallel_loop3A_475 = arith.constant 0 : i32
            %parallel_loop3A_476 = tpu.memref_slice %arg5[%parallel_loop3A_474, %parallel_loop3A_475] : memref<2x10000xi32, #tpu.memory_space<vmem>> -> memref<1x10000xi32, #tpu.memory_space<vmem>>
            %parallel_loop3A_477 = tpu.memref_squeeze %parallel_loop3A_476 : memref<1x10000xi32, #tpu.memory_space<vmem>> -> memref<10000xi32, #tpu.memory_space<vmem>>
            %parallel_loop3A_478 = tpu.vector_load_idx %parallel_loop3A_477[%parallel_loop3A_459] : memref<10000xi32, #tpu.memory_space<vmem>>[vector<16xi32>], vector<16xi32>,
            %parallel_loop3A_479 = vector.bitcast %parallel_loop3A_478 : vector<16xi32> to vector<32xbf16>
            %parallel_loop3A_480 = arith.constant 0 : i32
            %parallel_loop3A_481 = arith.constant 0 : i32
            %parallel_loop3A_482 = tpu.memref_slice %arg5[%parallel_loop3A_480, %parallel_loop3A_481] : memref<2x10000xi32, #tpu.memory_space<vmem>> -> memref<1x10000xi32, #tpu.memory_space<vmem>>
            %parallel_loop3A_483 = tpu.memref_squeeze %parallel_loop3A_482 : memref<1x10000xi32, #tpu.memory_space<vmem>> -> memref<10000xi32, #tpu.memory_space<vmem>>
            %parallel_loop3A_484 = tpu.vector_load_idx %parallel_loop3A_483[%parallel_loop3A_466] : memref<10000xi32, #tpu.memory_space<vmem>>[vector<16xi32>], vector<16xi32>,
            %parallel_loop3A_485 = vector.bitcast %parallel_loop3A_484 : vector<16xi32> to vector<32xbf16>
            %parallel_loop3A_486 = arith.subf %parallel_loop3A_479, %parallel_loop3A_485 : vector<32xbf16>
            %parallel_loop3A_487 = arith.minimumf %parallel_loop3A_486, %parallel_loop3A_473 : vector<32xbf16>
            %parallel_loop3A_488 = arith.maximumf %parallel_loop3A_433, %parallel_loop3A_487 : vector<32xbf16>
            %parallel_loop3A_489 = arith.constant 1 : i32
            %parallel_loop3A_490 = arith.constant 0 : i32
            %parallel_loop3A_491 = tpu.memref_slice %arg5[%parallel_loop3A_489, %parallel_loop3A_490] : memref<2x10000xi32, #tpu.memory_space<vmem>> -> memref<1x10000xi32, #tpu.memory_space<vmem>>
            %parallel_loop3A_492 = tpu.memref_squeeze %parallel_loop3A_491 : memref<1x10000xi32, #tpu.memory_space<vmem>> -> memref<10000xi32, #tpu.memory_space<vmem>>
            %parallel_loop3A_493 = tpu.vector_load_idx %parallel_loop3A_492[%parallel_loop3A_459] : memref<10000xi32, #tpu.memory_space<vmem>>[vector<16xi32>], vector<16xi32>,
            %parallel_loop3A_494 = vector.bitcast %parallel_loop3A_493 : vector<16xi32> to vector<32xbf16>
            %parallel_loop3A_495 = arith.constant 1 : i32
            %parallel_loop3A_496 = arith.constant 0 : i32
            %parallel_loop3A_497 = tpu.memref_slice %arg5[%parallel_loop3A_495, %parallel_loop3A_496] : memref<2x10000xi32, #tpu.memory_space<vmem>> -> memref<1x10000xi32, #tpu.memory_space<vmem>>
            %parallel_loop3A_498 = tpu.memref_squeeze %parallel_loop3A_497 : memref<1x10000xi32, #tpu.memory_space<vmem>> -> memref<10000xi32, #tpu.memory_space<vmem>>
            %parallel_loop3A_499 = tpu.vector_load_idx %parallel_loop3A_498[%parallel_loop3A_466] : memref<10000xi32, #tpu.memory_space<vmem>>[vector<16xi32>], vector<16xi32>,
            %parallel_loop3A_500 = vector.bitcast %parallel_loop3A_499 : vector<16xi32> to vector<32xbf16>
            %parallel_loop3A_501 = arith.subf %parallel_loop3A_494, %parallel_loop3A_500 : vector<32xbf16>
            %parallel_loop3A_502 = arith.minimumf %parallel_loop3A_501, %parallel_loop3A_473 : vector<32xbf16>
            %parallel_loop3A_503 = arith.maximumf %parallel_loop3A_448, %parallel_loop3A_502 : vector<32xbf16>
            %parallel_loop3A_504 = arith.constant 8 : i32
            %parallel_loop3A_505 = arith.muli %scan3A_226, %parallel_loop3A_504 : i32
            %parallel_loop3A_506 = arith.constant 5 : i32
            %parallel_loop3A_507 = arith.addi %parallel_loop3A_505, %parallel_loop3A_506 : i32
            %parallel_loop3A_508 = arith.constant 1 : i32
            %parallel_loop3A_509 = arith.constant 0 : i32
            %parallel_loop3A_510 = arith.index_cast %parallel_loop3A_508 : i32 to index
            %parallel_loop3A_511 = arith.index_cast %parallel_loop3A_509 : i32 to index
            %parallel_loop3A_512 = arith.index_cast %parallel_loop3A_507 : i32 to index
            %parallel_loop3A_513 = arith.index_cast %parallel_loop3A_202 : i32 to index
            %parallel_loop3A_514 = tpu.vector_load %arg6[%parallel_loop3A_510, %parallel_loop3A_511, %parallel_loop3A_512, %parallel_loop3A_513] {strides = array<i32>} : memref<2x2x32x400xi32, #tpu.memory_space<vmem>>, vector<16xi32>,
            %parallel_loop3A_515 = arith.constant 1 : i32
            %parallel_loop3A_516 = arith.constant 1 : i32
            %parallel_loop3A_517 = arith.index_cast %parallel_loop3A_515 : i32 to index
            %parallel_loop3A_518 = arith.index_cast %parallel_loop3A_516 : i32 to index
            %parallel_loop3A_519 = arith.index_cast %parallel_loop3A_507 : i32 to index
            %parallel_loop3A_520 = arith.index_cast %parallel_loop3A_202 : i32 to index
            %parallel_loop3A_521 = tpu.vector_load %arg6[%parallel_loop3A_517, %parallel_loop3A_518, %parallel_loop3A_519, %parallel_loop3A_520] {strides = array<i32>} : memref<2x2x32x400xi32, #tpu.memory_space<vmem>>, vector<16xi32>,
            %parallel_loop3A_522 = arith.cmpi ne, %parallel_loop3A_514, %parallel_loop3A_521 : vector<16xi32>
            %parallel_loop3A_523 = arith.constant 2139062143 : i32
            %parallel_loop3A_524 = arith.constant -8388737 : i32
            %parallel_loop3A_525 = vector.broadcast %parallel_loop3A_523 : i32 to vector<16xi32>
            %parallel_loop3A_526 = vector.broadcast %parallel_loop3A_524 : i32 to vector<16xi32>
            %parallel_loop3A_527 = arith.select %parallel_loop3A_522, %parallel_loop3A_525, %parallel_loop3A_526 : vector<16xi1>, vector<16xi32>
            %parallel_loop3A_528 = vector.bitcast %parallel_loop3A_527 : vector<16xi32> to vector<32xbf16>
            %parallel_loop3A_529 = arith.constant 0 : i32
            %parallel_loop3A_530 = arith.constant 0 : i32
            %parallel_loop3A_531 = tpu.memref_slice %arg5[%parallel_loop3A_529, %parallel_loop3A_530] : memref<2x10000xi32, #tpu.memory_space<vmem>> -> memref<1x10000xi32, #tpu.memory_space<vmem>>
            %parallel_loop3A_532 = tpu.memref_squeeze %parallel_loop3A_531 : memref<1x10000xi32, #tpu.memory_space<vmem>> -> memref<10000xi32, #tpu.memory_space<vmem>>
            %parallel_loop3A_533 = tpu.vector_load_idx %parallel_loop3A_532[%parallel_loop3A_514] : memref<10000xi32, #tpu.memory_space<vmem>>[vector<16xi32>], vector<16xi32>,
            %parallel_loop3A_534 = vector.bitcast %parallel_loop3A_533 : vector<16xi32> to vector<32xbf16>
            %parallel_loop3A_535 = arith.constant 0 : i32
            %parallel_loop3A_536 = arith.constant 0 : i32
            %parallel_loop3A_537 = tpu.memref_slice %arg5[%parallel_loop3A_535, %parallel_loop3A_536] : memref<2x10000xi32, #tpu.memory_space<vmem>> -> memref<1x10000xi32, #tpu.memory_space<vmem>>
            %parallel_loop3A_538 = tpu.memref_squeeze %parallel_loop3A_537 : memref<1x10000xi32, #tpu.memory_space<vmem>> -> memref<10000xi32, #tpu.memory_space<vmem>>
            %parallel_loop3A_539 = tpu.vector_load_idx %parallel_loop3A_538[%parallel_loop3A_521] : memref<10000xi32, #tpu.memory_space<vmem>>[vector<16xi32>], vector<16xi32>,
            %parallel_loop3A_540 = vector.bitcast %parallel_loop3A_539 : vector<16xi32> to vector<32xbf16>
            %parallel_loop3A_541 = arith.subf %parallel_loop3A_534, %parallel_loop3A_540 : vector<32xbf16>
            %parallel_loop3A_542 = arith.minimumf %parallel_loop3A_541, %parallel_loop3A_528 : vector<32xbf16>
            %parallel_loop3A_543 = arith.maximumf %parallel_loop3A_488, %parallel_loop3A_542 : vector<32xbf16>
            %parallel_loop3A_544 = arith.constant 1 : i32
            %parallel_loop3A_545 = arith.constant 0 : i32
            %parallel_loop3A_546 = tpu.memref_slice %arg5[%parallel_loop3A_544, %parallel_loop3A_545] : memref<2x10000xi32, #tpu.memory_space<vmem>> -> memref<1x10000xi32, #tpu.memory_space<vmem>>
            %parallel_loop3A_547 = tpu.memref_squeeze %parallel_loop3A_546 : memref<1x10000xi32, #tpu.memory_space<vmem>> -> memref<10000xi32, #tpu.memory_space<vmem>>
            %parallel_loop3A_548 = tpu.vector_load_idx %parallel_loop3A_547[%parallel_loop3A_514] : memref<10000xi32, #tpu.memory_space<vmem>>[vector<16xi32>], vector<16xi32>,
            %parallel_loop3A_549 = vector.bitcast %parallel_loop3A_548 : vector<16xi32> to vector<32xbf16>
            %parallel_loop3A_550 = arith.constant 1 : i32
            %parallel_loop3A_551 = arith.constant 0 : i32
            %parallel_loop3A_552 = tpu.memref_slice %arg5[%parallel_loop3A_550, %parallel_loop3A_551] : memref<2x10000xi32, #tpu.memory_space<vmem>> -> memref<1x10000xi32, #tpu.memory_space<vmem>>
            %parallel_loop3A_553 = tpu.memref_squeeze %parallel_loop3A_552 : memref<1x10000xi32, #tpu.memory_space<vmem>> -> memref<10000xi32, #tpu.memory_space<vmem>>
            %parallel_loop3A_554 = tpu.vector_load_idx %parallel_loop3A_553[%parallel_loop3A_521] : memref<10000xi32, #tpu.memory_space<vmem>>[vector<16xi32>], vector<16xi32>,
            %parallel_loop3A_555 = vector.bitcast %parallel_loop3A_554 : vector<16xi32> to vector<32xbf16>
            %parallel_loop3A_556 = arith.subf %parallel_loop3A_549, %parallel_loop3A_555 : vector<32xbf16>
            %parallel_loop3A_557 = arith.minimumf %parallel_loop3A_556, %parallel_loop3A_528 : vector<32xbf16>
            %parallel_loop3A_558 = arith.maximumf %parallel_loop3A_503, %parallel_loop3A_557 : vector<32xbf16>
            %parallel_loop3A_559 = arith.constant 8 : i32
            %parallel_loop3A_560 = arith.muli %scan3A_226, %parallel_loop3A_559 : i32
            %parallel_loop3A_561 = arith.constant 6 : i32
            %parallel_loop3A_562 = arith.addi %parallel_loop3A_560, %parallel_loop3A_561 : i32
            %parallel_loop3A_563 = arith.constant 1 : i32
            %parallel_loop3A_564 = arith.constant 0 : i32
            %parallel_loop3A_565 = arith.index_cast %parallel_loop3A_563 : i32 to index
            %parallel_loop3A_566 = arith.index_cast %parallel_loop3A_564 : i32 to index
            %parallel_loop3A_567 = arith.index_cast %parallel_loop3A_562 : i32 to index
            %parallel_loop3A_568 = arith.index_cast %parallel_loop3A_202 : i32 to index
            %parallel_loop3A_569 = tpu.vector_load %arg6[%parallel_loop3A_565, %parallel_loop3A_566, %parallel_loop3A_567, %parallel_loop3A_568] {strides = array<i32>} : memref<2x2x32x400xi32, #tpu.memory_space<vmem>>, vector<16xi32>,
            %parallel_loop3A_570 = arith.constant 1 : i32
            %parallel_loop3A_571 = arith.constant 1 : i32
            %parallel_loop3A_572 = arith.index_cast %parallel_loop3A_570 : i32 to index
            %parallel_loop3A_573 = arith.index_cast %parallel_loop3A_571 : i32 to index
            %parallel_loop3A_574 = arith.index_cast %parallel_loop3A_562 : i32 to index
            %parallel_loop3A_575 = arith.index_cast %parallel_loop3A_202 : i32 to index
            %parallel_loop3A_576 = tpu.vector_load %arg6[%parallel_loop3A_572, %parallel_loop3A_573, %parallel_loop3A_574, %parallel_loop3A_575] {strides = array<i32>} : memref<2x2x32x400xi32, #tpu.memory_space<vmem>>, vector<16xi32>,
            %parallel_loop3A_577 = arith.cmpi ne, %parallel_loop3A_569, %parallel_loop3A_576 : vector<16xi32>
            %parallel_loop3A_578 = arith.constant 2139062143 : i32
            %parallel_loop3A_579 = arith.constant -8388737 : i32
            %parallel_loop3A_580 = vector.broadcast %parallel_loop3A_578 : i32 to vector<16xi32>
            %parallel_loop3A_581 = vector.broadcast %parallel_loop3A_579 : i32 to vector<16xi32>
            %parallel_loop3A_582 = arith.select %parallel_loop3A_577, %parallel_loop3A_580, %parallel_loop3A_581 : vector<16xi1>, vector<16xi32>
            %parallel_loop3A_583 = vector.bitcast %parallel_loop3A_582 : vector<16xi32> to vector<32xbf16>
            %parallel_loop3A_584 = arith.constant 0 : i32
            %parallel_loop3A_585 = arith.constant 0 : i32
            %parallel_loop3A_586 = tpu.memref_slice %arg5[%parallel_loop3A_584, %parallel_loop3A_585] : memref<2x10000xi32, #tpu.memory_space<vmem>> -> memref<1x10000xi32, #tpu.memory_space<vmem>>
            %parallel_loop3A_587 = tpu.memref_squeeze %parallel_loop3A_586 : memref<1x10000xi32, #tpu.memory_space<vmem>> -> memref<10000xi32, #tpu.memory_space<vmem>>
            %parallel_loop3A_588 = tpu.vector_load_idx %parallel_loop3A_587[%parallel_loop3A_569] : memref<10000xi32, #tpu.memory_space<vmem>>[vector<16xi32>], vector<16xi32>,
            %parallel_loop3A_589 = vector.bitcast %parallel_loop3A_588 : vector<16xi32> to vector<32xbf16>
            %parallel_loop3A_590 = arith.constant 0 : i32
            %parallel_loop3A_591 = arith.constant 0 : i32
            %parallel_loop3A_592 = tpu.memref_slice %arg5[%parallel_loop3A_590, %parallel_loop3A_591] : memref<2x10000xi32, #tpu.memory_space<vmem>> -> memref<1x10000xi32, #tpu.memory_space<vmem>>
            %parallel_loop3A_593 = tpu.memref_squeeze %parallel_loop3A_592 : memref<1x10000xi32, #tpu.memory_space<vmem>> -> memref<10000xi32, #tpu.memory_space<vmem>>
            %parallel_loop3A_594 = tpu.vector_load_idx %parallel_loop3A_593[%parallel_loop3A_576] : memref<10000xi32, #tpu.memory_space<vmem>>[vector<16xi32>], vector<16xi32>,
            %parallel_loop3A_595 = vector.bitcast %parallel_loop3A_594 : vector<16xi32> to vector<32xbf16>
            %parallel_loop3A_596 = arith.subf %parallel_loop3A_589, %parallel_loop3A_595 : vector<32xbf16>
            %parallel_loop3A_597 = arith.minimumf %parallel_loop3A_596, %parallel_loop3A_583 : vector<32xbf16>
            %parallel_loop3A_598 = arith.maximumf %parallel_loop3A_543, %parallel_loop3A_597 : vector<32xbf16>
            %parallel_loop3A_599 = arith.constant 1 : i32
            %parallel_loop3A_600 = arith.constant 0 : i32
            %parallel_loop3A_601 = tpu.memref_slice %arg5[%parallel_loop3A_599, %parallel_loop3A_600] : memref<2x10000xi32, #tpu.memory_space<vmem>> -> memref<1x10000xi32, #tpu.memory_space<vmem>>
            %parallel_loop3A_602 = tpu.memref_squeeze %parallel_loop3A_601 : memref<1x10000xi32, #tpu.memory_space<vmem>> -> memref<10000xi32, #tpu.memory_space<vmem>>
            %parallel_loop3A_603 = tpu.vector_load_idx %parallel_loop3A_602[%parallel_loop3A_569] : memref<10000xi32, #tpu.memory_space<vmem>>[vector<16xi32>], vector<16xi32>,
            %parallel_loop3A_604 = vector.bitcast %parallel_loop3A_603 : vector<16xi32> to vector<32xbf16>
            %parallel_loop3A_605 = arith.constant 1 : i32
            %parallel_loop3A_606 = arith.constant 0 : i32
            %parallel_loop3A_607 = tpu.memref_slice %arg5[%parallel_loop3A_605, %parallel_loop3A_606] : memref<2x10000xi32, #tpu.memory_space<vmem>> -> memref<1x10000xi32, #tpu.memory_space<vmem>>
            %parallel_loop3A_608 = tpu.memref_squeeze %parallel_loop3A_607 : memref<1x10000xi32, #tpu.memory_space<vmem>> -> memref<10000xi32, #tpu.memory_space<vmem>>
            %parallel_loop3A_609 = tpu.vector_load_idx %parallel_loop3A_608[%parallel_loop3A_576] : memref<10000xi32, #tpu.memory_space<vmem>>[vector<16xi32>], vector<16xi32>,
            %parallel_loop3A_610 = vector.bitcast %parallel_loop3A_609 : vector<16xi32> to vector<32xbf16>
            %parallel_loop3A_611 = arith.subf %parallel_loop3A_604, %parallel_loop3A_610 : vector<32xbf16>
            %parallel_loop3A_612 = arith.minimumf %parallel_loop3A_611, %parallel_loop3A_583 : vector<32xbf16>
            %parallel_loop3A_613 = arith.maximumf %parallel_loop3A_558, %parallel_loop3A_612 : vector<32xbf16>
            %parallel_loop3A_614 = arith.constant 8 : i32
            %parallel_loop3A_615 = arith.muli %scan3A_226, %parallel_loop3A_614 : i32
            %parallel_loop3A_616 = arith.constant 7 : i32
            %parallel_loop3A_617 = arith.addi %parallel_loop3A_615, %parallel_loop3A_616 : i32
            %parallel_loop3A_618 = arith.constant 1 : i32
            %parallel_loop3A_619 = arith.constant 0 : i32
            %parallel_loop3A_620 = arith.index_cast %parallel_loop3A_618 : i32 to index
            %parallel_loop3A_621 = arith.index_cast %parallel_loop3A_619 : i32 to index
            %parallel_loop3A_622 = arith.index_cast %parallel_loop3A_617 : i32 to index
            %parallel_loop3A_623 = arith.index_cast %parallel_loop3A_202 : i32 to index
            %parallel_loop3A_624 = tpu.vector_load %arg6[%parallel_loop3A_620, %parallel_loop3A_621, %parallel_loop3A_622, %parallel_loop3A_623] {strides = array<i32>} : memref<2x2x32x400xi32, #tpu.memory_space<vmem>>, vector<16xi32>,
            %parallel_loop3A_625 = arith.constant 1 : i32
            %parallel_loop3A_626 = arith.constant 1 : i32
            %parallel_loop3A_627 = arith.index_cast %parallel_loop3A_625 : i32 to index
            %parallel_loop3A_628 = arith.index_cast %parallel_loop3A_626 : i32 to index
            %parallel_loop3A_629 = arith.index_cast %parallel_loop3A_617 : i32 to index
            %parallel_loop3A_630 = arith.index_cast %parallel_loop3A_202 : i32 to index
            %parallel_loop3A_631 = tpu.vector_load %arg6[%parallel_loop3A_627, %parallel_loop3A_628, %parallel_loop3A_629, %parallel_loop3A_630] {strides = array<i32>} : memref<2x2x32x400xi32, #tpu.memory_space<vmem>>, vector<16xi32>,
            %parallel_loop3A_632 = arith.cmpi ne, %parallel_loop3A_624, %parallel_loop3A_631 : vector<16xi32>
            %parallel_loop3A_633 = arith.constant 2139062143 : i32
            %parallel_loop3A_634 = arith.constant -8388737 : i32
            %parallel_loop3A_635 = vector.broadcast %parallel_loop3A_633 : i32 to vector<16xi32>
            %parallel_loop3A_636 = vector.broadcast %parallel_loop3A_634 : i32 to vector<16xi32>
            %parallel_loop3A_637 = arith.select %parallel_loop3A_632, %parallel_loop3A_635, %parallel_loop3A_636 : vector<16xi1>, vector<16xi32>
            %parallel_loop3A_638 = vector.bitcast %parallel_loop3A_637 : vector<16xi32> to vector<32xbf16>
            %parallel_loop3A_639 = arith.constant 0 : i32
            %parallel_loop3A_640 = arith.constant 0 : i32
            %parallel_loop3A_641 = tpu.memref_slice %arg5[%parallel_loop3A_639, %parallel_loop3A_640] : memref<2x10000xi32, #tpu.memory_space<vmem>> -> memref<1x10000xi32, #tpu.memory_space<vmem>>
            %parallel_loop3A_642 = tpu.memref_squeeze %parallel_loop3A_641 : memref<1x10000xi32, #tpu.memory_space<vmem>> -> memref<10000xi32, #tpu.memory_space<vmem>>
            %parallel_loop3A_643 = tpu.vector_load_idx %parallel_loop3A_642[%parallel_loop3A_624] : memref<10000xi32, #tpu.memory_space<vmem>>[vector<16xi32>], vector<16xi32>,
            %parallel_loop3A_644 = vector.bitcast %parallel_loop3A_643 : vector<16xi32> to vector<32xbf16>
            %parallel_loop3A_645 = arith.constant 0 : i32
            %parallel_loop3A_646 = arith.constant 0 : i32
            %parallel_loop3A_647 = tpu.memref_slice %arg5[%parallel_loop3A_645, %parallel_loop3A_646] : memref<2x10000xi32, #tpu.memory_space<vmem>> -> memref<1x10000xi32, #tpu.memory_space<vmem>>
            %parallel_loop3A_648 = tpu.memref_squeeze %parallel_loop3A_647 : memref<1x10000xi32, #tpu.memory_space<vmem>> -> memref<10000xi32, #tpu.memory_space<vmem>>
            %parallel_loop3A_649 = tpu.vector_load_idx %parallel_loop3A_648[%parallel_loop3A_631] : memref<10000xi32, #tpu.memory_space<vmem>>[vector<16xi32>], vector<16xi32>,
            %parallel_loop3A_650 = vector.bitcast %parallel_loop3A_649 : vector<16xi32> to vector<32xbf16>
            %parallel_loop3A_651 = arith.subf %parallel_loop3A_644, %parallel_loop3A_650 : vector<32xbf16>
            %parallel_loop3A_652 = arith.minimumf %parallel_loop3A_651, %parallel_loop3A_638 : vector<32xbf16>
            %parallel_loop3A_653 = arith.maximumf %parallel_loop3A_598, %parallel_loop3A_652 : vector<32xbf16>
            %parallel_loop3A_654 = arith.constant 1 : i32
            %parallel_loop3A_655 = arith.constant 0 : i32
            %parallel_loop3A_656 = tpu.memref_slice %arg5[%parallel_loop3A_654, %parallel_loop3A_655] : memref<2x10000xi32, #tpu.memory_space<vmem>> -> memref<1x10000xi32, #tpu.memory_space<vmem>>
            %parallel_loop3A_657 = tpu.memref_squeeze %parallel_loop3A_656 : memref<1x10000xi32, #tpu.memory_space<vmem>> -> memref<10000xi32, #tpu.memory_space<vmem>>
            %parallel_loop3A_658 = tpu.vector_load_idx %parallel_loop3A_657[%parallel_loop3A_624] : memref<10000xi32, #tpu.memory_space<vmem>>[vector<16xi32>], vector<16xi32>,
            %parallel_loop3A_659 = vector.bitcast %parallel_loop3A_658 : vector<16xi32> to vector<32xbf16>
            %parallel_loop3A_660 = arith.constant 1 : i32
            %parallel_loop3A_661 = arith.constant 0 : i32
            %parallel_loop3A_662 = tpu.memref_slice %arg5[%parallel_loop3A_660, %parallel_loop3A_661] : memref<2x10000xi32, #tpu.memory_space<vmem>> -> memref<1x10000xi32, #tpu.memory_space<vmem>>
            %parallel_loop3A_663 = tpu.memref_squeeze %parallel_loop3A_662 : memref<1x10000xi32, #tpu.memory_space<vmem>> -> memref<10000xi32, #tpu.memory_space<vmem>>
            %parallel_loop3A_664 = tpu.vector_load_idx %parallel_loop3A_663[%parallel_loop3A_631] : memref<10000xi32, #tpu.memory_space<vmem>>[vector<16xi32>], vector<16xi32>,
            %parallel_loop3A_665 = vector.bitcast %parallel_loop3A_664 : vector<16xi32> to vector<32xbf16>
            %parallel_loop3A_666 = arith.subf %parallel_loop3A_659, %parallel_loop3A_665 : vector<32xbf16>
            %parallel_loop3A_667 = arith.minimumf %parallel_loop3A_666, %parallel_loop3A_638 : vector<32xbf16>
            %parallel_loop3A_668 = arith.maximumf %parallel_loop3A_613, %parallel_loop3A_667 : vector<32xbf16>
            scf.yield %parallel_loop3A_653, %parallel_loop3A_668 : vector<32xbf16>, vector<32xbf16>
          }
          %parallel_loop3A_211 = arith.constant 4 : i32
          %parallel_loop3A_212 = vector.bitcast %parallel_loop3A_210#0 : vector<32xbf16> to vector<16xi32>
          %parallel_loop3A_213 = arith.constant 1 : i32
          %parallel_loop3A_214 = arith.constant 0 : i32
          %parallel_loop3A_215 = arith.index_cast %parallel_loop3A_213 : i32 to index
          %parallel_loop3A_216 = arith.index_cast %parallel_loop3A_214 : i32 to index
          %parallel_loop3A_217 = arith.index_cast %parallel_loop3A_202 : i32 to index
          %parallel_loop3A_218 = tpu.vector_load %arg7[%parallel_loop3A_215, %parallel_loop3A_216, %parallel_loop3A_217] {strides = array<i32>} : memref<2x2x400xi32, #tpu.memory_space<vmem>>, vector<16xi32>,
          tpu.vector_store %arg7[%parallel_loop3A_215, %parallel_loop3A_216, %parallel_loop3A_217], %parallel_loop3A_212 {strides = array<i32>} : memref<2x2x400xi32, #tpu.memory_space<vmem>>, vector<16xi32>,
          %parallel_loop3A_219 = vector.bitcast %parallel_loop3A_210#1 : vector<32xbf16> to vector<16xi32>
          %parallel_loop3A_220 = arith.constant 1 : i32
          %parallel_loop3A_221 = arith.constant 1 : i32
          %parallel_loop3A_222 = arith.index_cast %parallel_loop3A_220 : i32 to index
          %parallel_loop3A_223 = arith.index_cast %parallel_loop3A_221 : i32 to index
          %parallel_loop3A_224 = arith.index_cast %parallel_loop3A_202 : i32 to index
          %parallel_loop3A_225 = tpu.vector_load %arg7[%parallel_loop3A_222, %parallel_loop3A_223, %parallel_loop3A_224] {strides = array<i32>} : memref<2x2x400xi32, #tpu.memory_space<vmem>>, vector<16xi32>,
          tpu.vector_store %arg7[%parallel_loop3A_222, %parallel_loop3A_223, %parallel_loop3A_224], %parallel_loop3A_219 {strides = array<i32>} : memref<2x2x400xi32, #tpu.memory_space<vmem>>, vector<16xi32>,
        } {sc.loop_unroll_factor = 1 : i64, sc.parallel_access}
        %dma_start3A_186 = arith.constant 1 : i32
        %dma_start3A_187 = arith.constant 1 : i32
        %dma_start3A_188 = arith.constant 0 : i32
        %dma_start3A_189 = arith.constant 0 : i32
        %dma_start3A_190 = tpu.memref_slice %arg7[%dma_start3A_186, %dma_start3A_188, %dma_start3A_189] : memref<2x2x400xi32, #tpu.memory_space<vmem>> -> memref<1x2x400xi32, #tpu.memory_space<vmem>>
        %dma_start3A_191 = tpu.memref_squeeze %dma_start3A_190 : memref<1x2x400xi32, #tpu.memory_space<vmem>> -> memref<2x400xi32, #tpu.memory_space<vmem>>
        %dma_start3A_192 = tpu.memref_slice %arg4[%mul3A_2, %mul3A_178] : memref<64x10000xi32, #tpu.memory_space<hbm>> -> memref<2x400xi32, #tpu.memory_space<hbm>>
        %dma_start3A_193 = tpu.memref_slice %arg10[%dma_start3A_187] : memref<2x!tpu.dma_semaphore, #tpu.memory_space<semaphore_mem>> -> memref<1x!tpu.dma_semaphore, #tpu.memory_space<semaphore_mem>>
        %dma_start3A_194 = tpu.memref_squeeze %dma_start3A_193 : memref<1x!tpu.dma_semaphore, #tpu.memory_space<semaphore_mem>> -> memref<!tpu.dma_semaphore, #tpu.memory_space<semaphore_mem>>
        %dma_start3A_195 = tpu.memref_slice %arg4[%mul3A_2, %mul3A_178] : memref<64x10000xi32, #tpu.memory_space<hbm>> -> memref<2x400xi32, #tpu.memory_space<hbm>>
        %dma_start3A_196 = arith.constant 0 : i32
        %dma_start3A_197 = arith.constant 0 : i32
        %dma_start3A_198 = tpu.memref_slice %arg7[%dma_start3A_186, %dma_start3A_196, %dma_start3A_197] : memref<2x2x400xi32, #tpu.memory_space<vmem>> -> memref<1x2x400xi32, #tpu.memory_space<vmem>>
        %dma_start3A_199 = tpu.memref_squeeze %dma_start3A_198 : memref<1x2x400xi32, #tpu.memory_space<vmem>> -> memref<2x400xi32, #tpu.memory_space<vmem>>
        tpu.enqueue_dma source(%dma_start3A_199 : memref<2x400xi32, #tpu.memory_space<vmem>>) target(%dma_start3A_195 : memref<2x400xi32, #tpu.memory_space<hbm>>) target_semaphore(%dma_start3A_194 : memref<!tpu.dma_semaphore, #tpu.memory_space<semaphore_mem>>)
      } else {
      }
    }
    %scan3A_74 = arith.constant 13 : i32
    %dma_wait3A = arith.constant 0 : i32
    %dma_wait3A_75 = arith.constant 0 : i32
    %dma_wait3A_76 = arith.constant 0 : i32
    %dma_wait3A_77 = arith.constant 0 : i32
    %dma_wait3A_78 = tpu.memref_slice %arg7[%dma_wait3A, %dma_wait3A_76, %dma_wait3A_77] : memref<2x2x400xi32, #tpu.memory_space<vmem>> -> memref<1x2x400xi32, #tpu.memory_space<vmem>>
    %dma_wait3A_79 = tpu.memref_squeeze %dma_wait3A_78 : memref<1x2x400xi32, #tpu.memory_space<vmem>> -> memref<2x400xi32, #tpu.memory_space<vmem>>
    %dma_wait3A_80 = arith.constant 0 : i32
    %dma_wait3A_81 = arith.constant 0 : i32
    %dma_wait3A_82 = tpu.memref_slice %arg4[%dma_wait3A_80, %dma_wait3A_81] : memref<64x10000xi32, #tpu.memory_space<hbm>> -> memref<2x400xi32, #tpu.memory_space<hbm>>
    %dma_wait3A_83 = tpu.memref_slice %arg10[%dma_wait3A_75] : memref<2x!tpu.dma_semaphore, #tpu.memory_space<semaphore_mem>> -> memref<1x!tpu.dma_semaphore, #tpu.memory_space<semaphore_mem>>
    %dma_wait3A_84 = tpu.memref_squeeze %dma_wait3A_83 : memref<1x!tpu.dma_semaphore, #tpu.memory_space<semaphore_mem>> -> memref<!tpu.dma_semaphore, #tpu.memory_space<semaphore_mem>>
    %dma_wait3A_85 = arith.constant 0 : i32
    %dma_wait3A_86 = arith.constant 0 : i32
    %dma_wait3A_87 = tpu.memref_slice %arg4[%dma_wait3A_85, %dma_wait3A_86] : memref<64x10000xi32, #tpu.memory_space<hbm>> -> memref<2x400xi32, #tpu.memory_space<hbm>>
    %dma_wait3A_88 = arith.constant 0 : i32
    %dma_wait3A_89 = arith.constant 0 : i32
    %dma_wait3A_90 = tpu.memref_slice %arg7[%dma_wait3A, %dma_wait3A_88, %dma_wait3A_89] : memref<2x2x400xi32, #tpu.memory_space<vmem>> -> memref<1x2x400xi32, #tpu.memory_space<vmem>>
    %dma_wait3A_91 = tpu.memref_squeeze %dma_wait3A_90 : memref<1x2x400xi32, #tpu.memory_space<vmem>> -> memref<2x400xi32, #tpu.memory_space<vmem>>
    tpu.wait_dma2 semaphore(%dma_wait3A_84 : memref<!tpu.dma_semaphore, #tpu.memory_space<semaphore_mem>>) src(%dma_wait3A_91 : memref<2x400xi32, #tpu.memory_space<vmem>>) dst(%dma_wait3A_87 : memref<2x400xi32, #tpu.memory_space<hbm>>)
    %dma_wait3A_92 = arith.constant 1 : i32
    %dma_wait3A_93 = arith.constant 1 : i32
    %dma_wait3A_94 = arith.constant 0 : i32
    %dma_wait3A_95 = arith.constant 0 : i32
    %dma_wait3A_96 = tpu.memref_slice %arg7[%dma_wait3A_92, %dma_wait3A_94, %dma_wait3A_95] : memref<2x2x400xi32, #tpu.memory_space<vmem>> -> memref<1x2x400xi32, #tpu.memory_space<vmem>>
    %dma_wait3A_97 = tpu.memref_squeeze %dma_wait3A_96 : memref<1x2x400xi32, #tpu.memory_space<vmem>> -> memref<2x400xi32, #tpu.memory_space<vmem>>
    %dma_wait3A_98 = arith.constant 0 : i32
    %dma_wait3A_99 = arith.constant 0 : i32
    %dma_wait3A_100 = tpu.memref_slice %arg4[%dma_wait3A_98, %dma_wait3A_99] : memref<64x10000xi32, #tpu.memory_space<hbm>> -> memref<2x400xi32, #tpu.memory_space<hbm>>
    %dma_wait3A_101 = tpu.memref_slice %arg10[%dma_wait3A_93] : memref<2x!tpu.dma_semaphore, #tpu.memory_space<semaphore_mem>> -> memref<1x!tpu.dma_semaphore, #tpu.memory_space<semaphore_mem>>
    %dma_wait3A_102 = tpu.memref_squeeze %dma_wait3A_101 : memref<1x!tpu.dma_semaphore, #tpu.memory_space<semaphore_mem>> -> memref<!tpu.dma_semaphore, #tpu.memory_space<semaphore_mem>>
    %dma_wait3A_103 = arith.constant 0 : i32
    %dma_wait3A_104 = arith.constant 0 : i32
    %dma_wait3A_105 = tpu.memref_slice %arg4[%dma_wait3A_103, %dma_wait3A_104] : memref<64x10000xi32, #tpu.memory_space<hbm>> -> memref<2x400xi32, #tpu.memory_space<hbm>>
    %dma_wait3A_106 = arith.constant 0 : i32
    %dma_wait3A_107 = arith.constant 0 : i32
    %dma_wait3A_108 = tpu.memref_slice %arg7[%dma_wait3A_92, %dma_wait3A_106, %dma_wait3A_107] : memref<2x2x400xi32, #tpu.memory_space<vmem>> -> memref<1x2x400xi32, #tpu.memory_space<vmem>>
    %dma_wait3A_109 = tpu.memref_squeeze %dma_wait3A_108 : memref<1x2x400xi32, #tpu.memory_space<vmem>> -> memref<2x400xi32, #tpu.memory_space<vmem>>
    tpu.wait_dma2 semaphore(%dma_wait3A_102 : memref<!tpu.dma_semaphore, #tpu.memory_space<semaphore_mem>>) src(%dma_wait3A_109 : memref<2x400xi32, #tpu.memory_space<vmem>>) dst(%dma_wait3A_105 : memref<2x400xi32, #tpu.memory_space<hbm>>)
    return
  }
}

module attributes {stable_mosaic.version = 14 : i64} {
  func.func @body(%arg0: i32, %arg1: memref<128x128xf32, #tpu.memory_space<vmem>>, %arg2: memref<128x1xf32, #tpu.memory_space<vmem>>, %arg3: memref<128x2048xf32, #tpu.memory_space<vmem>>, %arg4: memref<128x2048xf32, #tpu.memory_space<vmem>>) attributes {dimension_semantics = [#tpu.dimension_semantics<arbitrary>], iteration_bounds = array<i64: 5>, scalar_prefetch = 0 : i64, scratch_operands = 0 : i64, tpu.core_type = #tpu.core_type<tc>, window_params = [{pipeline_mode = #tpu.pipeline_mode<synchronous>, transform_indices = @transform_0, window_bounds = array<i64: 128, 128>}, {pipeline_mode = #tpu.pipeline_mode<synchronous>, transform_indices = @transform_1, window_bounds = array<i64: 128, 1>}, {transform_indices = @transform_2, window_bounds = array<i64: 128, 2048>}, {transform_indices = @transform_3, window_bounds = array<i64: 128, 2048>}]} {
    %get3A = arith.constant 0 : index
    %get3A_0 = arith.constant 0 : index
    %get3A_1 = vector.load %arg1[%get3A, %get3A_0] : memref<128x128xf32, #tpu.memory_space<vmem>>, vector<128x128xf32>
    %get3A_2 = arith.constant 0 : index
    %get3A_3 = arith.constant 0 : index
    %get3A_4 = vector.load %arg3[%get3A_2, %get3A_3] : memref<128x2048xf32, #tpu.memory_space<vmem>>, vector<128x2048xf32>
    %dot_general3A = arith.constant dense<0.000000e+00> : vector<128x2048xf32>
    %dot_general3A_5 = tpu.matmul %get3A_1, %get3A_4, %dot_general3A {dimension_numbers = #tpu.dot_dimension_numbers<[1], [0], [0], [1], [0, 0, 1, 1], [], []>, transpose_lhs_hint = false} : vector<128x128xf32>, vector<128x2048xf32>, vector<128x2048xf32> -> vector<128x2048xf32>
    %get3A_6 = arith.constant 0 : index
    %get3A_7 = arith.constant 0 : index
    %get3A_8 = vector.load %arg2[%get3A_6, %get3A_7] : memref<128x1xf32, #tpu.memory_space<vmem>>, vector<128x1xf32>
    %add3A = vector.broadcast %get3A_8 : vector<128x1xf32> to vector<128x2048xf32>
    %add3A_9 = arith.addf %dot_general3A_5, %add3A : vector<128x2048xf32>
    %swap3A = arith.constant 0 : index
    %swap3A_10 = arith.constant 0 : index
    %swap3A_11 = vector.load %arg4[%swap3A, %swap3A_10] : memref<128x2048xf32, #tpu.memory_space<vmem>>, vector<128x2048xf32>
    tpu.vector_store %arg4[%swap3A, %swap3A_10], %add3A_9 {strides = array<i32>} : memref<128x2048xf32, #tpu.memory_space<vmem>>, vector<128x2048xf32>,
    return
  }
  func.func @transform_0(%arg0: i32) -> (i32, i32) {
    %c0_i32 = arith.constant 0 : i32
    %c0_i32_0 = arith.constant 0 : i32
    %c0_i32_1 = arith.constant 0 : i32
    return %c0_i32, %c0_i32_0 : i32, i32
  }
  func.func @transform_1(%arg0: i32) -> (i32, i32) {
    %c0_i32 = arith.constant 0 : i32
    %c0_i32_0 = arith.constant 0 : i32
    %c0_i32_1 = arith.constant 0 : i32
    return %c0_i32, %c0_i32_0 : i32, i32
  }
  func.func @transform_2(%arg0: i32) -> (i32, i32) {
    %c0_i32 = arith.constant 0 : i32
    %c0_i32_0 = arith.constant 0 : i32
    return %c0_i32, %arg0 : i32, i32
  }
  func.func @transform_3(%arg0: i32) -> (i32, i32) {
    %c0_i32 = arith.constant 0 : i32
    %c0_i32_0 = arith.constant 0 : i32
    return %c0_i32, %arg0 : i32, i32
  }
}

module attributes {stable_mosaic.version = 14 : i64} {
  func.func @body(%arg0: i32, %arg1: memref<128x128xf32, #tpu.memory_space<vmem>>, %arg2: memref<128x2048xf32, #tpu.memory_space<vmem>>, %arg3: memref<64x2048xi32, #tpu.memory_space<vmem>>, %arg4: memref<128x2048xf32, #tpu.memory_space<vmem>>) attributes {dimension_semantics = [#tpu.dimension_semantics<arbitrary>], iteration_bounds = array<i64: 5>, scalar_prefetch = 0 : i64, scratch_operands = 0 : i64, tpu.core_type = #tpu.core_type<tc>, window_params = [{pipeline_mode = #tpu.pipeline_mode<synchronous>, transform_indices = @transform_0, window_bounds = array<i64: 128, 128>}, {transform_indices = @transform_1, window_bounds = array<i64: 128, 2048>}, {transform_indices = @transform_2, window_bounds = array<i64: 64, 2048>}, {transform_indices = @transform_3, window_bounds = array<i64: 128, 2048>}]} {
    %get3A = arith.constant 0 : index
    %get3A_0 = arith.constant 0 : index
    %get3A_1 = vector.load %arg3[%get3A, %get3A_0] : memref<64x2048xi32, #tpu.memory_space<vmem>>, vector<64x2048xi32>
    %shift_left3A = arith.constant 16 : i32
    %shift_left3A_2 = vector.broadcast %shift_left3A : i32 to vector<64x2048xi32>
    %shift_left3A_3 = arith.shli %get3A_1, %shift_left3A_2 : vector<64x2048xi32>
    %bitcast_convert_type3A = tpu.bitcast %shift_left3A_3 : vector<64x2048xi32> -> vector<64x2048xf32>
    %and3A = arith.constant -65536 : i32
    %and3A_4 = vector.broadcast %and3A : i32 to vector<64x2048xi32>
    %and3A_5 = arith.andi %get3A_1, %and3A_4 : vector<64x2048xi32>
    %bitcast_convert_type3A_6 = tpu.bitcast %and3A_5 : vector<64x2048xi32> -> vector<64x2048xf32>
    %concatenate3A = tpu.concatenate %bitcast_convert_type3A, %bitcast_convert_type3A_6 in 0 : vector<64x2048xf32>, vector<64x2048xf32> -> vector<128x2048xf32>
    %max3A = arith.constant -1.000000e+30 : f32
    %max3A_7 = vector.broadcast %max3A : f32 to vector<128x2048xf32>
    %max3A_8 = arith.maximumf %concatenate3A, %max3A_7 : vector<128x2048xf32>
    %get3A_9 = arith.constant 0 : index
    %get3A_10 = arith.constant 0 : index
    %get3A_11 = vector.load %arg1[%get3A_9, %get3A_10] : memref<128x128xf32, #tpu.memory_space<vmem>>, vector<128x128xf32>
    %dot_general3A = arith.constant dense<0.000000e+00> : vector<128x2048xf32>
    %dot_general3A_12 = tpu.matmul %get3A_11, %max3A_8, %dot_general3A {dimension_numbers = #tpu.dot_dimension_numbers<[1], [0], [0], [1], [0, 0, 1, 1], [], []>, transpose_lhs_hint = false} : vector<128x128xf32>, vector<128x2048xf32>, vector<128x2048xf32> -> vector<128x2048xf32>
    %get3A_13 = arith.constant 0 : index
    %get3A_14 = arith.constant 0 : index
    %get3A_15 = vector.load %arg2[%get3A_13, %get3A_14] : memref<128x2048xf32, #tpu.memory_space<vmem>>, vector<128x2048xf32>
    %add3A = arith.addf %dot_general3A_12, %get3A_15 : vector<128x2048xf32>
    %max3A_16 = arith.constant 0.000000e+00 : f32
    %max3A_17 = vector.broadcast %max3A_16 : f32 to vector<128x2048xf32>
    %max3A_18 = arith.maximumf %add3A, %max3A_17 : vector<128x2048xf32>
    %swap3A = arith.constant 0 : index
    %swap3A_19 = arith.constant 0 : index
    %swap3A_20 = vector.load %arg4[%swap3A, %swap3A_19] : memref<128x2048xf32, #tpu.memory_space<vmem>>, vector<128x2048xf32>
    tpu.vector_store %arg4[%swap3A, %swap3A_19], %max3A_18 {strides = array<i32>} : memref<128x2048xf32, #tpu.memory_space<vmem>>, vector<128x2048xf32>,
    return
  }
  func.func @transform_0(%arg0: i32) -> (i32, i32) {
    %c0_i32 = arith.constant 0 : i32
    %c0_i32_0 = arith.constant 0 : i32
    %c0_i32_1 = arith.constant 0 : i32
    return %c0_i32, %c0_i32_0 : i32, i32
  }
  func.func @transform_1(%arg0: i32) -> (i32, i32) {
    %c0_i32 = arith.constant 0 : i32
    %c0_i32_0 = arith.constant 0 : i32
    return %c0_i32, %arg0 : i32, i32
  }
  func.func @transform_2(%arg0: i32) -> (i32, i32) {
    %c0_i32 = arith.constant 0 : i32
    %c0_i32_0 = arith.constant 0 : i32
    return %c0_i32, %arg0 : i32, i32
  }
  func.func @transform_3(%arg0: i32) -> (i32, i32) {
    %c0_i32 = arith.constant 0 : i32
    %c0_i32_0 = arith.constant 0 : i32
    return %c0_i32, %arg0 : i32, i32
  }
}

</mosaic_0001>

<sc_bundles>
// kernel: kernel.5.cloned.1.call-start
scs
__scs_entry_jumppad:
0x0: {  	(pc) =	sbr.rel $0x88, $3  }
0x1: {  	(tag) =	ssettag $0x0;
	lr =	simm.s32 $0x1  }
0x2: {  	[smem:$0x3F9D] =	sst lr;
	_ =	strace $0xD0000000  }
0x3: {  	_ = 	snop  }
0x4: {  	_ = 	snop  }
0x5: {  	_ = 	snop  }
0x6: {  	_ = 	snop  }
0x7: {  	_ = 	snop  }
__scs_overlays_trampoline_lowered:
0x8: {  	[smem:$0x3FAC] =	sst s0  }
0x9: {  	[smem:$0x3FAD] =	sst s1  }
0xa: {  	[smem:$0x3FAE] =	sst s2  }
0xb: {  	[smem:$0x3FAF] =	sst s3  }
0xc: {  	[smem:$0x3FB0] =	sst s4  }
0xd: {  	[smem:$0x3FB1] =	sst s5  }
0xe: {  	[smem:$0x3FB2] =	sst s6  }
0xf: {  	[smem:$0x3FB3] =	sst s7  }
0x10: {  	[smem:$0x3FB4] =	sst s8  }
0x11: {  	[smem:$0x3FB5] =	sst s9;
	s0 =	simm.s32 @!p0 $0x0  }
0x12: {  	s1 =	sld [smem:$0x3F9B];
	s0 =	simm.s32 @p0 $0x1  }
0x13: {  	[smem:$0x3FB6] =	sst s0;
	s0 =	simm.s32 @!p1 $0x0  }
0x14: {  	s2 =	sld [smem:$0x3F9A];
	s0 =	simm.s32 @p1 $0x1  }
0x15: {  	[smem:$0x3FB7] =	sst s0;
	s0 =	simm.s32 @!p2 $0x0  }
0x16: {  	s3 =	sld [smem:$0x3FDB];
	s0 =	simm.s32 @p2 $0x1  }
0x17: {  	s4 =	simm.s32 $0x1BF5;
	[smem:$0x3FB9] =	sst s0  }
0x18: {  	s0 =	sld [smem:$0x3F9C];
	_ =	swait.ge [sflag:s4], $0x0  }
0x19: {  	s7 =	sld [smem:$0x3F9D]  }
0x1a: {  	s8 =	sadd.s32 $0xFFFFE003, lr  }
0x1b: {  	s9 =	sadd.s32 $0xFFFFFEF7, lr;
	s5 =	simm.s32 $0xFFFFFFFF;
	p2 =	slt.u32 s8, $0xFFFFF086  }
0x1c: {  	p1 =	slt.u32 s9, $0xF7A;
	s5 =	simm.s32 @!p2 $0x0  }
0x1d: {  	s5 =	simm.s32 @p1 $0x1;
	p0 =	seq.s32 s7, s2  }
0x1e: {  	s7 =	smul.u32 @!p0 $0xF7A, s2;
	p2 =	seq.s32 @!p0 s5, $0x0  }
0x1f: {  	s9 =	smul.u32 $0xF7A, s1;
	s8 =	simm.s32 @!p0 $0x1BF5;
	p2 =	por !p2, p0  }
0x20: {  	[sflag:s8] =	ssyncset.s32 @!p0 $0xFFFFF086;
	s6 =	sadd.s32 @!p0 s3, s7;
	s7 =	simm.s32 @!p0 $0x108  }
0x21: {  	s3 =	sadd.s32 s3, s9;
	s6 =	sadd.s32 @!p0 $0x88, s6;
	s7 =	simm.s32 @p2 $0x1082  }
0x22: {  	[simem:s7], [sflag:s8] =	dma.local @!p0 [hbm:s6], $0xF7A  }
0x23: {  	s9 =	sor.u32 $0xD0000000, s2;
	s6 =	simm.s32 $0x108;
	_ =	swait.ge @!p0 [sflag:s8], $0x0  }
0x24: {  	s3 =	sadd.s32 $0x88, s3;
	s6 =	simm.s32 @!p1 $0x1082;
	[sflag:s4] =	ssyncset.s32 $0xFFFFF086  }
0x25: {  	[simem:s6], [sflag:s4] =	dma.local [hbm:s3], $0xF7A  }
0x26: {  	[smem:$0x3F9D] =	sst s1;
	(tag) =	ssettag s2;
	_ =	strace s9  }
0x27: {  	s1 =	sld [smem:$0x3FAD]  }
0x28: {  	s2 =	sld [smem:$0x3FAE]  }
0x29: {  	s4 =	sld [smem:$0x3FB0]  }
0x2a: {  	p0 =	seq.s32 s5, $0x0;
	s5 =	sld [smem:$0x3FB1]  }
0x2b: {  	s6 =	sld [smem:$0x3FB2]  }
0x2c: {  	s7 =	sld [smem:$0x3FB3]  }
0x2d: {  	s3 =	simm.s32 $0x108;
	s8 =	sld [smem:$0x3FB4]  }
0x2e: {  	s3 =	simm.s32 @!p0 $0x1082;
	s9 =	sld [smem:$0x3FB5]  }
0x2f: {  	lr =	sadd.s32 s0, s3;
	s0 =	sld [smem:$0x3FAC]  }
0x30: {  	s3 =	sld [smem:$0x3FAF]  }
0x31: {  	[smem:$0x3FB8] =	sst s10  }
0x32: {  	s10 =	sld [smem:$0x3FB6];
	_ =	sdelay $0x3  }
0x33: {  	p0 =	seq.s32 s10, $0x1;
	s10 =	sld [smem:$0x3FB8];
	_ =	sdelay $0x3  }
0x34: {  	[smem:$0x3FB8] =	sst s10  }
0x35: {  	s10 =	sld [smem:$0x3FB7];
	_ =	sdelay $0x3  }
0x36: {  	p1 =	seq.s32 s10, $0x1;
	s10 =	sld [smem:$0x3FB8];
	_ =	sdelay $0x3  }
0x37: {  	[smem:$0x3FB8] =	sst s10  }
0x38: {  	s10 =	sld [smem:$0x3FB9]  }
0x39: {  	_ = 	snop;
	(pc) =	sbr.ind lr, $3  }
0x3a: {  	_ = 	snop  }
0x3b: {  	_ = 	snop  }
0x3c: {  	p2 =	seq.s32 s10, $0x1;
	s10 =	sld [smem:$0x3FB8]  }
0x3d: {  	_ =	shalt  }
0x3e: {  	_ =	shalt  }
0x3f: {  	_ =	shalt  }
0x40: {  	_ =	shalt  }
0x41: {  	_ =	shalt  }
0x42: {  	_ =	shalt  }
0x43: {  	_ =	shalt  }
0x44: {  	_ =	shalt  }
0x45: {  	_ =	shalt  }
0x46: {  	_ =	shalt  }
0x47: {  	_ =	shalt  }
0x48: {  	_ =	shalt  }
0x49: {  	_ =	shalt  }
0x4a: {  	_ =	shalt  }
0x4b: {  	_ =	shalt  }
0x4c: {  	_ =	shalt  }
0x4d: {  	_ =	shalt  }
0x4e: {  	_ =	shalt  }
0x4f: {  	_ =	shalt  }
0x50: {  	_ =	shalt  }
0x51: {  	_ =	shalt  }
0x52: {  	_ =	shalt  }
0x53: {  	_ =	shalt  }
0x54: {  	_ =	shalt  }
0x55: {  	_ =	shalt  }
0x56: {  	_ =	shalt  }
0x57: {  	_ =	shalt  }
0x58: {  	_ =	shalt  }
0x59: {  	_ =	shalt  }
0x5a: {  	_ =	shalt  }
0x5b: {  	_ =	shalt  }
0x5c: {  	_ =	shalt  }
0x5d: {  	_ =	shalt  }
0x5e: {  	_ =	shalt  }
0x5f: {  	_ =	shalt  }
0x60: {  	_ =	shalt  }
0x61: {  	_ =	shalt  }
0x62: {  	_ =	shalt  }
0x63: {  	_ =	shalt  }
0x64: {  	_ =	shalt  }
0x65: {  	_ =	shalt  }
0x66: {  	_ =	shalt  }
0x67: {  	_ =	shalt  }
0x68: {  	_ =	shalt  }
0x69: {  	_ =	shalt  }
0x6a: {  	_ =	shalt  }
0x6b: {  	_ =	shalt  }
0x6c: {  	_ =	shalt  }
0x6d: {  	_ =	shalt  }
0x6e: {  	_ =	shalt  }
0x6f: {  	_ =	shalt  }
0x70: {  	_ =	shalt  }
0x71: {  	_ =	shalt  }
0x72: {  	_ =	shalt  }
0x73: {  	_ =	shalt  }
0x74: {  	_ =	shalt  }
0x75: {  	_ =	shalt  }
0x76: {  	_ =	shalt  }
0x77: {  	_ =	shalt  }
0x78: {  	_ =	shalt  }
0x79: {  	_ =	shalt  }
0x7a: {  	_ =	shalt  }
0x7b: {  	_ =	shalt  }
0x7c: {  	_ =	shalt  }
0x7d: {  	_ =	shalt  }
0x7e: {  	_ =	shalt  }
0x7f: {  	_ =	shalt  }
0x80: {  	_ =	shalt  }
0x81: {  	_ =	shalt  }
0x82: {  	_ =	shalt  }
0x83: {  	_ =	shalt  }
0x84: {  	_ =	shalt  }
0x85: {  	_ =	shalt  }
0x86: {  	_ =	shalt  }
0x87: {  	_ =	shalt  }
.Lfunc_end0:
.L_simem_size_0:
called_computation_lowered:
.L_overlay_start_0:
0x88: {  	s2 =	sld [smem:$0x3FD9]  }
0x89: {  	s3 =	sld [smem:$0x3FFE];
	_ =	sdelay $0x1  }
0x8a: {  	s1 =	srdreg.scid  }
0x8b: {  	s0 =	sand.u32 $0x1, s1  }
0x8c: {  	s17 =	sshll.u32 s0, $0xA;
	s2 =	sadd.s32 s3, s2  }
0x8d: {  	s2 =	sadd.s32 s2, s17  }
0x8e: {  	[smem:$0x3FC4] =	sst s2  }
0x8f: {  	_ = 	snop  }
0x90: {  	s2 =	sld [smem:$0x3FD0];
	(tm) =	ssettm $0x1  }
0x91: {  	s18 =	sld [smem:$0x3FFB];
	_ =	sdelay $0x3  }
0x92: {  	_ =	strace s18  }
0x93: {  	s3 =	sld [smem:$0x3FFC];
	_ =	sdelay $0x3  }
0x94: {  	_ =	strace s3  }
0x95: {  	s3 =	sld [smem:$0x3FFD];
	_ =	sdelay $0x3  }
0x96: {  	_ =	strace s3  }
0x97: {  	_ =	strace $0x8FFFFFFF  }
0x98: {  	s19 =	sld [smem:$0x3FDB];
	_ =	sdelay $0x1  }
0x99: {  	s4 =	simm.s32 $_scs_section_size  }
0x9a: {  	s5 =	simm.s32 $_size__tile_overlayer_lowered;
	s6 =	simm.s32 $_tile_overlayer_lowered  }
0x9b: {  	s22 =	simm.s32 $0x1BFF;
	s21 =	sshll.u32 s6, $0x1;
	s3 =	sadd.s32 s4, s19  }
0x9c: {  	s7 =	simm.s32 $0x0;
	s20 =	sshll.u32 s5, $0x1;
	s5 =	sadd.s32 s21, s3  }
0x9d: {  	[timem:s7], [sflag:s22] =	dma.local [hbm:s5], s20  }
0x9e: {  	_ =	swait.ge [sflag:s22], s20  }
0x9f: {  	s4 =	ssub.s32 $0x0, s20;
	[sflag:s22] =	ssyncset.done $0x0  }
0xa0: {  	[sflag:s22] =	ssyncadd.s32 s4;
	_ =	sdelay $0x1  }
0xa1: {  	s23 =	simm.s32 $0x1B8B  }
0xa2: {  	_ =	swait.ge [sflag:s23], $0x1  }
0xa3: {  	[sflag:s23] =	ssyncset.done $0x0  }
0xa4: {  	s25 =	simm.s32 $0x1B8E;
	s24 =	sld [smem:$0x3FFE];
	[sflag:s23] =	ssyncadd.s32 $0xFFFFFFFF  }
0xa5: {  	s26 =	simm.s32 $execute0_lowered;
	[smem:$0x3FD2] =	sst s25  }
0xa6: {  	s5 =	sshll.u32 s26, $0x1;
	_ =	strace $0x80000046;
	[dreg:$0x1] =	wrdreg $0xFFFFFFFF  }
0xa7: {  	s28 =	simm.s32 $_size_execute0_lowered;
	s3 =	sadd.s32 s3, s5;
	[dreg:$0x0] =	wrdreg $0x0  }
0xa8: {  	s5 =	sshll.u32 s28, $0x1;
	[dreg:$0x2] =	wrdreg s3  }
0xa9: {  	[dreg:$0x3] =	wrdreg s5  }
0xaa: {  	[dreg:$0x4] =	wrdreg $0xC0  }
0xab: {  	_ =	task [dreg:s7], $0x5FFFF  }
0xac: {  	[dreg:$0x1] =	wrdreg $0xFFFFFFFF  }
0xad: {  	[dreg:$0x0] =	wrdreg $0x60  }
0xae: {  	[dreg:$0x2] =	wrdreg s2  }
0xaf: {  	[dreg:$0x3] =	wrdreg s24  }
0xb0: {  	[dreg:$0x4] =	wrdreg $0x9  }
0xb1: {  	_ =	task.clear_ibuf [dreg:s7], $0x5FFFF;
	_ =	strace $0x90000046  }
0xb2: {  	s29 =	simm.s32 $0x9;
	_ =	strace $0x80000048  }
0xb3: {  	_ =	swait.ge [sflag:s29], $0x1  }
0xb4: {  	[sflag:s29] =	ssyncadd.s32 $0xFFFFFFFF  }
0xb5: {  	_ =	strace $0x90000048  }
0xb6: {  	_ =	sfence  }
0xb7: {  	s30 =	sld [smem:$0x0];
	_ =	sdelay $0x2  }
0xb8: {  	s31 =	sshll.u32 s1, $0xD;
	s1 =	sshrl.u32 s1, $0x2  }
0xb9: {  	s3 =	sand.u32 $0x4000, s31;
	s1 =	sadd.s32 s1, s30  }
0xba: {  	s0 =	sor.u32 s3, s0;
	s1 =	sshll.u32 s1, $0x11  }
0xbb: {  	s0 =	sor.u32 s1, s0  }
0xbc: {  	s0 =	sadd.s32 $0x8F2B, s0  }
0xbd: {  	[sflag:s0] =	ssyncadd.remote.s32 $0x1  }
0xbe: {  	_ =	sfence.sel $0xFFFF  }
0xbf: {  	[dreg:$0x0] =	wrdreg $0xFFFFFFFF;
	(pc) =	sbr.abs _section_cstart, $3  }
0xc0: {  	[dreg:$0x1] =	wrdreg $0xFFFFFFFF  }
0xc1: {  	_ =	task.clear_ibuf [dreg:s7], $0x2FFFF;
	_ =	strace $0x9FFFFFFF  }
0xc2: {  	(tm) =	ssettm $0x7FFFFFFF  }
0xc3: {  	_ =	shalt  }
tec
execute0_lowered:
.L_overlay_start_1:
0x0: {  	(tag) =	ssettag $0x1  }
0x1: {  	s0 =	srdreg.scid  }
0x2: {  	s1 =	rddreg [dreg:$0x0];
	s2 =	stileid.u32  }
0x3: {  	s7 =	rddreg [dreg:$0x1];
	s18 =	simm.s32 $0x190;
	s0 =	sand.u32 $0x1, s0  }
0x4: {  	s28 =	simm.s32 $0x11620;
	s3 =	sshll.u32 s2, $0x2;
	s4 =	sshll.u32 s0, $0x1  }
0x5: {  	s29 =	simm.s32 $0x2;
	s30 =	simm.s32 $0x11940;
	s3 =	sor.u32 s4, s3  }
0x6: {  	s31 =	simm.s32 $0x3;
	s2 =	simm.s32 $0x0;
	s3 =	smul.u32 $0x2710, s3  }
0x7: {  	s5 =	sadd.s32 $0x14600, s7;
	s19 =	sadd.s32 $0xA840, s7;
	[smem:$0x7FF] =	sst s2  }
0x8: {  	s0 =	ssub.s32 $0x2, s0;
	_ =	strace $0x80000047;
	s6 =	sshrl.u32 s3, $0x3  }
0x9: {  	s4 =	sadd.s32 $0xC00, s7;
	s8 =	sshrl.u32 s0, $0x1;
	s6 =	sadd.s32 s1, s6  }
0xa: {  	[dreg:$0x3] =	wrdreg s19;
	s19 =	simm.s32 $0x2710;
	s20 =	sadd.s32 $0x13880, s6  }
0xb: {  	s0 =	ssub.s32 s0, s8;
	s21 =	sadd.s32 $0xFA, s6;
	[dreg:$0x4] =	wrdreg s20  }
0xc: {  	s17 =	smax.u32 s0, $0x1;
	s22 =	sadd.s32 $0x1397A, s6;
	[dreg:$0x5] =	wrdreg s21  }
0xd: {  	s0 =	simm.s32 $0x0;
	s23 =	sadd.s32 $0x1F4, s6;
	[dreg:$0x6] =	wrdreg s22  }
0xe: {  	s1 =	simm.s32 $0x4;
	s24 =	sadd.s32 $0x13A74, s6;
	[dreg:$0x7] =	wrdreg s23  }
.Ltmp0:
0xf: {  	s25 =	sadd.s32 $0x2EE, s6;
	[dreg:$0x8] =	wrdreg s24;
	(pc) =	sbr.rel .LBB2_1-.Ltmp0, $4  }
0x10: {  	s26 =	sadd.s32 $0x13B6E, s6;
	s15 =	sadd.s32 $0x3E8, s6;
	[dreg:$0x9] =	wrdreg s25  }
0x11: {  	s16 =	sadd.s32 $0x13C68, s6;
	[dreg:$0xa] =	wrdreg s26;
	s20 =	simm.s32 $0x4E20  }
0x12: {  	s21 =	simm.s32 $0x8020;
	s22 =	simm.s32 $0x7D0;
	s23 =	simm.s32 $0x11C60  }
0x13: {  	v0 =	vimm.s32 $0x7F7F7F7F;
	s24 =	simm.s32 $0x5;
	s25 =	simm.s32 $0x12C00;
	s26 =	simm.s32 $0x1  }
.LBB2_23:
0x14: {  	s0 =	sadd.s32 $0x1, s0  }
0x15: {  	_ =	swait.ge [sflag:s31], $0x320;
	p0 =	sne.s32 s0, s17  }
.Ltmp1:
0x16: {  	[sflag:s31] =	ssyncset.done $0x0;
	(pc) =	sbr.rel @!p0 .LBB2_24-.Ltmp1, $4  }
0x17: {  	[sflag:s31] =	ssyncadd.s32 $0xFFFFFCE0  }
0x18: {  	_ =	swait.ge [sflag:s1], $0x320  }
0x19: {  	[sflag:s1] =	ssyncset.done $0x0  }
0x1a: {  	[sflag:s1] =	ssyncadd.s32 $0xFFFFFCE0  }
.LBB2_1:
0x1b: {  	[tilespmem:s20], [sflag:$0x1] =	stream.strided.gather [hbm4b:s4+s18], $0x3200, s19, s18, $0x38;
	[tilespmem:$0x13BA0] =	vst v63  }
0x1c: {  	s7 =	rddreg [dreg:$0x3]  }
0x1d: {  	[tilespmem:s21], [sflag:$0x1] =	stream.strided.gather [hbm4b:s7+s18], $0x3200, s19, s18, $0x38;
	[tilespmem:$0x13BA0] =	vst v63  }
0x1e: {  	_ = 	snop  }
0x1f: {  	[tilespmem:s23], [sflag:$0x5] =	stream.strided.gather [hbm4b:s6+s22], $0xFA0, s19, s22, $0x38;
	[tilespmem:$0x13BA0] =	vst v63  }
0x20: {  	_ =	swait.ge [sflag:s24], $0xFA0  }
0x21: {  	[sflag:s24] =	ssyncset.done $0x0  }
0x22: {  	s14 =	rddreg [dreg:$0x4];
	[sflag:s24] =	ssyncadd.s32 $0xFFFFF060  }
0x23: {  	[tilespmem:s25], [sflag:$0x5] =	stream.strided.gather [hbm4b:s14+s22], $0xFA0, s19, s22, $0x38;
	[tilespmem:$0x13BA0] =	vst v63  }
0x24: {  	_ =	swait.ge [sflag:s24], $0xFA0  }
0x25: {  	[sflag:s24] =	ssyncset.done $0x0  }
0x26: {  	s7 =	simm.s32 $0x0;
	[sflag:s24] =	ssyncadd.s32 $0xFFFFF060  }
0x27: {  	v1 =	vld [tilespmem:s7+$0x12430]  }
0x28: {  	v3 =	vld [tilespmem:s7+$0x133D0]  }
0x29: {  	v2 =	vld [tilespmem:s7+$0x11C60]  }
0x2a: {  	s8 =	simm.s32 $0x40;
	v4 =	vld [tilespmem:s7+$0x12C00]  }
.LBB2_2:
0x2b: {  	p0 =	sne.s32 s8, $0x1F00  }
.Ltmp2:
0x2c: {  	s9 =	sshra.s32 s8, $0x2;
	(pc) =	sbr.rel @p0 .LBB2_2-.Ltmp2, $4  }
0x2d: {  	s8 =	sadd.s32 $0x40, s8;
	v5 =	vpack.i.f32.bf16 v3, v1;
	v1 =	vld [tilespmem:s9+$0x12430]  }
0x2e: {  	v3 =	vld [tilespmem:s9+$0x133D0];
	[tilespmem:s7+$0x2710] =	vst v5  }
0x2f: {  	v5 =	vpack.i.f32.bf16 v4, v2;
	v2 =	vld [tilespmem:s9+$0x11C60]  }
0x30: {  	v4 =	vld [tilespmem:s9+$0x12C00];
	[tilespmem:s7+$0x0] =	vst v5;
	s7 =	smov.u32 s9  }
0x31: {  	_ =	sdelay $0x2  }
0x32: {  	v1 =	vpack.i.f32.bf16 v3, v1  }
0x33: {  	[tilespmem:s7+$0x2710] =	vst v1;
	v1 =	vpack.i.f32.bf16 v4, v2  }
0x34: {  	[tilespmem:s7+$0x0] =	vst v1  }
0x35: {  	s7 =	rddreg [dreg:$0x5]  }
0x36: {  	[tilespmem:s23], [sflag:$0x5] =	stream.strided.gather [hbm4b:s7+s22], $0xFA0, s19, s22, $0x38;
	[tilespmem:$0x13BA0] =	vst v63  }
0x37: {  	_ =	swait.ge [sflag:s24], $0xFA0  }
0x38: {  	[sflag:s24] =	ssyncset.done $0x0  }
0x39: {  	s14 =	rddreg [dreg:$0x6];
	[sflag:s24] =	ssyncadd.s32 $0xFFFFF060  }
0x3a: {  	[tilespmem:s25], [sflag:$0x5] =	stream.strided.gather [hbm4b:s14+s22], $0xFA0, s19, s22, $0x38;
	[tilespmem:$0x13BA0] =	vst v63  }
0x3b: {  	_ =	swait.ge [sflag:s24], $0xFA0  }
0x3c: {  	[sflag:s24] =	ssyncset.done $0x0  }
0x3d: {  	s7 =	simm.s32 $0x0;
	[sflag:s24] =	ssyncadd.s32 $0xFFFFF060  }
0x3e: {  	v1 =	vld [tilespmem:s7+$0x12430]  }
0x3f: {  	v3 =	vld [tilespmem:s7+$0x133D0]  }
0x40: {  	v2 =	vld [tilespmem:s7+$0x11C60]  }
0x41: {  	s8 =	simm.s32 $0x40;
	v4 =	vld [tilespmem:s7+$0x12C00]  }
.LBB2_4:
0x42: {  	p0 =	sne.s32 s8, $0x1F00  }
.Ltmp3:
0x43: {  	s9 =	sshra.s32 s8, $0x2;
	(pc) =	sbr.rel @p0 .LBB2_4-.Ltmp3, $4  }
0x44: {  	s8 =	sadd.s32 $0x40, s8;
	v5 =	vpack.i.f32.bf16 v3, v1;
	v1 =	vld [tilespmem:s9+$0x12430]  }
0x45: {  	v3 =	vld [tilespmem:s9+$0x133D0];
	[tilespmem:s7+$0x2EE0] =	vst v5  }
0x46: {  	v5 =	vpack.i.f32.bf16 v4, v2;
	v2 =	vld [tilespmem:s9+$0x11C60]  }
0x47: {  	v4 =	vld [tilespmem:s9+$0x12C00];
	[tilespmem:s7+$0x7D0] =	vst v5;
	s7 =	smov.u32 s9  }
0x48: {  	_ =	sdelay $0x2  }
0x49: {  	v1 =	vpack.i.f32.bf16 v3, v1  }
0x4a: {  	[tilespmem:s7+$0x2EE0] =	vst v1;
	v1 =	vpack.i.f32.bf16 v4, v2  }
0x4b: {  	[tilespmem:s7+$0x7D0] =	vst v1  }
0x4c: {  	s7 =	rddreg [dreg:$0x7]  }
0x4d: {  	[tilespmem:s23], [sflag:$0x5] =	stream.strided.gather [hbm4b:s7+s22], $0xFA0, s19, s22, $0x38;
	[tilespmem:$0x13BA0] =	vst v63  }
0x4e: {  	_ =	swait.ge [sflag:s24], $0xFA0  }
0x4f: {  	[sflag:s24] =	ssyncset.done $0x0  }
0x50: {  	s14 =	rddreg [dreg:$0x8];
	[sflag:s24] =	ssyncadd.s32 $0xFFFFF060  }
0x51: {  	[tilespmem:s25], [sflag:$0x5] =	stream.strided.gather [hbm4b:s14+s22], $0xFA0, s19, s22, $0x38;
	[tilespmem:$0x13BA0] =	vst v63  }
0x52: {  	_ =	swait.ge [sflag:s24], $0xFA0  }
0x53: {  	[sflag:s24] =	ssyncset.done $0x0  }
0x54: {  	s7 =	simm.s32 $0x0;
	[sflag:s24] =	ssyncadd.s32 $0xFFFFF060  }
0x55: {  	v1 =	vld [tilespmem:s7+$0x12430]  }
0x56: {  	v3 =	vld [tilespmem:s7+$0x133D0]  }
0x57: {  	v2 =	vld [tilespmem:s7+$0x11C60]  }
0x58: {  	s8 =	simm.s32 $0x40;
	v4 =	vld [tilespmem:s7+$0x12C00]  }
.LBB2_6:
0x59: {  	p0 =	sne.s32 s8, $0x1F00  }
.Ltmp4:
0x5a: {  	s9 =	sshra.s32 s8, $0x2;
	(pc) =	sbr.rel @p0 .LBB2_6-.Ltmp4, $4  }
0x5b: {  	s8 =	sadd.s32 $0x40, s8;
	v5 =	vpack.i.f32.bf16 v3, v1;
	v1 =	vld [tilespmem:s9+$0x12430]  }
0x5c: {  	v3 =	vld [tilespmem:s9+$0x133D0];
	[tilespmem:s7+$0x36B0] =	vst v5  }
0x5d: {  	v5 =	vpack.i.f32.bf16 v4, v2;
	v2 =	vld [tilespmem:s9+$0x11C60]  }
0x5e: {  	v4 =	vld [tilespmem:s9+$0x12C00];
	[tilespmem:s7+$0xFA0] =	vst v5;
	s7 =	smov.u32 s9  }
0x5f: {  	_ =	sdelay $0x2  }
0x60: {  	v1 =	vpack.i.f32.bf16 v3, v1  }
0x61: {  	[tilespmem:s7+$0x36B0] =	vst v1;
	v1 =	vpack.i.f32.bf16 v4, v2  }
0x62: {  	[tilespmem:s7+$0xFA0] =	vst v1  }
0x63: {  	s7 =	rddreg [dreg:$0x9]  }
0x64: {  	[tilespmem:s23], [sflag:$0x5] =	stream.strided.gather [hbm4b:s7+s22], $0xFA0, s19, s22, $0x38;
	[tilespmem:$0x13BA0] =	vst v63  }
0x65: {  	_ =	swait.ge [sflag:s24], $0xFA0  }
0x66: {  	[sflag:s24] =	ssyncset.done $0x0  }
0x67: {  	s14 =	rddreg [dreg:$0xa];
	[sflag:s24] =	ssyncadd.s32 $0xFFFFF060  }
0x68: {  	[tilespmem:s25], [sflag:$0x5] =	stream.strided.gather [hbm4b:s14+s22], $0xFA0, s19, s22, $0x38;
	[tilespmem:$0x13BA0] =	vst v63  }
0x69: {  	_ =	swait.ge [sflag:s24], $0xFA0  }
0x6a: {  	[sflag:s24] =	ssyncset.done $0x0  }
0x6b: {  	s7 =	simm.s32 $0x0;
	[sflag:s24] =	ssyncadd.s32 $0xFFFFF060  }
0x6c: {  	v1 =	vld [tilespmem:s7+$0x12430]  }
0x6d: {  	v3 =	vld [tilespmem:s7+$0x133D0]  }
0x6e: {  	v2 =	vld [tilespmem:s7+$0x11C60]  }
0x6f: {  	s8 =	simm.s32 $0x40;
	v4 =	vld [tilespmem:s7+$0x12C00]  }
.LBB2_8:
0x70: {  	p0 =	sne.s32 s8, $0x1F00  }
.Ltmp5:
0x71: {  	s9 =	sshra.s32 s8, $0x2;
	(pc) =	sbr.rel @p0 .LBB2_8-.Ltmp5, $4  }
0x72: {  	s8 =	sadd.s32 $0x40, s8;
	v5 =	vpack.i.f32.bf16 v3, v1;
	v1 =	vld [tilespmem:s9+$0x12430]  }
0x73: {  	v3 =	vld [tilespmem:s9+$0x133D0];
	[tilespmem:s7+$0x3E80] =	vst v5  }
0x74: {  	v5 =	vpack.i.f32.bf16 v4, v2;
	v2 =	vld [tilespmem:s9+$0x11C60]  }
0x75: {  	v4 =	vld [tilespmem:s9+$0x12C00];
	[tilespmem:s7+$0x1770] =	vst v5;
	s7 =	smov.u32 s9  }
0x76: {  	_ =	sdelay $0x2  }
0x77: {  	v1 =	vpack.i.f32.bf16 v3, v1  }
0x78: {  	[tilespmem:s7+$0x3E80] =	vst v1;
	v1 =	vpack.i.f32.bf16 v4, v2  }
0x79: {  	[tilespmem:s7+$0x1770] =	vst v1  }
0x7a: {  	[tilespmem:s23], [sflag:$0x5] =	stream.strided.gather [hbm4b:s15+s22], $0xFA0, s19, s22, $0x38;
	[tilespmem:$0x13BA0] =	vst v63  }
0x7b: {  	_ =	swait.ge [sflag:s24], $0xFA0  }
0x7c: {  	[sflag:s24] =	ssyncset.done $0x0  }
0x7d: {  	[sflag:s24] =	ssyncadd.s32 $0xFFFFF060  }
0x7e: {  	[tilespmem:s25], [sflag:$0x5] =	stream.strided.gather [hbm4b:s16+s22], $0xFA0, s19, s22, $0x38;
	[tilespmem:$0x13BA0] =	vst v63  }
0x7f: {  	_ =	swait.ge [sflag:s24], $0xFA0  }
0x80: {  	[sflag:s24] =	ssyncset.done $0x0  }
0x81: {  	s8 =	simm.s32 $0x0;
	[sflag:s24] =	ssyncadd.s32 $0xFFFFF060  }
0x82: {  	v1 =	vld [tilespmem:s8+$0x12430]  }
0x83: {  	v3 =	vld [tilespmem:s8+$0x133D0]  }
0x84: {  	v2 =	vld [tilespmem:s8+$0x11C60]  }
0x85: {  	s9 =	simm.s32 $0x40;
	s7 =	simm.s32 $0x0;
	v4 =	vld [tilespmem:s8+$0x12C00]  }
.LBB2_10:
0x86: {  	p0 =	sne.s32 s9, $0x1F00  }
.Ltmp6:
0x87: {  	s10 =	sshra.s32 s9, $0x2;
	(pc) =	sbr.rel @p0 .LBB2_10-.Ltmp6, $4  }
0x88: {  	s9 =	sadd.s32 $0x40, s9;
	v5 =	vpack.i.f32.bf16 v3, v1;
	v1 =	vld [tilespmem:s10+$0x12430]  }
0x89: {  	v3 =	vld [tilespmem:s10+$0x133D0];
	[tilespmem:s8+$0x4650] =	vst v5  }
0x8a: {  	v5 =	vpack.i.f32.bf16 v4, v2;
	v2 =	vld [tilespmem:s10+$0x11C60]  }
0x8b: {  	v4 =	vld [tilespmem:s10+$0x12C00];
	[tilespmem:s8+$0x1F40] =	vst v5;
	s8 =	smov.u32 s10  }
0x8c: {  	_ = 	snop  }
.Ltmp7:
0x8d: {  	_ = 	snop;
	(pc) =	sbr.rel .LBB2_12-.Ltmp7, $4  }
0x8e: {  	_ = 	snop  }
0x8f: {  	v1 =	vpack.i.f32.bf16 v3, v1  }
0x90: {  	[tilespmem:s8+$0x4650] =	vst v1;
	v1 =	vpack.i.f32.bf16 v4, v2  }
0x91: {  	[tilespmem:s8+$0x1F40] =	vst v1  }
.LBB2_22:
0x92: {  	s7 =	sadd.s32 $0x1, s7  }
0x93: {  	p0 =	sne.s32 s7, $0xD  }
.Ltmp8:
0x94: {  	_ = 	snop;
	(pc) =	sbr.rel @!p0 .LBB2_23-.Ltmp8, $1  }
0x95: {  	_ =	sdelay $0x3  }
.LBB2_12:
0x96: {  	s8 =	sshllo.u32 s7, $0x1  }
0x97: {  	p1 =	sgt.u32 s8, $0x18  }
0x98: {  	s9 =	smul.u32 @!p1 $0x190, s8;
	_ =	sdelay $0x1  }
0x99: {  	s10 =	simm.s32 @!p1 $0x190;
	s9 =	sshrl.u32 @!p1 s9, $0x3  }
0x9a: {  	s11 =	simm.s32 @!p1 $0x2710;
	s12 =	simm.s32 @!p1 $0xB220;
	s9 =	sadd.s32 @!p1 s4, s9  }
0x9b: {  	[tilespmem:s12], [sflag:$0x2] =	stream.strided.gather @!p1 [hbm4b:s9+s10], $0x3200, s11, s10, $0x38;
	[tilespmem:$0x13BA0] =	vst v63  }
0x9c: {  	s9 =	sadd.s32 @!p1 $0x9C40, s9;
	s12 =	simm.s32 @!p1 $0xE420  }
0x9d: {  	[tilespmem:s12], [sflag:$0x2] =	stream.strided.gather @!p1 [hbm4b:s9+s10], $0x3200, s11, s10, $0x38;
	[tilespmem:$0x13BA0] =	vst v63  }
0x9e: {  	_ =	swait.ge [sflag:s26], $0x3200  }
0x9f: {  	[sflag:s26] =	ssyncset.done $0x0  }
0xa0: {  	[sflag:s26] =	ssyncadd.s32 $0xFFFFCE00  }
0xa1: {  	_ =	swait.ge [sflag:s26], $0x3200  }
0xa2: {  	p0 =	seq.s32 s7, $0x0;
	[sflag:s26] =	ssyncset.done $0x0  }
0xa3: {  	s10 =	simm.s32 @!p0 $0x3;
	[sflag:s26] =	ssyncadd.s32 $0xFFFFCE00  }
0xa4: {  	_ =	swait.ge @!p0 [sflag:s10], $0x320  }
0xa5: {  	s9 =	smul.u32 $0x320, s7;
	[sflag:s10] =	ssyncset.done @!p0 $0x0  }
0xa6: {  	s11 =	simm.s32 $0x8020;
	[sflag:s10] =	ssyncadd.s32 @!p0 $0xFFFFFCE0;
	s10 =	simm.s32 $0x0  }
.LBB2_13:
0xa7: {  	v1 =	vmov s11;
	_ =	sdelay $0x3  }
0xa8: {  	s12 =	simm.s32 $0x640  }
0xa9: {  	v2 =	vld.idx.msk [tilespmem:v1+s12+$0xFFFFD2B0 ss:$0x1], $0xffff  }
0xaa: {  	v3 =	vld.idx.msk [tilespmem:v1+s12+$0x4B0 ss:$0x1], $0xffff  }
0xab: {  	v6 =	vld.idx.msk [tilespmem:v1+s12+$0xFFFFD120 ss:$0x1], $0xffff  }
0xac: {  	v8 =	vld.idx.msk [tilespmem:v1+s12+$0x320 ss:$0x1], $0xffff  }
0xad: {  	v7 =	vld.idx.msk [tilespmem:v1+s12+$0xFFFFCF90 ss:$0x1], $0xffff  }
0xae: {  	v9 =	vld.idx.msk [tilespmem:v1+s12+$0x190 ss:$0x1], $0xffff  }
0xaf: {  	v10 =	vld.idx.msk [tilespmem:v1+s12+$0xFFFFCE00 ss:$0x1], $0xffff  }
0xb0: {  	v11 =	vld.idx.msk [tilespmem:v1+s12+$0x0 ss:$0x1], $0xffff  }
0xb1: {  	v13 =	vld.idx.msk [tilespmem:v1+s12+$0xFFFFCC70 ss:$0x1], $0xffff  }
0xb2: {  	v15 =	vld.idx.msk [tilespmem:v1+s12+$0xFFFFFE70 ss:$0x1], $0xffff  }
0xb3: {  	v12 =	vld.idx.msk [tilespmem:v1+s12+$0xFFFFCAE0 ss:$0x1], $0xffff  }
0xb4: {  	v14 =	vld.idx.msk [tilespmem:v1+s12+$0xFFFFFCE0 ss:$0x1], $0xffff  }
0xb5: {  	v17 =	vld.idx.msk [tilespmem:v1+s12+$0xFFFFC950 ss:$0x1], $0xffff  }
0xb6: {  	v19 =	vld.idx.msk [tilespmem:v1+s12+$0xFFFFFB50 ss:$0x1], $0xffff  }
0xb7: {  	v18 =	vld.idx.msk [tilespmem:v1+s12+$0xFFFFC7C0 ss:$0x1], $0xffff  }
0xb8: {  	v16 =	vld.idx.msk [tilespmem:v1+s12+$0xFFFFF9C0 ss:$0x1], $0xffff  }
0xb9: {  	v20 =	vld.idx.msk [tilespmem:v2+s2+$0x0], $0xffff  }
0xba: {  	v22 =	vld.idx.msk [tilespmem:v3+s2+$0x0], $0xffff  }
0xbb: {  	v23 =	vld.idx.msk [tilespmem:v2+s19+$0x0], $0xffff  }
0xbc: {  	v27 =	vld.idx.msk [tilespmem:v3+s19+$0x0], $0xffff  }
0xbd: {  	v21 =	vld.idx.msk [tilespmem:v6+s2+$0x0], $0xffff  }
0xbe: {  	v24 =	vld.idx.msk [tilespmem:v8+s2+$0x0], $0xffff  }
0xbf: {  	v26 =	vld.idx.msk [tilespmem:v6+s19+$0x0], $0xffff  }
0xc0: {  	v29 =	vld.idx.msk [tilespmem:v8+s19+$0x0], $0xffff  }
0xc1: {  	v25 =	vld.idx.msk [tilespmem:v7+s2+$0x0], $0xffff  }
0xc2: {  	v28 =	vld.idx.msk [tilespmem:v9+s2+$0x0], $0xffff  }
0xc3: {  	v30 =	vld.idx.msk [tilespmem:v7+s19+$0x0], $0xffff  }
0xc4: {  	v32 =	vld.idx.msk [tilespmem:v9+s19+$0x0], $0xffff  }
0xc5: {  	v31 =	vld.idx.msk [tilespmem:v10+s2+$0x0], $0xffff  }
0xc6: {  	v33 =	vld.idx.msk [tilespmem:v11+s2+$0x0], $0xffff  }
0xc7: {  	v34 =	vld.idx.msk [tilespmem:v10+s19+$0x0], $0xffff  }
0xc8: {  	v36 =	vld.idx.msk [tilespmem:v11+s19+$0x0], $0xffff  }
0xc9: {  	v35 =	vld.idx.msk [tilespmem:v13+s2+$0x0], $0xffff  }
0xca: {  	v37 =	vld.idx.msk [tilespmem:v15+s2+$0x0], $0xffff  }
0xcb: {  	v38 =	vld.idx.msk [tilespmem:v13+s19+$0x0], $0xffff  }
0xcc: {  	v40 =	vld.idx.msk [tilespmem:v15+s19+$0x0], $0xffff  }
0xcd: {  	v39 =	vld.idx.msk [tilespmem:v12+s2+$0x0], $0xffff  }
0xce: {  	v41 =	vld.idx.msk [tilespmem:v14+s2+$0x0], $0xffff  }
0xcf: {  	v42 =	vld.idx.msk [tilespmem:v12+s19+$0x0], $0xffff  }
0xd0: {  	v4 =	vimm.bf16 $-3.3900e+38;
	s13 =	simm.s32 $0x4B00;
	v5 =	vimm.bf16 $-3.3900e+38;
	s12 =	sshll.u32 s10, $0x4;
	v43 =	vld.idx.msk [tilespmem:v14+s19+$0x0], $0xffff  }
.LBB2_14:
0xd1: {  	p2 =	sne.s32 s13, $0xAF00;
	v44 =	vld.idx.msk [tilespmem:v17+s2+$0x0], $0xffff  }
0xd2: {  	v45 =	vld.idx.msk [tilespmem:v19+s2+$0x0], $0xffff  }
0xd3: {  	v46 =	vld.idx.msk [tilespmem:v17+s19+$0x0], $0xffff  }
0xd4: {  	vm2 =	veq.s32 v6, v8;
	vm3 =	veq.s32 v2, v3;
	v47 =	vld.idx.msk [tilespmem:v19+s19+$0x0], $0xffff  }
0xd5: {  	vm4 =	veq.s32 v13, v15;
	vm5 =	veq.s32 v10, v11;
	vm6 =	veq.s32 v7, v9;
	v48 =	vld.idx.msk [tilespmem:v18+s2+$0x0], $0xffff  }
0xd6: {  	vm0 =	veq.s32 v18, v16;
	vm1 =	veq.s32 v17, v19;
	vm7 =	veq.s32 v12, v14;
	v10 =	vld.idx.msk [tilespmem:v16+s2+$0x0], $0xffff  }
0xd7: {  	v12 =	vsub.bf16 v20, v22;
	v20 =	vsub.bf16 v23, v27;
	v49 =	vsel vm3, $0xFF7FFF7F, v0;
	v11 =	vld.idx.msk [tilespmem:v18+s19+$0x0], $0xffff  }
0xd8: {  	s14 =	sshra.s32 s13, $0x2;
	v14 =	vsub.bf16 v21, v24;
	v21 =	vsub.bf16 v26, v29;
	v13 =	vld.idx.msk [tilespmem:v16+s19+$0x0], $0xffff;
	v16 =	vsel vm2, $0xFF7FFF7F, v0  }
0xd9: {  	v15 =	vsub.bf16 v25, v28;
	v22 =	vsub.bf16 v30, v32;
	v18 =	vsel vm6, $0xFF7FFF7F, v0;
	v2 =	vld.idx.msk [tilespmem:v1+s14+$0xFFFFD2B0 ss:$0x1], $0xffff  }
0xda: {  	v23 =	vsub.bf16 v34, v36;
	v17 =	vsub.bf16 v31, v33;
	v19 =	vsel vm5, $0xFF7FFF7F, v0;
	v3 =	vld.idx.msk [tilespmem:v1+s14+$0x4B0 ss:$0x1], $0xffff  }
0xdb: {  	v25 =	vsub.bf16 v35, v37;
	v26 =	vsub.bf16 v38, v40;
	v24 =	vsel vm4, $0xFF7FFF7F, v0;
	v6 =	vld.idx.msk [tilespmem:v1+s14+$0xFFFFD120 ss:$0x1], $0xffff  }
0xdc: {  	v27 =	vsel vm7, $0xFF7FFF7F, v0;
	v28 =	vsub.bf16 v39, v41;
	v29 =	vsub.bf16 v42, v43;
	v8 =	vld.idx.msk [tilespmem:v1+s14+$0x320 ss:$0x1], $0xffff  }
0xdd: {  	v30 =	vsel vm1, $0xFF7FFF7F, v0;
	v31 =	vsub.bf16 v44, v45;
	v32 =	vsub.bf16 v46, v47;
	v7 =	vld.idx.msk [tilespmem:v1+s14+$0xFFFFCF90 ss:$0x1], $0xffff  }
0xde: {  	v33 =	vsel vm0, $0xFF7FFF7F, v0;
	v34 =	vsub.bf16 v48, v10;
	v35 =	vsub.bf16 v11, v13;
	v9 =	vld.idx.msk [tilespmem:v1+s14+$0x190 ss:$0x1], $0xffff  }
0xdf: {  	v38 =	vmin.bf16 v12, v49;
	v36 =	vmin.bf16 v15, v18;
	v37 =	vmin.bf16 v14, v16;
	v10 =	vld.idx.msk [tilespmem:v1+s14+$0xFFFFCE00 ss:$0x1], $0xffff  }
0xe0: {  	v25 =	vmin.bf16 v25, v24;
	v28 =	vmin.bf16 v28, v27;
	v39 =	vmin.bf16 v17, v19;
	v11 =	vld.idx.msk [tilespmem:v1+s14+$0x0 ss:$0x1], $0xffff  }
0xe1: {  	v17 =	vmin.bf16 v31, v30;
	v12 =	vmin.bf16 v34, v33;
	v14 =	vmin.bf16 v35, v33;
	v13 =	vld.idx.msk [tilespmem:v1+s14+$0xFFFFCC70 ss:$0x1], $0xffff  }
0xe2: {  	v4 =	vmax.bf16 v4, v12;
	v5 =	vmax.bf16 v5, v14;
	v14 =	vmin.bf16 v32, v30;
	v15 =	vld.idx.msk [tilespmem:v1+s14+$0xFFFFFE70 ss:$0x1], $0xffff  }
0xe3: {  	v4 =	vmax.bf16 v4, v17;
	v17 =	vmin.bf16 v29, v27;
	v5 =	vmax.bf16 v5, v14;
	v12 =	vld.idx.msk [tilespmem:v1+s14+$0xFFFFCAE0 ss:$0x1], $0xffff  }
0xe4: {  	v24 =	vmin.bf16 v26, v24;
	v4 =	vmax.bf16 v4, v28;
	v5 =	vmax.bf16 v5, v17;
	v14 =	vld.idx.msk [tilespmem:v1+s14+$0xFFFFFCE0 ss:$0x1], $0xffff  }
0xe5: {  	v23 =	vmin.bf16 v23, v19;
	v4 =	vmax.bf16 v4, v25;
	v5 =	vmax.bf16 v5, v24;
	v17 =	vld.idx.msk [tilespmem:v1+s14+$0xFFFFC950 ss:$0x1], $0xffff  }
0xe6: {  	v22 =	vmin.bf16 v22, v18;
	v4 =	vmax.bf16 v4, v39;
	v5 =	vmax.bf16 v5, v23;
	v19 =	vld.idx.msk [tilespmem:v1+s14+$0xFFFFFB50 ss:$0x1], $0xffff  }
0xe7: {  	v21 =	vmin.bf16 v21, v16;
	v4 =	vmax.bf16 v4, v36;
	v5 =	vmax.bf16 v5, v22;
	v18 =	vld.idx.msk [tilespmem:v1+s14+$0xFFFFC7C0 ss:$0x1], $0xffff  }
0xe8: {  	v4 =	vmax.bf16 v4, v37;
	v5 =	vmax.bf16 v5, v21;
	v21 =	vmin.bf16 v20, v49;
	v16 =	vld.idx.msk [tilespmem:v1+s14+$0xFFFFF9C0 ss:$0x1], $0xffff  }
0xe9: {  	v4 =	vmax.bf16 v4, v38;
	v5 =	vmax.bf16 v5, v21;
	v20 =	vld.idx.msk [tilespmem:v2+s2+$0x0], $0xffff  }
0xea: {  	v22 =	vld.idx.msk [tilespmem:v3+s2+$0x0], $0xffff  }
0xeb: {  	v23 =	vld.idx.msk [tilespmem:v2+s19+$0x0], $0xffff  }
0xec: {  	v27 =	vld.idx.msk [tilespmem:v3+s19+$0x0], $0xffff  }
0xed: {  	v21 =	vld.idx.msk [tilespmem:v6+s2+$0x0], $0xffff  }
0xee: {  	v24 =	vld.idx.msk [tilespmem:v8+s2+$0x0], $0xffff  }
0xef: {  	v26 =	vld.idx.msk [tilespmem:v6+s19+$0x0], $0xffff  }
0xf0: {  	v29 =	vld.idx.msk [tilespmem:v8+s19+$0x0], $0xffff  }
0xf1: {  	v25 =	vld.idx.msk [tilespmem:v7+s2+$0x0], $0xffff  }
0xf2: {  	v28 =	vld.idx.msk [tilespmem:v9+s2+$0x0], $0xffff  }
0xf3: {  	v30 =	vld.idx.msk [tilespmem:v7+s19+$0x0], $0xffff  }
0xf4: {  	v32 =	vld.idx.msk [tilespmem:v9+s19+$0x0], $0xffff  }
0xf5: {  	v31 =	vld.idx.msk [tilespmem:v10+s2+$0x0], $0xffff  }
0xf6: {  	v33 =	vld.idx.msk [tilespmem:v11+s2+$0x0], $0xffff  }
0xf7: {  	v34 =	vld.idx.msk [tilespmem:v10+s19+$0x0], $0xffff  }
0xf8: {  	v36 =	vld.idx.msk [tilespmem:v11+s19+$0x0], $0xffff  }
0xf9: {  	v35 =	vld.idx.msk [tilespmem:v13+s2+$0x0], $0xffff  }
0xfa: {  	v37 =	vld.idx.msk [tilespmem:v15+s2+$0x0], $0xffff  }
0xfb: {  	v38 =	vld.idx.msk [tilespmem:v13+s19+$0x0], $0xffff  }
.Ltmp9:
0xfc: {  	v40 =	vld.idx.msk [tilespmem:v15+s19+$0x0], $0xffff;
	(pc) =	sbr.rel @p2 .LBB2_14-.Ltmp9, $4  }
0xfd: {  	v39 =	vld.idx.msk [tilespmem:v12+s2+$0x0], $0xffff  }
0xfe: {  	v41 =	vld.idx.msk [tilespmem:v14+s2+$0x0], $0xffff  }
0xff: {  	v42 =	vld.idx.msk [tilespmem:v12+s19+$0x0], $0xffff  }
0x100: {  	s13 =	sadd.s32 $0x3200, s13;
	v43 =	vld.idx.msk [tilespmem:v14+s19+$0x0], $0xffff  }
0x101: {  	_ =	sdelay $0x3  }
0x102: {  	v1 =	vld.idx.msk [tilespmem:v17+s2+$0x0], $0xffff  }
0x103: {  	v44 =	vld.idx.msk [tilespmem:v19+s2+$0x0], $0xffff;
	vm0 =	veq.s32 v6, v8;
	vm1 =	veq.s32 v2, v3;
	vm2 =	veq.s32 v13, v15  }
0x104: {  	v45 =	vld.idx.msk [tilespmem:v17+s19+$0x0], $0xffff;
	vm4 =	veq.s32 v7, v9;
	v8 =	vsub.bf16 v20, v22;
	v9 =	vsub.bf16 v23, v27  }
0x105: {  	v2 =	vld.idx.msk [tilespmem:v19+s19+$0x0], $0xffff;
	vm3 =	veq.s32 v10, v11;
	v62 =	vsub.bf16 v21, v24;
	v13 =	vsub.bf16 v26, v29  }
0x106: {  	vm5 =	veq.s32 v18, v16;
	v3 =	vld.idx.msk [tilespmem:v18+s2+$0x0], $0xffff;
	v46 =	vsub.bf16 v25, v28;
	v47 =	vsub.bf16 v30, v32  }
0x107: {  	vm6 =	veq.s32 v17, v19;
	v60 =	vld.idx.msk [tilespmem:v16+s2+$0x0], $0xffff;
	v49 =	vsub.bf16 v31, v33;
	v50 =	vsub.bf16 v34, v36  }
0x108: {  	vm7 =	veq.s32 v12, v14;
	v61 =	vld.idx.msk [tilespmem:v18+s19+$0x0], $0xffff;
	v52 =	vsub.bf16 v35, v37;
	v53 =	vsub.bf16 v38, v40  }
0x109: {  	v63 =	vld.idx.msk [tilespmem:v16+s19+$0x0], $0xffff;
	v6 =	vsel vm1, $0xFF7FFF7F, v0;
	v10 =	vsel vm0, $0xFF7FFF7F, v0;
	v14 =	vsel vm4, $0xFF7FFF7F, v0  }
0x10a: {  	v48 =	vsel vm3, $0xFF7FFF7F, v0;
	v51 =	vsel vm2, $0xFF7FFF7F, v0;
	v54 =	vsel vm7, $0xFF7FFF7F, v0  }
0x10b: {  	v57 =	vsel vm6, $0xFF7FFF7F, v0;
	v58 =	vsel vm5, $0xFF7FFF7F, v0;
	v55 =	vsub.bf16 v39, v41  }
0x10c: {  	v12 =	vmin.bf16 v62, v10;
	v8 =	vmin.bf16 v8, v6;
	v56 =	vsub.bf16 v42, v43  }
0x10d: {  	v62 =	vmin.bf16 v52, v51;
	v1 =	vsub.bf16 v1, v44;
	v3 =	vsub.bf16 v3, v60  }
0x10e: {  	v19 =	vmin.bf16 v49, v48;
	v2 =	vsub.bf16 v45, v2;
	v59 =	vsub.bf16 v61, v63  }
0x10f: {  	v60 =	vmin.bf16 v46, v14;
	v61 =	vmin.bf16 v55, v54;
	v3 =	vmin.bf16 v3, v58  }
0x110: {  	v7 =	vmin.bf16 v59, v58;
	v1 =	vmin.bf16 v1, v57;
	v3 =	vmax.bf16 v4, v3  }
0x111: {  	v2 =	vmin.bf16 v2, v57;
	v63 =	vmax.bf16 v5, v7;
	v1 =	vmax.bf16 v3, v1  }
0x112: {  	v2 =	vmax.bf16 v63, v2;
	v3 =	vmin.bf16 v56, v54;
	v1 =	vmax.bf16 v1, v61  }
0x113: {  	s10 =	sadd.s32 $0x1, s10;
	v2 =	vmax.bf16 v2, v3;
	v3 =	vmin.bf16 v53, v51;
	v1 =	vmax.bf16 v1, v62  }
0x114: {  	p2 =	sne.s32 s10, $0x19;
	v2 =	vmax.bf16 v2, v3;
	v3 =	vmin.bf16 v50, v48;
	v1 =	vmax.bf16 v1, v19  }
.Ltmp10:
0x115: {  	v2 =	vmax.bf16 v2, v3;
	v3 =	vmin.bf16 v47, v14;
	v1 =	vmax.bf16 v1, v60;
	(pc) =	sbr.rel @p2 .LBB2_13-.Ltmp10, $4  }
0x116: {  	v2 =	vmax.bf16 v2, v3;
	v3 =	vmin.bf16 v13, v10;
	v1 =	vmax.bf16 v1, v12  }
0x117: {  	v2 =	vmax.bf16 v2, v3;
	v3 =	vmin.bf16 v9, v6;
	v1 =	vmax.bf16 v1, v8  }
0x118: {  	v2 =	vmax.bf16 v2, v3;
	[tilespmem:s12+$0x11620] =	vst v1  }
0x119: {  	s11 =	sadd.s32 $0x10, s11;
	[tilespmem:s12+$0x117B0] =	vst v2  }
.Ltmp11:
0x11a: {  	(pc) =	sbr.rel @p1 .LBB2_22-.Ltmp11, $4  }
0x11b: {  	s10 =	sadd.s32 s3, s9  }
0x11c: {  	s10 =	sshrl.u32 s10, $0x3  }
0x11d: {  	s10 =	sadd.s32 s5, s10  }
0x11e: {  	[hbm4b:s10+s18] =	stream.strided.scatter [tilespmem:s28], [sflag:$0x3], $0x320, s19, s18, $0x38;
	[tilespmem:$0x13BA0] =	vst v63  }
0x11f: {  	s9 =	sshrl.u32 s9, $0x3  }
0x120: {  	s9 =	sadd.s32 s4, s9  }
0x121: {  	s10 =	sadd.s32 $0x64, s9  }
0x122: {  	[tilespmem:s20], [sflag:$0x1] =	stream.strided.gather [hbm4b:s10+s18], $0x3200, s19, s18, $0x38;
	[tilespmem:$0x13BA0] =	vst v63  }
0x123: {  	s9 =	sadd.s32 $0x9CA4, s9  }
0x124: {  	[tilespmem:s21], [sflag:$0x1] =	stream.strided.gather [hbm4b:s9+s18], $0x3200, s19, s18, $0x38;
	[tilespmem:$0x13BA0] =	vst v63  }
0x125: {  	_ =	swait.ge [sflag:s29], $0x3200  }
0x126: {  	[sflag:s29] =	ssyncset.done $0x0  }
0x127: {  	[sflag:s29] =	ssyncadd.s32 $0xFFFFCE00  }
0x128: {  	_ =	swait.ge [sflag:s29], $0x3200  }
0x129: {  	[sflag:s29] =	ssyncset.done $0x0  }
0x12a: {  	s9 =	simm.s32 @!p0 $0x4;
	[sflag:s29] =	ssyncadd.s32 $0xFFFFCE00  }
0x12b: {  	_ =	swait.ge @!p0 [sflag:s9], $0x320  }
0x12c: {  	s8 =	smul.u32 $0x190, s8;
	[sflag:s9] =	ssyncset.done @!p0 $0x0  }
0x12d: {  	s10 =	simm.s32 $0x4E20;
	[sflag:s9] =	ssyncadd.s32 @!p0 $0xFFFFFCE0;
	s9 =	simm.s32 $0x0  }
.LBB2_18:
0x12e: {  	v1 =	vmov s10;
	_ =	sdelay $0x3  }
0x12f: {  	s11 =	simm.s32 $0x0  }
0x130: {  	v2 =	vld.idx.msk [tilespmem:v1+s11+$0x6EF0 ss:$0x1], $0xffff  }
0x131: {  	v3 =	vld.idx.msk [tilespmem:v1+s11+$0xA0F0 ss:$0x1], $0xffff  }
0x132: {  	v6 =	vld.idx.msk [tilespmem:v1+s11+$0x6D60 ss:$0x1], $0xffff  }
0x133: {  	v8 =	vld.idx.msk [tilespmem:v1+s11+$0x9F60 ss:$0x1], $0xffff  }
0x134: {  	v7 =	vld.idx.msk [tilespmem:v1+s11+$0x6BD0 ss:$0x1], $0xffff  }
0x135: {  	v9 =	vld.idx.msk [tilespmem:v1+s11+$0x9DD0 ss:$0x1], $0xffff  }
0x136: {  	v10 =	vld.idx.msk [tilespmem:v1+s11+$0x6A40 ss:$0x1], $0xffff  }
0x137: {  	v11 =	vld.idx.msk [tilespmem:v1+s11+$0x9C40 ss:$0x1], $0xffff  }
0x138: {  	v13 =	vld.idx.msk [tilespmem:v1+s11+$0x68B0 ss:$0x1], $0xffff  }
0x139: {  	v15 =	vld.idx.msk [tilespmem:v1+s11+$0x9AB0 ss:$0x1], $0xffff  }
0x13a: {  	v12 =	vld.idx.msk [tilespmem:v1+s11+$0x6720 ss:$0x1], $0xffff  }
0x13b: {  	v14 =	vld.idx.msk [tilespmem:v1+s11+$0x9920 ss:$0x1], $0xffff  }
0x13c: {  	v17 =	vld.idx.msk [tilespmem:v1+s11+$0x6590 ss:$0x1], $0xffff  }
0x13d: {  	v19 =	vld.idx.msk [tilespmem:v1+s11+$0x9790 ss:$0x1], $0xffff  }
0x13e: {  	v18 =	vld.idx.msk [tilespmem:v1+s11+$0x6400 ss:$0x1], $0xffff  }
0x13f: {  	v16 =	vld.idx.msk [tilespmem:v1+s11+$0x9600 ss:$0x1], $0xffff  }
0x140: {  	v20 =	vld.idx.msk [tilespmem:v2+s2+$0x0], $0xffff  }
0x141: {  	v22 =	vld.idx.msk [tilespmem:v3+s2+$0x0], $0xffff  }
0x142: {  	v23 =	vld.idx.msk [tilespmem:v2+s19+$0x0], $0xffff  }
0x143: {  	v27 =	vld.idx.msk [tilespmem:v3+s19+$0x0], $0xffff  }
0x144: {  	v21 =	vld.idx.msk [tilespmem:v6+s2+$0x0], $0xffff  }
0x145: {  	v24 =	vld.idx.msk [tilespmem:v8+s2+$0x0], $0xffff  }
0x146: {  	v26 =	vld.idx.msk [tilespmem:v6+s19+$0x0], $0xffff  }
0x147: {  	v29 =	vld.idx.msk [tilespmem:v8+s19+$0x0], $0xffff  }
0x148: {  	v25 =	vld.idx.msk [tilespmem:v7+s2+$0x0], $0xffff  }
0x149: {  	v28 =	vld.idx.msk [tilespmem:v9+s2+$0x0], $0xffff  }
0x14a: {  	v30 =	vld.idx.msk [tilespmem:v7+s19+$0x0], $0xffff  }
0x14b: {  	v32 =	vld.idx.msk [tilespmem:v9+s19+$0x0], $0xffff  }
0x14c: {  	v31 =	vld.idx.msk [tilespmem:v10+s2+$0x0], $0xffff  }
0x14d: {  	v33 =	vld.idx.msk [tilespmem:v11+s2+$0x0], $0xffff  }
0x14e: {  	v34 =	vld.idx.msk [tilespmem:v10+s19+$0x0], $0xffff  }
0x14f: {  	v36 =	vld.idx.msk [tilespmem:v11+s19+$0x0], $0xffff  }
0x150: {  	v35 =	vld.idx.msk [tilespmem:v13+s2+$0x0], $0xffff  }
0x151: {  	v37 =	vld.idx.msk [tilespmem:v15+s2+$0x0], $0xffff  }
0x152: {  	v38 =	vld.idx.msk [tilespmem:v13+s19+$0x0], $0xffff  }
0x153: {  	v40 =	vld.idx.msk [tilespmem:v15+s19+$0x0], $0xffff  }
0x154: {  	v39 =	vld.idx.msk [tilespmem:v12+s2+$0x0], $0xffff  }
0x155: {  	v41 =	vld.idx.msk [tilespmem:v14+s2+$0x0], $0xffff  }
0x156: {  	v42 =	vld.idx.msk [tilespmem:v12+s19+$0x0], $0xffff  }
0x157: {  	v4 =	vimm.bf16 $-3.3900e+38;
	s12 =	simm.s32 $0x3200;
	v5 =	vimm.bf16 $-3.3900e+38;
	s11 =	sshll.u32 s9, $0x4;
	v43 =	vld.idx.msk [tilespmem:v14+s19+$0x0], $0xffff  }
.LBB2_19:
0x158: {  	p0 =	sne.s32 s12, $0x9600;
	v44 =	vld.idx.msk [tilespmem:v17+s2+$0x0], $0xffff  }
0x159: {  	v45 =	vld.idx.msk [tilespmem:v19+s2+$0x0], $0xffff  }
0x15a: {  	v46 =	vld.idx.msk [tilespmem:v17+s19+$0x0], $0xffff  }
0x15b: {  	vm2 =	veq.s32 v6, v8;
	vm3 =	veq.s32 v2, v3;
	v47 =	vld.idx.msk [tilespmem:v19+s19+$0x0], $0xffff  }
0x15c: {  	vm4 =	veq.s32 v13, v15;
	vm5 =	veq.s32 v10, v11;
	vm6 =	veq.s32 v7, v9;
	v48 =	vld.idx.msk [tilespmem:v18+s2+$0x0], $0xffff  }
0x15d: {  	vm0 =	veq.s32 v18, v16;
	vm1 =	veq.s32 v17, v19;
	vm7 =	veq.s32 v12, v14;
	v10 =	vld.idx.msk [tilespmem:v16+s2+$0x0], $0xffff  }
0x15e: {  	v12 =	vsub.bf16 v20, v22;
	v20 =	vsub.bf16 v23, v27;
	v49 =	vsel vm3, $0xFF7FFF7F, v0;
	v11 =	vld.idx.msk [tilespmem:v18+s19+$0x0], $0xffff  }
0x15f: {  	s13 =	sshra.s32 s12, $0x2;
	v14 =	vsub.bf16 v21, v24;
	v21 =	vsub.bf16 v26, v29;
	v13 =	vld.idx.msk [tilespmem:v16+s19+$0x0], $0xffff;
	v16 =	vsel vm2, $0xFF7FFF7F, v0  }
0x160: {  	v15 =	vsub.bf16 v25, v28;
	v22 =	vsub.bf16 v30, v32;
	v18 =	vsel vm6, $0xFF7FFF7F, v0;
	v2 =	vld.idx.msk [tilespmem:v1+s13+$0x6EF0 ss:$0x1], $0xffff  }
0x161: {  	v23 =	vsub.bf16 v34, v36;
	v17 =	vsub.bf16 v31, v33;
	v19 =	vsel vm5, $0xFF7FFF7F, v0;
	v3 =	vld.idx.msk [tilespmem:v1+s13+$0xA0F0 ss:$0x1], $0xffff  }
0x162: {  	v25 =	vsub.bf16 v35, v37;
	v26 =	vsub.bf16 v38, v40;
	v24 =	vsel vm4, $0xFF7FFF7F, v0;
	v6 =	vld.idx.msk [tilespmem:v1+s13+$0x6D60 ss:$0x1], $0xffff  }
0x163: {  	v27 =	vsel vm7, $0xFF7FFF7F, v0;
	v28 =	vsub.bf16 v39, v41;
	v29 =	vsub.bf16 v42, v43;
	v8 =	vld.idx.msk [tilespmem:v1+s13+$0x9F60 ss:$0x1], $0xffff  }
0x164: {  	v30 =	vsel vm1, $0xFF7FFF7F, v0;
	v31 =	vsub.bf16 v44, v45;
	v32 =	vsub.bf16 v46, v47;
	v7 =	vld.idx.msk [tilespmem:v1+s13+$0x6BD0 ss:$0x1], $0xffff  }
0x165: {  	v33 =	vsel vm0, $0xFF7FFF7F, v0;
	v34 =	vsub.bf16 v48, v10;
	v35 =	vsub.bf16 v11, v13;
	v9 =	vld.idx.msk [tilespmem:v1+s13+$0x9DD0 ss:$0x1], $0xffff  }
0x166: {  	v38 =	vmin.bf16 v12, v49;
	v36 =	vmin.bf16 v15, v18;
	v37 =	vmin.bf16 v14, v16;
	v10 =	vld.idx.msk [tilespmem:v1+s13+$0x6A40 ss:$0x1], $0xffff  }
0x167: {  	v25 =	vmin.bf16 v25, v24;
	v28 =	vmin.bf16 v28, v27;
	v39 =	vmin.bf16 v17, v19;
	v11 =	vld.idx.msk [tilespmem:v1+s13+$0x9C40 ss:$0x1], $0xffff  }
0x168: {  	v17 =	vmin.bf16 v31, v30;
	v12 =	vmin.bf16 v34, v33;
	v14 =	vmin.bf16 v35, v33;
	v13 =	vld.idx.msk [tilespmem:v1+s13+$0x68B0 ss:$0x1], $0xffff  }
0x169: {  	v4 =	vmax.bf16 v4, v12;
	v5 =	vmax.bf16 v5, v14;
	v14 =	vmin.bf16 v32, v30;
	v15 =	vld.idx.msk [tilespmem:v1+s13+$0x9AB0 ss:$0x1], $0xffff  }
0x16a: {  	v4 =	vmax.bf16 v4, v17;
	v17 =	vmin.bf16 v29, v27;
	v5 =	vmax.bf16 v5, v14;
	v12 =	vld.idx.msk [tilespmem:v1+s13+$0x6720 ss:$0x1], $0xffff  }
0x16b: {  	v24 =	vmin.bf16 v26, v24;
	v4 =	vmax.bf16 v4, v28;
	v5 =	vmax.bf16 v5, v17;
	v14 =	vld.idx.msk [tilespmem:v1+s13+$0x9920 ss:$0x1], $0xffff  }
0x16c: {  	v23 =	vmin.bf16 v23, v19;
	v4 =	vmax.bf16 v4, v25;
	v5 =	vmax.bf16 v5, v24;
	v17 =	vld.idx.msk [tilespmem:v1+s13+$0x6590 ss:$0x1], $0xffff  }
0x16d: {  	v22 =	vmin.bf16 v22, v18;
	v4 =	vmax.bf16 v4, v39;
	v5 =	vmax.bf16 v5, v23;
	v19 =	vld.idx.msk [tilespmem:v1+s13+$0x9790 ss:$0x1], $0xffff  }
0x16e: {  	v21 =	vmin.bf16 v21, v16;
	v4 =	vmax.bf16 v4, v36;
	v5 =	vmax.bf16 v5, v22;
	v18 =	vld.idx.msk [tilespmem:v1+s13+$0x6400 ss:$0x1], $0xffff  }
0x16f: {  	v4 =	vmax.bf16 v4, v37;
	v5 =	vmax.bf16 v5, v21;
	v21 =	vmin.bf16 v20, v49;
	v16 =	vld.idx.msk [tilespmem:v1+s13+$0x9600 ss:$0x1], $0xffff  }
0x170: {  	v4 =	vmax.bf16 v4, v38;
	v5 =	vmax.bf16 v5, v21;
	v20 =	vld.idx.msk [tilespmem:v2+s2+$0x0], $0xffff  }
0x171: {  	v22 =	vld.idx.msk [tilespmem:v3+s2+$0x0], $0xffff  }
0x172: {  	v23 =	vld.idx.msk [tilespmem:v2+s19+$0x0], $0xffff  }
0x173: {  	v27 =	vld.idx.msk [tilespmem:v3+s19+$0x0], $0xffff  }
0x174: {  	v21 =	vld.idx.msk [tilespmem:v6+s2+$0x0], $0xffff  }
0x175: {  	v24 =	vld.idx.msk [tilespmem:v8+s2+$0x0], $0xffff  }
0x176: {  	v26 =	vld.idx.msk [tilespmem:v6+s19+$0x0], $0xffff  }
0x177: {  	v29 =	vld.idx.msk [tilespmem:v8+s19+$0x0], $0xffff  }
0x178: {  	v25 =	vld.idx.msk [tilespmem:v7+s2+$0x0], $0xffff  }
0x179: {  	v28 =	vld.idx.msk [tilespmem:v9+s2+$0x0], $0xffff  }
0x17a: {  	v30 =	vld.idx.msk [tilespmem:v7+s19+$0x0], $0xffff  }
0x17b: {  	v32 =	vld.idx.msk [tilespmem:v9+s19+$0x0], $0xffff  }
0x17c: {  	v31 =	vld.idx.msk [tilespmem:v10+s2+$0x0], $0xffff  }
0x17d: {  	v33 =	vld.idx.msk [tilespmem:v11+s2+$0x0], $0xffff  }
0x17e: {  	v34 =	vld.idx.msk [tilespmem:v10+s19+$0x0], $0xffff  }
0x17f: {  	v36 =	vld.idx.msk [tilespmem:v11+s19+$0x0], $0xffff  }
0x180: {  	v35 =	vld.idx.msk [tilespmem:v13+s2+$0x0], $0xffff  }
0x181: {  	v37 =	vld.idx.msk [tilespmem:v15+s2+$0x0], $0xffff  }
0x182: {  	v38 =	vld.idx.msk [tilespmem:v13+s19+$0x0], $0xffff  }
.Ltmp12:
0x183: {  	v40 =	vld.idx.msk [tilespmem:v15+s19+$0x0], $0xffff;
	(pc) =	sbr.rel @p0 .LBB2_19-.Ltmp12, $4  }
0x184: {  	v39 =	vld.idx.msk [tilespmem:v12+s2+$0x0], $0xffff  }
0x185: {  	v41 =	vld.idx.msk [tilespmem:v14+s2+$0x0], $0xffff  }
0x186: {  	v42 =	vld.idx.msk [tilespmem:v12+s19+$0x0], $0xffff  }
0x187: {  	s12 =	sadd.s32 $0x3200, s12;
	v43 =	vld.idx.msk [tilespmem:v14+s19+$0x0], $0xffff  }
0x188: {  	_ =	sdelay $0x3  }
0x189: {  	v1 =	vld.idx.msk [tilespmem:v17+s2+$0x0], $0xffff  }
0x18a: {  	v44 =	vld.idx.msk [tilespmem:v19+s2+$0x0], $0xffff;
	vm0 =	veq.s32 v6, v8;
	vm1 =	veq.s32 v2, v3;
	vm2 =	veq.s32 v13, v15  }
0x18b: {  	v45 =	vld.idx.msk [tilespmem:v17+s19+$0x0], $0xffff;
	vm4 =	veq.s32 v7, v9;
	v8 =	vsub.bf16 v20, v22;
	v9 =	vsub.bf16 v23, v27  }
0x18c: {  	v2 =	vld.idx.msk [tilespmem:v19+s19+$0x0], $0xffff;
	vm3 =	veq.s32 v10, v11;
	v62 =	vsub.bf16 v21, v24;
	v13 =	vsub.bf16 v26, v29  }
0x18d: {  	vm5 =	veq.s32 v18, v16;
	v3 =	vld.idx.msk [tilespmem:v18+s2+$0x0], $0xffff;
	v46 =	vsub.bf16 v25, v28;
	v47 =	vsub.bf16 v30, v32  }
0x18e: {  	vm6 =	veq.s32 v17, v19;
	v60 =	vld.idx.msk [tilespmem:v16+s2+$0x0], $0xffff;
	v49 =	vsub.bf16 v31, v33;
	v50 =	vsub.bf16 v34, v36  }
0x18f: {  	vm7 =	veq.s32 v12, v14;
	v61 =	vld.idx.msk [tilespmem:v18+s19+$0x0], $0xffff;
	v52 =	vsub.bf16 v35, v37;
	v53 =	vsub.bf16 v38, v40  }
0x190: {  	v63 =	vld.idx.msk [tilespmem:v16+s19+$0x0], $0xffff;
	v6 =	vsel vm1, $0xFF7FFF7F, v0;
	v10 =	vsel vm0, $0xFF7FFF7F, v0;
	v14 =	vsel vm4, $0xFF7FFF7F, v0  }
0x191: {  	v48 =	vsel vm3, $0xFF7FFF7F, v0;
	v51 =	vsel vm2, $0xFF7FFF7F, v0;
	v54 =	vsel vm7, $0xFF7FFF7F, v0  }
0x192: {  	v57 =	vsel vm6, $0xFF7FFF7F, v0;
	v58 =	vsel vm5, $0xFF7FFF7F, v0;
	v55 =	vsub.bf16 v39, v41  }
0x193: {  	v12 =	vmin.bf16 v62, v10;
	v8 =	vmin.bf16 v8, v6;
	v56 =	vsub.bf16 v42, v43  }
0x194: {  	v62 =	vmin.bf16 v52, v51;
	v1 =	vsub.bf16 v1, v44;
	v3 =	vsub.bf16 v3, v60  }
0x195: {  	v19 =	vmin.bf16 v49, v48;
	v2 =	vsub.bf16 v45, v2;
	v59 =	vsub.bf16 v61, v63  }
0x196: {  	v60 =	vmin.bf16 v46, v14;
	v61 =	vmin.bf16 v55, v54;
	v3 =	vmin.bf16 v3, v58  }
0x197: {  	v7 =	vmin.bf16 v59, v58;
	v1 =	vmin.bf16 v1, v57;
	v3 =	vmax.bf16 v4, v3  }
0x198: {  	v2 =	vmin.bf16 v2, v57;
	v63 =	vmax.bf16 v5, v7;
	v1 =	vmax.bf16 v3, v1  }
0x199: {  	v2 =	vmax.bf16 v63, v2;
	v3 =	vmin.bf16 v56, v54;
	v1 =	vmax.bf16 v1, v61  }
0x19a: {  	s9 =	sadd.s32 $0x1, s9;
	v2 =	vmax.bf16 v2, v3;
	v3 =	vmin.bf16 v53, v51;
	v1 =	vmax.bf16 v1, v62  }
0x19b: {  	p0 =	sne.s32 s9, $0x19;
	v2 =	vmax.bf16 v2, v3;
	v3 =	vmin.bf16 v50, v48;
	v1 =	vmax.bf16 v1, v19  }
.Ltmp13:
0x19c: {  	v2 =	vmax.bf16 v2, v3;
	v3 =	vmin.bf16 v47, v14;
	v1 =	vmax.bf16 v1, v60;
	(pc) =	sbr.rel @p0 .LBB2_18-.Ltmp13, $4  }
0x19d: {  	v2 =	vmax.bf16 v2, v3;
	v3 =	vmin.bf16 v13, v10;
	v1 =	vmax.bf16 v1, v12  }
0x19e: {  	v2 =	vmax.bf16 v2, v3;
	v3 =	vmin.bf16 v9, v6;
	v1 =	vmax.bf16 v1, v8  }
0x19f: {  	v2 =	vmax.bf16 v2, v3;
	[tilespmem:s11+$0x11940] =	vst v1  }
0x1a0: {  	s10 =	sadd.s32 $0x10, s10;
	[tilespmem:s11+$0x11AD0] =	vst v2  }
.Ltmp14:
0x1a1: {  	(pc) =	sbr.rel .LBB2_22-.Ltmp14, $4  }
0x1a2: {  	s8 =	sadd.s32 s3, s8  }
0x1a3: {  	s8 =	sshrl.u32 s8, $0x3  }
0x1a4: {  	s8 =	sadd.s32 s5, s8  }
0x1a5: {  	[hbm4b:s8+s18] =	stream.strided.scatter [tilespmem:s30], [sflag:$0x4], $0x320, s19, s18, $0x38;
	[tilespmem:$0x13BA0] =	vst v63  }
.LBB2_24:
0x1a6: {  	_ =	sfence.sel $0x180000  }
0x1a7: {  	[bflag:$0x0] =	sbarrier.arrive $0xFFFF  }
0x1a8: {  	_ =	strace $0x90000047  }
0x1a9: {  	s0 =	stileid.u32;
	[bflag:$0x2] =	sbarrier.arrive $0xFFFF  }
0x1aa: {  	p0 =	sne.s32 s0, $0x0;
	s0 =	rddreg [dreg:$0x2]  }
0x1ab: {  	s0 =	sadd.s32 @!p0 $0x100000, s0  }
0x1ac: {  	[sflag:s0] =	ssyncadd.tile.s32 @!p0 $0x1;
	_ =	shalt  }
.Lfunc_end2:
_tile_overlayer_lowered:
.L_overlay_start_2:
0x1ad: {  	(tag) =	ssettag $0x2  }
0x1ae: {  	s0 =	rddreg [dreg:$0x0];
	s2 =	stileid.u32  }
0x1af: {  	s1 =	rddreg [dreg:$0x1];
	p0 =	sne.s32 s2, $0x0  }
0x1b0: {  	s3 =	rddreg [dreg:$0x2];
	[bflag:$0x3] =	sbarrier.arrive $0xFFFF;
	s2 =	simm.s32 @!p0 $0x1C05  }
0x1b1: {  	[timem:s3], [sflag:s2] =	dma.local @!p0 [hbm:s0], s1  }
0x1b2: {  	s0 =	simm.s32 @!p0 $0x5  }
0x1b3: {  	_ =	swait.ge @!p0 [sflag:s0], s1  }
0x1b4: {  	s1 =	ssub.s32 @!p0 $0x0, s1;
	[sflag:s0] =	ssyncset.done @!p0 $0x0  }
0x1b5: {  	[sflag:s0] =	ssyncadd.s32 @!p0 s1  }
0x1b6: {  	[bflag:$0x3] =	sbarrier.arrive $0xFFFF  }
0x1b7: {  	_ =	shalt  }

</sc_bundles>
